<compile_context>
chip_gen: v7x
topology: tpu7x:2x2x1
jax: 0.10.2.dev20260603
libtpu: 0.0.44.dev20260713+nightly
codegen_flags: <defaults>
</compile_context>

<pallas_src>
import functools

import jax
import jax.numpy as jnp
from jax import lax
from jax.experimental import pallas as pl
from jax.experimental.pallas import tpu as pltpu
from jax.experimental.pallas import tpu_sc as plsc

_CH = 512
_WAVE = 32


def _sc_gather_scan(tableT, ids):
    D, V = tableT.shape
    B = ids.shape[0]
    info = plsc.get_sparse_core_info()
    NC, NS = info.num_cores, info.num_subcores
    NW = NC * NS
    n_full = V // _CH
    tail = V - n_full * _CH
    K = (n_full + NW - 1) // NW
    tail_owner = n_full % NW
    nvec = B // 16
    mesh = plsc.VectorSubcoreMesh(core_axis_name="c", subcore_axis_name="s")

    @functools.partial(
        pl.kernel,
        mesh=mesh,
        out_type=jax.ShapeDtypeStruct((B, D), jnp.float32),
        scratch_types=[
            pltpu.VMEM((B,), jnp.int32),
            pltpu.VMEM((B,), jnp.int32),
            pltpu.VMEM((B,), jnp.int32),
            pltpu.VMEM((D, _CH), jnp.float32),
            pltpu.VMEM((D, _CH), jnp.float32),
            pltpu.VMEM((_WAVE + 16,), jnp.int32),
            pltpu.VMEM((_WAVE + 16,), jnp.int32),
            pltpu.VMEM((_WAVE, D), jnp.float32),
            pltpu.VMEM((D, 128), jnp.float32),
            pltpu.SemaphoreType.DMA,
            pltpu.SemaphoreType.DMA,
            pltpu.SemaphoreType.DMA,
        ],
        compiler_params=pltpu.CompilerParams(needs_layout_passes=False),
    )
    def gather_kernel(tab_hbm, tail_hbm, ids_hbm, out_hbm, ids_v, lid_v,
                      lpos_v, slab_a, slab_b, wl_id, wl_pos, wrows,
                      tail_v, sem_a, sem_b, sem_o):
        wid = lax.axis_index("s") * NC + lax.axis_index("c")
        lanes = lax.iota(jnp.int32, 16)

        @pl.when(wid < n_full)
        def _():
            pltpu.async_copy(
                tab_hbm.at[:, pl.ds(wid * _CH, _CH)], slab_a, sem_a
            )

        pltpu.sync_copy(ids_hbm, ids_v)

        def filt(g, off):
            idv = ids_v[pl.ds(g * 16, 16)]
            posv = g * 16 + lanes
            chv = lax.shift_right_logical(idv, 9)
            m = (chv & (NW - 1)) == wid
            cnt = plsc.all_reduce_population_count(m)[0]
            plsc.store_compressed(lid_v.at[pl.ds(off, 16)], idv, mask=m)
            plsc.store_compressed(lpos_v.at[pl.ds(off, 16)], posv, mask=m)
            return off + cnt

        n_loc = lax.fori_loop(0, nvec, filt, 0, unroll=2)
        n_lvec = (n_loc + 15) // 16

        def drain_rows(n):
            def drain(j, _):
                pltpu.make_async_copy(
                    out_hbm.at[pl.ds(0, 1)], wrows.at[pl.ds(0, 1)], sem_o
                ).wait()
                return 0

            lax.fori_loop(0, n, drain, 0)

        def process_wave(n, cbase, slab):
            def one(j, _):
                j16 = jnp.full((16,), 0, jnp.int32) + j
                id16 = plsc.load_gather(wl_id, [j16])
                pos16 = plsc.load_gather(wl_pos, [j16])
                p16 = id16 - cbase
                for k in range(D // 16):
                    col = plsc.load_gather(slab, [k * 16 + lanes, p16])
                    wrows[j, pl.ds(k * 16, 16)] = col
                pltpu.async_copy(
                    wrows.at[pl.ds(j, 1)],
                    out_hbm.at[pl.ds(pos16[0], 1)],
                    sem_o,
                )
                return 0

            lax.fori_loop(0, n, one, 0)

        def scan_chunk(c, slab):
            cbase = c * _CH

            def body(gv, wcnt):
                idv = lid_v[pl.ds(gv * 16, 16)]
                posv = lpos_v[pl.ds(gv * 16, 16)]
                inb = (gv * 16 + lanes) < n_loc
                m = (lax.shift_right_logical(idv, 9) == c) & inb
                cnt = plsc.all_reduce_population_count(m)[0]
                plsc.store_compressed(wl_id.at[pl.ds(wcnt, 16)], idv, mask=m)
                plsc.store_compressed(wl_pos.at[pl.ds(wcnt, 16)], posv, mask=m)
                wcnt2 = wcnt + cnt

                def flush(n):
                    process_wave(n, cbase, slab)
                    drain_rows(n)
                    return 0

                return lax.cond(wcnt2 > _WAVE - 16, flush, lambda n: n, wcnt2)

            wrem = lax.fori_loop(0, n_lvec, body, 0)

            @pl.when(wrem > 0)
            def _():
                process_wave(wrem, cbase, slab)

            return wrem

        def issue(c, slab, sem):
            h = D // 2
            pltpu.async_copy(
                tab_hbm.at[pl.ds(0, h), pl.ds(c * _CH, _CH)],
                slab.at[pl.ds(0, h)],
                sem,
            )
            pltpu.async_copy(
                tab_hbm.at[pl.ds(h, h), pl.ds(c * _CH, _CH)],
                slab.at[pl.ds(h, h)],
                sem,
            )

        def wait_slab(slab, sem):
            pltpu.make_async_copy(
                tab_hbm.at[:, pl.ds(0, _CH)], slab, sem
            ).wait()

        def step(k, pending):
            c = wid + k * NW
            nxt = c + NW

            def run(slab, sem, oslab, osem):
                @pl.when(nxt < n_full)
                def _():
                    issue(nxt, oslab, osem)

                def go(p):
                    wait_slab(slab, sem)
                    drain_rows(p)
                    return scan_chunk(c, slab)

                return lax.cond(c < n_full, go, lambda p: p, pending)

            def even(p):
                return run(slab_a, sem_a, slab_b, sem_b)

            def odd(p):
                return run(slab_b, sem_b, slab_a, sem_a)

            return lax.cond(k % 2 == 0, even, odd, pending)

        pending = lax.fori_loop(0, K, step, 0)

        if tail:
            def tail_go(p):
                pltpu.sync_copy(tail_hbm, tail_v)
                drain_rows(p)
                return scan_chunk(n_full, tail_v)

            pending = lax.cond(wid == tail_owner, tail_go, lambda p: p, pending)

        drain_rows(pending)

    tail_cols = jnp.zeros((D, 128), tableT.dtype)
    tail_cols = tail_cols.at[:, :tail].set(tableT[:, n_full * _CH:])
    return gather_kernel(tableT, tail_cols, ids)


def _tc_combine_t(uf, contentT, w1, w2, bcol):
    B, D = uf.shape
    bB = 2048

    def body(uf_ref, c_ref, w1_ref, w2_ref, b_ref, o_ref):
        acc = lax.dot_general(
            w1_ref[...], uf_ref[...],
            (((1,), (1,)), ((), ())),
            preferred_element_type=jnp.float32,
        )
        acc += jnp.dot(
            w2_ref[...], c_ref[1:, :], preferred_element_type=jnp.float32
        )
        o_ref[...] = acc + b_ref[...]

    return pl.pallas_call(
        body,
        grid=(B // bB,),
        in_specs=[
            pl.BlockSpec((bB, D), lambda i: (i, 0)),
            pl.BlockSpec((D + 1, bB), lambda i: (0, i)),
            pl.BlockSpec((D, D), lambda i: (0, 0)),
            pl.BlockSpec((D, D), lambda i: (0, 0)),
            pl.BlockSpec((D, 1), lambda i: (0, 0)),
        ],
        out_specs=pl.BlockSpec((D, bB), lambda i: (0, i)),
        out_shape=jax.ShapeDtypeStruct((D, B), jnp.float32),
        compiler_params=pltpu.CompilerParams(
            dimension_semantics=("arbitrary",),
        ),
    )(uf, contentT, w1, w2, bcol)


@jax.jit
def kernel(content, table, W, b):
    D = table.shape[1]
    ids = content[:, 0].astype(jnp.int32)
    uf = _sc_gather_scan(table.T, ids)
    w1 = W[:, :D]
    w2 = W[:, D:]
    outT = _tc_combine_t(uf, content.T, w1, w2, b.reshape(D, 1))
    return outT.T

# --- scband reference (transcript-rebuilt; emitter-appended) ---
"""Pipeline reference for scband-user-combined-features-4930622455861 (READ-ONLY COPY).

The authoritative reference and input builder live on the scoring server;
editing this copy changes nothing except your own understanding.
"""

import jax, jax.numpy as jnp
import numpy as np

B = 16384
VOCAB = 1000000
DIM = 64
INITRANGE = 1.0 / 11.3


def setup_inputs(seed: int = 0) -> dict:
    key = jax.random.key(seed)
    k_content, k_table, k_w = jax.random.split(key, 3)
    # content: col 0 = user_id (stored as float), cols 1..64 = title_vec
    content = jax.random.randint(k_content, (B, 1 + DIM), 0, VOCAB).astype(jnp.float32)
    # learned params (match torch init_weights)
    table = jax.random.uniform(k_table, (VOCAB, DIM), dtype=jnp.float32, minval=-INITRANGE, maxval=INITRANGE)
    k_w1, k_w2 = jax.random.split(k_w)
    W = jax.random.uniform(k_w1, (DIM, 2 * DIM), dtype=jnp.float32, minval=-INITRANGE, maxval=INITRANGE)
    b = jnp.zeros((DIM,), dtype=jnp.float32)
    return {"content": content, "table": table, "W": W, "b": b}


def reference(content, table, W, b):
    user_id = content[:, 0].astype(jnp.int64)
    title_vec = content[:, 1:].astype(jnp.float32)
    user_feature = jnp.take(table, user_id, axis=0)
    combined = jnp.concatenate([user_feature, title_vec], axis=1)
    result = combined @ W.T + b
    return result

if __name__ == "__main__":
    import jax
    _d = setup_inputs()
    print(jax.jit(kernel)(*tuple(_d.values())))

</pallas_src>

<mosaic_0001>
#map = affine_map<(d0, d1) -> (0, 0)>
#map1 = affine_map<(d0, d1) -> (0)>
module attributes {stable_mosaic.version = 14 : i64} {
  func.func @gather_kernel(%arg0: i32, %arg1: i32, %arg2: memref<64x1000000xf32, #tpu.memory_space<hbm>>, %arg3: memref<64x128xf32, #tpu.memory_space<hbm>>, %arg4: memref<16384xi32, #tpu.memory_space<hbm>>, %arg5: memref<16384x64xf32, #tpu.memory_space<hbm>>, %arg6: memref<16384xi32, #tpu.memory_space<vmem>>, %arg7: memref<16384xi32, #tpu.memory_space<vmem>>, %arg8: memref<16384xi32, #tpu.memory_space<vmem>>, %arg9: memref<64x512xf32, #tpu.memory_space<vmem>>, %arg10: memref<64x512xf32, #tpu.memory_space<vmem>>, %arg11: memref<48xi32, #tpu.memory_space<vmem>>, %arg12: memref<48xi32, #tpu.memory_space<vmem>>, %arg13: memref<32x64xf32, #tpu.memory_space<vmem>>, %arg14: memref<64x128xf32, #tpu.memory_space<vmem>>, %arg15: memref<!tpu.dma_semaphore, #tpu.memory_space<semaphore_mem>>, %arg16: memref<!tpu.dma_semaphore, #tpu.memory_space<semaphore_mem>>, %arg17: memref<!tpu.dma_semaphore, #tpu.memory_space<semaphore_mem>>) attributes {dimension_semantics = [#tpu.dimension_semantics<core_parallel>, #tpu.dimension_semantics<subcore_parallel>], iteration_bounds = array<i64: 2, 16>, scalar_prefetch = 0 : i64, scratch_operands = 12 : i64, tpu.core_type = #tpu.core_type<sc_vector_subcore>, window_params = [{transform_indices = #map}, {transform_indices = #map}, {transform_indices = #map1}, {transform_indices = #map}]} {
    %mul3A = arith.constant 2 : i32
    %mul3A_0 = arith.muli %arg1, %mul3A : i32
    %add3A = arith.addi %mul3A_0, %arg0 : i32
    %iota3A = tpu.iota {dimensions = array<i32: 0>} : vector<16xi32>
    %lt3A = arith.constant 1953 : i32
    %lt3A_1 = arith.cmpi slt, %add3A, %lt3A : i32
    %convert_element_type3A = arith.extui %lt3A_1 : i1 to i32
    %cond3A = arith.constant 0 : i32
    %cond3A_2 = arith.cmpi ne, %convert_element_type3A, %cond3A : i32
    scf.if %cond3A_2 {
      %mul3A_50 = arith.constant 512 : i32
      %mul3A_51 = arith.muli %add3A, %mul3A_50 : i32
      %dma_start3A = arith.constant 0 : i32
      %dma_start3A_52 = tpu.memref_slice %arg2[%dma_start3A, %mul3A_51] : memref<64x1000000xf32, #tpu.memory_space<hbm>> -> memref<64x512xf32, #tpu.memory_space<hbm>>
      %dma_start3A_53 = arith.constant 0 : i32
      %dma_start3A_54 = tpu.memref_slice %arg2[%dma_start3A_53, %mul3A_51] : memref<64x1000000xf32, #tpu.memory_space<hbm>> -> memref<64x512xf32, #tpu.memory_space<hbm>>
      tpu.enqueue_dma source(%dma_start3A_54 : memref<64x512xf32, #tpu.memory_space<hbm>>) target(%arg9 : memref<64x512xf32, #tpu.memory_space<vmem>>) target_semaphore(%arg15 : memref<!tpu.dma_semaphore, #tpu.memory_space<semaphore_mem>>)
    } else {
    }
    "tpu.region"() ({
      %run_scoped3A = tpu.sem_alloc : memref<!tpu.dma_semaphore, #tpu.memory_space<semaphore_mem>>
      tpu.enqueue_dma source(%arg4 : memref<16384xi32, #tpu.memory_space<hbm>>) target(%arg6 : memref<16384xi32, #tpu.memory_space<vmem>>) target_semaphore(%run_scoped3A : memref<!tpu.dma_semaphore, #tpu.memory_space<semaphore_mem>>)
      tpu.wait_dma2 semaphore(%run_scoped3A : memref<!tpu.dma_semaphore, #tpu.memory_space<semaphore_mem>>) src(%arg4 : memref<16384xi32, #tpu.memory_space<hbm>>) dst(%arg6 : memref<16384xi32, #tpu.memory_space<vmem>>)
      tpu.yield
    }) : () -> ()
    %scan3A = arith.constant 0 : i32
    %scan3A_3 = arith.constant 0 : i32
    %scan3A_4 = arith.constant 1024 : i32
    %scan3A_5 = arith.addi %scan3A_3, %scan3A_4 : i32
    %scan3A_6 = arith.constant 2 : i32
    %scan3A_7 = scf.for %scan3A_50 = %scan3A_3 to %scan3A_5 step %scan3A_6 iter_args(%scan3A_51 = %scan3A) -> (i32)  : i32 {
      %mul3A_52 = arith.constant 16 : i32
      %mul3A_53 = arith.muli %scan3A_50, %mul3A_52 : i32
      %get3A = arith.index_cast %mul3A_53 : i32 to index
      %get3A_54 = tpu.vector_load %arg6[%get3A] {strides = array<i32>} : memref<16384xi32, #tpu.memory_space<vmem>>, vector<16xi32>,
      %mul3A_55 = arith.constant 16 : i32
      %mul3A_56 = arith.muli %scan3A_50, %mul3A_55 : i32
      %add3A_57 = vector.broadcast %mul3A_56 : i32 to vector<16xi32>
      %add3A_58 = arith.addi %add3A_57, %iota3A : vector<16xi32>
      %shift_right_logical3A = arith.constant 9 : i32
      %shift_right_logical3A_59 = vector.broadcast %shift_right_logical3A : i32 to vector<16xi32>
      %shift_right_logical3A_60 = arith.shrui %get3A_54, %shift_right_logical3A_59 : vector<16xi32>
      %and3A_61 = arith.constant 31 : i32
      %and3A_62 = vector.broadcast %and3A_61 : i32 to vector<16xi32>
      %and3A_63 = arith.andi %shift_right_logical3A_60, %and3A_62 : vector<16xi32>
      %eq3A_64 = vector.broadcast %add3A : i32 to vector<16xi32>
      %eq3A_65 = arith.cmpi eq, %and3A_63, %eq3A_64 : vector<16xi32>
      %all_reduce_population_count3A = tpu.all_reduce %eq3A_65 {dim = 0 : i64, kind = #tpu.reduction_kind<sum>} : vector<16xi1> -> vector<16xi32>
      %slice3A = vector.extract_strided_slice %all_reduce_population_count3A {offsets = [0], sizes = [1], strides = [1]} : vector<16xi32> to vector<1xi32>
      %squeeze3A = vector.extract %slice3A[0] : i32 from vector<1xi32>
      %swap3A = arith.index_cast %scan3A_51 : i32 to index
      %swap3A_66 = tpu.vector_load %arg7[%swap3A] masked %eq3A_65 {strides = array<i32>} : memref<16384xi32, #tpu.memory_space<vmem>>, vector<16xi32>, vector<16xi1>
      tpu.vector_store %arg7[%swap3A], %get3A_54 masked %eq3A_65 {strides = array<i32>} : memref<16384xi32, #tpu.memory_space<vmem>>, vector<16xi32>, vector<16xi1>
      %swap3A_67 = arith.index_cast %scan3A_51 : i32 to index
      %swap3A_68 = tpu.vector_load %arg8[%swap3A_67] masked %eq3A_65 {strides = array<i32>} : memref<16384xi32, #tpu.memory_space<vmem>>, vector<16xi32>, vector<16xi1>
      tpu.vector_store %arg8[%swap3A_67], %add3A_58 masked %eq3A_65 {strides = array<i32>} : memref<16384xi32, #tpu.memory_space<vmem>>, vector<16xi32>, vector<16xi1>
      %add3A_69 = arith.addi %scan3A_51, %squeeze3A : i32
      %scan3A_70 = arith.constant 1 : i32
      %scan3A_71 = arith.addi %scan3A_50, %scan3A_70 : i32
      %mul3A_72 = arith.constant 16 : i32
      %mul3A_73 = arith.muli %scan3A_71, %mul3A_72 : i32
      %get3A_74 = arith.index_cast %mul3A_73 : i32 to index
      %get3A_75 = tpu.vector_load %arg6[%get3A_74] {strides = array<i32>} : memref<16384xi32, #tpu.memory_space<vmem>>, vector<16xi32>,
      %mul3A_76 = arith.constant 16 : i32
      %mul3A_77 = arith.muli %scan3A_71, %mul3A_76 : i32
      %add3A_78 = vector.broadcast %mul3A_77 : i32 to vector<16xi32>
      %add3A_79 = arith.addi %add3A_78, %iota3A : vector<16xi32>
      %shift_right_logical3A_80 = arith.constant 9 : i32
      %shift_right_logical3A_81 = vector.broadcast %shift_right_logical3A_80 : i32 to vector<16xi32>
      %shift_right_logical3A_82 = arith.shrui %get3A_75, %shift_right_logical3A_81 : vector<16xi32>
      %and3A_83 = arith.constant 31 : i32
      %and3A_84 = vector.broadcast %and3A_83 : i32 to vector<16xi32>
      %and3A_85 = arith.andi %shift_right_logical3A_82, %and3A_84 : vector<16xi32>
      %eq3A_86 = vector.broadcast %add3A : i32 to vector<16xi32>
      %eq3A_87 = arith.cmpi eq, %and3A_85, %eq3A_86 : vector<16xi32>
      %all_reduce_population_count3A_88 = tpu.all_reduce %eq3A_87 {dim = 0 : i64, kind = #tpu.reduction_kind<sum>} : vector<16xi1> -> vector<16xi32>
      %slice3A_89 = vector.extract_strided_slice %all_reduce_population_count3A_88 {offsets = [0], sizes = [1], strides = [1]} : vector<16xi32> to vector<1xi32>
      %squeeze3A_90 = vector.extract %slice3A_89[0] : i32 from vector<1xi32>
      %swap3A_91 = arith.index_cast %add3A_69 : i32 to index
      %swap3A_92 = tpu.vector_load %arg7[%swap3A_91] masked %eq3A_87 {strides = array<i32>} : memref<16384xi32, #tpu.memory_space<vmem>>, vector<16xi32>, vector<16xi1>
      tpu.vector_store %arg7[%swap3A_91], %get3A_75 masked %eq3A_87 {strides = array<i32>} : memref<16384xi32, #tpu.memory_space<vmem>>, vector<16xi32>, vector<16xi1>
      %swap3A_93 = arith.index_cast %add3A_69 : i32 to index
      %swap3A_94 = tpu.vector_load %arg8[%swap3A_93] masked %eq3A_87 {strides = array<i32>} : memref<16384xi32, #tpu.memory_space<vmem>>, vector<16xi32>, vector<16xi1>
      tpu.vector_store %arg8[%swap3A_93], %add3A_79 masked %eq3A_87 {strides = array<i32>} : memref<16384xi32, #tpu.memory_space<vmem>>, vector<16xi32>, vector<16xi1>
      %add3A_95 = arith.addi %add3A_69, %squeeze3A_90 : i32
      scf.yield %add3A_95 : i32
    }
    %scan3A_8 = arith.constant 1024 : i32
    %add3A_9 = arith.constant 15 : i32
    %add3A_10 = arith.addi %scan3A_7, %add3A_9 : i32
    %jit3A = arith.constant 16 : i32
    %div3A = arith.divsi %add3A_10, %jit3A : i32
    %sign3A = arith.constant 0 : i32
    %sign3A_11 = arith.cmpi sgt, %add3A_10, %sign3A : i32
    %sign3A_12 = arith.extui %sign3A_11 : i1 to i32
    %sign3A_13 = arith.constant 0 : i32
    %sign3A_14 = arith.cmpi slt, %add3A_10, %sign3A_13 : i32
    %sign3A_15 = arith.extui %sign3A_14 : i1 to i32
    %sign3A_16 = arith.subi %sign3A_12, %sign3A_15 : i32
    %sign3A_17 = arith.constant 0 : i32
    %sign3A_18 = arith.cmpi sgt, %jit3A, %sign3A_17 : i32
    %sign3A_19 = arith.extui %sign3A_18 : i1 to i32
    %sign3A_20 = arith.constant 0 : i32
    %sign3A_21 = arith.cmpi slt, %jit3A, %sign3A_20 : i32
    %sign3A_22 = arith.extui %sign3A_21 : i1 to i32
    %sign3A_23 = arith.subi %sign3A_19, %sign3A_22 : i32
    %ne3A = arith.cmpi ne, %sign3A_16, %sign3A_23 : i32
    %rem3A = arith.remsi %add3A_10, %jit3A : i32
    %ne3A_24 = arith.constant 0 : i32
    %ne3A_25 = arith.cmpi ne, %rem3A, %ne3A_24 : i32
    %and3A = arith.andi %ne3A, %ne3A_25 : i1
    %sub3A = arith.constant 1 : i32
    %sub3A_26 = arith.subi %div3A, %sub3A : i32
    %select_n3A = arith.select %and3A, %sub3A_26, %div3A : i32
    %scan3A_27 = arith.constant 0 : i32
    %scan3A_28 = arith.constant 0 : i32
    %scan3A_29 = arith.constant 62 : i32
    %scan3A_30 = arith.addi %scan3A_28, %scan3A_29 : i32
    %scan3A_31 = arith.constant 1 : i32
    %scan3A_32 = scf.for %scan3A_50 = %scan3A_28 to %scan3A_30 step %scan3A_31 iter_args(%scan3A_51 = %scan3A_27) -> (i32)  : i32 {
      %mul3A_52 = arith.constant 32 : i32
      %mul3A_53 = arith.muli %scan3A_50, %mul3A_52 : i32
      %add3A_54 = arith.addi %add3A, %mul3A_53 : i32
      %add3A_55 = arith.constant 32 : i32
      %add3A_56 = arith.addi %add3A_54, %add3A_55 : i32
      %jit3A_57 = arith.constant 2 : i32
      %eq3A_58 = arith.constant 0 : i32
      %eq3A_59 = arith.cmpi eq, %jit3A_57, %eq3A_58 : i32
      %jit3A_60 = arith.constant 1 : i32
      %select_n3A_61 = arith.select %eq3A_59, %jit3A_60, %jit3A_57 : i32
      %rem3A_62 = arith.remsi %scan3A_50, %select_n3A_61 : i32
      %ne3A_63 = arith.constant 0 : i32
      %ne3A_64 = arith.cmpi ne, %rem3A_62, %ne3A_63 : i32
      %lt3A_65 = arith.constant 0 : i32
      %lt3A_66 = arith.cmpi slt, %rem3A_62, %lt3A_65 : i32
      %lt3A_67 = arith.constant 0 : i32
      %lt3A_68 = arith.cmpi slt, %select_n3A_61, %lt3A_67 : i32
      %ne3A_69 = arith.xori %lt3A_66, %lt3A_68 : i1
      %and3A_70 = arith.andi %ne3A_69, %ne3A_64 : i1
      %add3A_71 = arith.addi %rem3A_62, %select_n3A_61 : i32
      %select_n3A_72 = arith.select %and3A_70, %add3A_71, %rem3A_62 : i32
      %eq3A_73 = arith.constant 0 : i32
      %eq3A_74 = arith.cmpi eq, %select_n3A_72, %eq3A_73 : i32
      %convert_element_type3A_75 = arith.extui %eq3A_74 : i1 to i32
      %cond3A_76 = arith.constant 0 : i32
      %cond3A_77 = arith.cmpi ne, %convert_element_type3A_75, %cond3A_76 : i32
      %cond3A_78 = scf.if %cond3A_77 -> (i32) {
        %lt3A_79 = arith.constant 1953 : i32
        %lt3A_80 = arith.cmpi slt, %add3A_56, %lt3A_79 : i32
        %convert_element_type3A_81 = arith.extui %lt3A_80 : i1 to i32
        %cond3A_82 = arith.constant 0 : i32
        %cond3A_83 = arith.cmpi ne, %convert_element_type3A_81, %cond3A_82 : i32
        scf.if %cond3A_83 {
          %mul3A_90 = arith.constant 512 : i32
          %mul3A_91 = arith.muli %add3A_56, %mul3A_90 : i32
          %dma_start3A = arith.constant 0 : i32
          %dma_start3A_92 = arith.constant 0 : i32
          %dma_start3A_93 = tpu.memref_slice %arg10[%dma_start3A, %dma_start3A_92] : memref<64x512xf32, #tpu.memory_space<vmem>> -> memref<32x512xf32, #tpu.memory_space<vmem>>
          %dma_start3A_94 = arith.constant 0 : i32
          %dma_start3A_95 = tpu.memref_slice %arg2[%dma_start3A_94, %mul3A_91] : memref<64x1000000xf32, #tpu.memory_space<hbm>> -> memref<32x512xf32, #tpu.memory_space<hbm>>
          %dma_start3A_96 = arith.constant 0 : i32
          %dma_start3A_97 = arith.constant 0 : i32
          %dma_start3A_98 = tpu.memref_slice %arg10[%dma_start3A_96, %dma_start3A_97] : memref<64x512xf32, #tpu.memory_space<vmem>> -> memref<32x512xf32, #tpu.memory_space<vmem>>
          %dma_start3A_99 = arith.constant 0 : i32
          %dma_start3A_100 = tpu.memref_slice %arg2[%dma_start3A_99, %mul3A_91] : memref<64x1000000xf32, #tpu.memory_space<hbm>> -> memref<32x512xf32, #tpu.memory_space<hbm>>
          tpu.enqueue_dma source(%dma_start3A_100 : memref<32x512xf32, #tpu.memory_space<hbm>>) target(%dma_start3A_98 : memref<32x512xf32, #tpu.memory_space<vmem>>) target_semaphore(%arg16 : memref<!tpu.dma_semaphore, #tpu.memory_space<semaphore_mem>>)
          %mul3A_101 = arith.constant 512 : i32
          %mul3A_102 = arith.muli %add3A_56, %mul3A_101 : i32
          %dma_start3A_103 = arith.constant 32 : i32
          %dma_start3A_104 = arith.constant 0 : i32
          %dma_start3A_105 = tpu.memref_slice %arg10[%dma_start3A_103, %dma_start3A_104] : memref<64x512xf32, #tpu.memory_space<vmem>> -> memref<32x512xf32, #tpu.memory_space<vmem>>
          %dma_start3A_106 = arith.constant 32 : i32
          %dma_start3A_107 = tpu.memref_slice %arg2[%dma_start3A_106, %mul3A_102] : memref<64x1000000xf32, #tpu.memory_space<hbm>> -> memref<32x512xf32, #tpu.memory_space<hbm>>
          %dma_start3A_108 = arith.constant 32 : i32
          %dma_start3A_109 = arith.constant 0 : i32
          %dma_start3A_110 = tpu.memref_slice %arg10[%dma_start3A_108, %dma_start3A_109] : memref<64x512xf32, #tpu.memory_space<vmem>> -> memref<32x512xf32, #tpu.memory_space<vmem>>
          %dma_start3A_111 = arith.constant 32 : i32
          %dma_start3A_112 = tpu.memref_slice %arg2[%dma_start3A_111, %mul3A_102] : memref<64x1000000xf32, #tpu.memory_space<hbm>> -> memref<32x512xf32, #tpu.memory_space<hbm>>
          tpu.enqueue_dma source(%dma_start3A_112 : memref<32x512xf32, #tpu.memory_space<hbm>>) target(%dma_start3A_110 : memref<32x512xf32, #tpu.memory_space<vmem>>) target_semaphore(%arg16 : memref<!tpu.dma_semaphore, #tpu.memory_space<semaphore_mem>>)
        } else {
        }
        %lt3A_84 = arith.constant 1953 : i32
        %lt3A_85 = arith.cmpi slt, %add3A_54, %lt3A_84 : i32
        %convert_element_type3A_86 = arith.extui %lt3A_85 : i1 to i32
        %cond3A_87 = arith.constant 0 : i32
        %cond3A_88 = arith.cmpi ne, %convert_element_type3A_86, %cond3A_87 : i32
        %cond3A_89 = scf.if %cond3A_88 -> (i32) {
          %dma_wait3A = arith.constant 0 : i32
          %dma_wait3A_90 = arith.constant 0 : i32
          %dma_wait3A_91 = tpu.memref_slice %arg2[%dma_wait3A, %dma_wait3A_90] : memref<64x1000000xf32, #tpu.memory_space<hbm>> -> memref<64x512xf32, #tpu.memory_space<hbm>>
          %dma_wait3A_92 = arith.constant 0 : i32
          %dma_wait3A_93 = arith.constant 0 : i32
          %dma_wait3A_94 = tpu.memref_slice %arg2[%dma_wait3A_92, %dma_wait3A_93] : memref<64x1000000xf32, #tpu.memory_space<hbm>> -> memref<64x512xf32, #tpu.memory_space<hbm>>
          tpu.wait_dma2 semaphore(%arg15 : memref<!tpu.dma_semaphore, #tpu.memory_space<semaphore_mem>>) src(%dma_wait3A_94 : memref<64x512xf32, #tpu.memory_space<hbm>>) dst(%arg9 : memref<64x512xf32, #tpu.memory_space<vmem>>)
          %while3A_95 = arith.constant 0 : i32
          %while3A_96 = arith.constant 0 : i32
          %while3A_97 = arith.subi %scan3A_51, %while3A_95 : i32
          %while3A_98 = arith.addi %while3A_95, %while3A_97 : i32
          %while3A_99 = arith.constant 1 : i32
          %while3A_100 = arith.divsi %while3A_97, %while3A_99 : i32
          %while3A_101 = arith.muli %while3A_100, %while3A_99 : i32
          %while3A_102 = arith.addi %while3A_95, %while3A_101 : i32
          %while3A_103 = arith.constant 1 : i32
          %while3A_104 = scf.for %while3A_125 = %while3A_95 to %while3A_102 step %while3A_103 iter_args(%while3A_126 = %while3A_96) -> (i32)  : i32 {
            %dma_wait3A_127 = arith.constant 0 : i32
            %dma_wait3A_128 = arith.constant 0 : i32
            %dma_wait3A_129 = tpu.memref_slice %arg13[%dma_wait3A_127, %dma_wait3A_128] : memref<32x64xf32, #tpu.memory_space<vmem>> -> memref<1x64xf32, #tpu.memory_space<vmem>>
            %dma_wait3A_130 = arith.constant 0 : i32
            %dma_wait3A_131 = arith.constant 0 : i32
            %dma_wait3A_132 = tpu.memref_slice %arg5[%dma_wait3A_130, %dma_wait3A_131] : memref<16384x64xf32, #tpu.memory_space<hbm>> -> memref<1x64xf32, #tpu.memory_space<hbm>>
            %dma_wait3A_133 = arith.constant 0 : i32
            %dma_wait3A_134 = arith.constant 0 : i32
            %dma_wait3A_135 = tpu.memref_slice %arg13[%dma_wait3A_133, %dma_wait3A_134] : memref<32x64xf32, #tpu.memory_space<vmem>> -> memref<1x64xf32, #tpu.memory_space<vmem>>
            %dma_wait3A_136 = arith.constant 0 : i32
            %dma_wait3A_137 = arith.constant 0 : i32
            %dma_wait3A_138 = tpu.memref_slice %arg5[%dma_wait3A_136, %dma_wait3A_137] : memref<16384x64xf32, #tpu.memory_space<hbm>> -> memref<1x64xf32, #tpu.memory_space<hbm>>
            tpu.wait_dma2 semaphore(%arg17 : memref<!tpu.dma_semaphore, #tpu.memory_space<semaphore_mem>>) src(%dma_wait3A_138 : memref<1x64xf32, #tpu.memory_space<hbm>>) dst(%dma_wait3A_135 : memref<1x64xf32, #tpu.memory_space<vmem>>)
            %while3A_139 = arith.constant 0 : i32
            scf.yield %while3A_139 : i32
          }
          %while3A_105 = arith.constant 1 : i32
          %while3A_106 = scf.for %while3A_125 = %while3A_102 to %while3A_98 step %while3A_105 iter_args(%while3A_126 = %while3A_104) -> (i32)  : i32 {
            %dma_wait3A_127 = arith.constant 0 : i32
            %dma_wait3A_128 = arith.constant 0 : i32
            %dma_wait3A_129 = tpu.memref_slice %arg13[%dma_wait3A_127, %dma_wait3A_128] : memref<32x64xf32, #tpu.memory_space<vmem>> -> memref<1x64xf32, #tpu.memory_space<vmem>>
            %dma_wait3A_130 = arith.constant 0 : i32
            %dma_wait3A_131 = arith.constant 0 : i32
            %dma_wait3A_132 = tpu.memref_slice %arg5[%dma_wait3A_130, %dma_wait3A_131] : memref<16384x64xf32, #tpu.memory_space<hbm>> -> memref<1x64xf32, #tpu.memory_space<hbm>>
            %dma_wait3A_133 = arith.constant 0 : i32
            %dma_wait3A_134 = arith.constant 0 : i32
            %dma_wait3A_135 = tpu.memref_slice %arg13[%dma_wait3A_133, %dma_wait3A_134] : memref<32x64xf32, #tpu.memory_space<vmem>> -> memref<1x64xf32, #tpu.memory_space<vmem>>
            %dma_wait3A_136 = arith.constant 0 : i32
            %dma_wait3A_137 = arith.constant 0 : i32
            %dma_wait3A_138 = tpu.memref_slice %arg5[%dma_wait3A_136, %dma_wait3A_137] : memref<16384x64xf32, #tpu.memory_space<hbm>> -> memref<1x64xf32, #tpu.memory_space<hbm>>
            tpu.wait_dma2 semaphore(%arg17 : memref<!tpu.dma_semaphore, #tpu.memory_space<semaphore_mem>>) src(%dma_wait3A_138 : memref<1x64xf32, #tpu.memory_space<hbm>>) dst(%dma_wait3A_135 : memref<1x64xf32, #tpu.memory_space<vmem>>)
            %while3A_139 = arith.constant 0 : i32
            scf.yield %while3A_139 : i32
          }
          %mul3A_107 = arith.constant 512 : i32
          %mul3A_108 = arith.muli %add3A_54, %mul3A_107 : i32
          %while3A_109 = arith.constant 0 : i32
          %while3A_110 = arith.constant 0 : i32
          %while3A_111 = arith.subi %select_n3A, %while3A_109 : i32
          %while3A_112 = arith.addi %while3A_109, %while3A_111 : i32
          %while3A_113 = arith.constant 1 : i32
          %while3A_114 = arith.divsi %while3A_111, %while3A_113 : i32
          %while3A_115 = arith.muli %while3A_114, %while3A_113 : i32
          %while3A_116 = arith.addi %while3A_109, %while3A_115 : i32
          %while3A_117 = arith.constant 1 : i32
          %while3A_118 = scf.for %while3A_125 = %while3A_109 to %while3A_116 step %while3A_117 iter_args(%while3A_126 = %while3A_110) -> (i32)  : i32 {
            %mul3A_127 = arith.constant 16 : i32
            %mul3A_128 = arith.muli %while3A_125, %mul3A_127 : i32
            %get3A = arith.index_cast %mul3A_128 : i32 to index
            %get3A_129 = tpu.vector_load %arg7[%get3A] {strides = array<i32>} : memref<16384xi32, #tpu.memory_space<vmem>>, vector<16xi32>,
            %mul3A_130 = arith.constant 16 : i32
            %mul3A_131 = arith.muli %while3A_125, %mul3A_130 : i32
            %get3A_132 = arith.index_cast %mul3A_131 : i32 to index
            %get3A_133 = tpu.vector_load %arg8[%get3A_132] {strides = array<i32>} : memref<16384xi32, #tpu.memory_space<vmem>>, vector<16xi32>,
            %mul3A_134 = arith.constant 16 : i32
            %mul3A_135 = arith.muli %while3A_125, %mul3A_134 : i32
            %add3A_136 = vector.broadcast %mul3A_135 : i32 to vector<16xi32>
            %add3A_137 = arith.addi %add3A_136, %iota3A : vector<16xi32>
            %lt3A_138 = vector.broadcast %scan3A_7 : i32 to vector<16xi32>
            %lt3A_139 = arith.cmpi slt, %add3A_137, %lt3A_138 : vector<16xi32>
            %shift_right_logical3A = arith.constant 9 : i32
            %shift_right_logical3A_140 = vector.broadcast %shift_right_logical3A : i32 to vector<16xi32>
            %shift_right_logical3A_141 = arith.shrui %get3A_129, %shift_right_logical3A_140 : vector<16xi32>
            %eq3A_142 = vector.broadcast %add3A_54 : i32 to vector<16xi32>
            %eq3A_143 = arith.cmpi eq, %shift_right_logical3A_141, %eq3A_142 : vector<16xi32>
            %and3A_144 = arith.andi %eq3A_143, %lt3A_139 : vector<16xi1>
            %all_reduce_population_count3A = tpu.all_reduce %and3A_144 {dim = 0 : i64, kind = #tpu.reduction_kind<sum>} : vector<16xi1> -> vector<16xi32>
            %slice3A = vector.extract_strided_slice %all_reduce_population_count3A {offsets = [0], sizes = [1], strides = [1]} : vector<16xi32> to vector<1xi32>
            %squeeze3A = vector.extract %slice3A[0] : i32 from vector<1xi32>
            %swap3A = arith.index_cast %while3A_126 : i32 to index
            %swap3A_145 = tpu.vector_load %arg11[%swap3A] masked %and3A_144 {strides = array<i32>} : memref<48xi32, #tpu.memory_space<vmem>>, vector<16xi32>, vector<16xi1>
            tpu.vector_store %arg11[%swap3A], %get3A_129 masked %and3A_144 {strides = array<i32>} : memref<48xi32, #tpu.memory_space<vmem>>, vector<16xi32>, vector<16xi1>
            %swap3A_146 = arith.index_cast %while3A_126 : i32 to index
            %swap3A_147 = tpu.vector_load %arg12[%swap3A_146] masked %and3A_144 {strides = array<i32>} : memref<48xi32, #tpu.memory_space<vmem>>, vector<16xi32>, vector<16xi1>
            tpu.vector_store %arg12[%swap3A_146], %get3A_133 masked %and3A_144 {strides = array<i32>} : memref<48xi32, #tpu.memory_space<vmem>>, vector<16xi32>, vector<16xi1>
            %add3A_148 = arith.addi %while3A_126, %squeeze3A : i32
            %gt3A_149 = arith.constant 16 : i32
            %gt3A_150 = arith.cmpi sgt, %add3A_148, %gt3A_149 : i32
            %convert_element_type3A_151 = arith.extui %gt3A_150 : i1 to i32
            %cond3A_152 = arith.constant 0 : i32
            %cond3A_153 = arith.cmpi ne, %convert_element_type3A_151, %cond3A_152 : i32
            %cond3A_154 = scf.if %cond3A_153 -> (i32) {
              %while3A_155 = arith.constant 0 : i32
              %while3A_156 = arith.constant 0 : i32
              %while3A_157 = arith.subi %add3A_148, %while3A_155 : i32
              %while3A_158 = arith.addi %while3A_155, %while3A_157 : i32
              %while3A_159 = arith.constant 1 : i32
              %while3A_160 = arith.divsi %while3A_157, %while3A_159 : i32
              %while3A_161 = arith.muli %while3A_160, %while3A_159 : i32
              %while3A_162 = arith.addi %while3A_155, %while3A_161 : i32
              %while3A_163 = arith.constant 1 : i32
              %while3A_164 = scf.for %while3A_180 = %while3A_155 to %while3A_162 step %while3A_163 iter_args(%while3A_181 = %while3A_156) -> (i32)  : i32 {
                %broadcast_in_dim3A = arith.constant 0 : i32
                %broadcast_in_dim3A_182 = vector.broadcast %broadcast_in_dim3A : i32 to vector<16xi32>
                %add3A_183 = vector.broadcast %while3A_180 : i32 to vector<16xi32>
                %add3A_184 = arith.addi %broadcast_in_dim3A_182, %add3A_183 : vector<16xi32>
                %gather3A = tpu.vector_load_idx %arg11[%add3A_184] : memref<48xi32, #tpu.memory_space<vmem>>[vector<16xi32>], vector<16xi32>,
                %gather3A_185 = tpu.vector_load_idx %arg12[%add3A_184] : memref<48xi32, #tpu.memory_space<vmem>>[vector<16xi32>], vector<16xi32>,
                %sub3A_186 = vector.broadcast %mul3A_108 : i32 to vector<16xi32>
                %sub3A_187 = arith.subi %gather3A, %sub3A_186 : vector<16xi32>
                %add3A_188 = arith.constant 0 : i32
                %add3A_189 = vector.broadcast %add3A_188 : i32 to vector<16xi32>
                %add3A_190 = arith.addi %add3A_189, %iota3A : vector<16xi32>
                %gather3A_191 = tpu.vector_load_idx %arg9[%add3A_190, %sub3A_187] : memref<64x512xf32, #tpu.memory_space<vmem>>[vector<16xi32>, vector<16xi32>], vector<16xf32>,
                %swap3A_192 = arith.index_cast %while3A_180 : i32 to index
                %swap3A_193 = arith.constant 0 : index
                %swap3A_194 = tpu.vector_load %arg13[%swap3A_192, %swap3A_193] {strides = array<i32>} : memref<32x64xf32, #tpu.memory_space<vmem>>, vector<16xf32>,
                tpu.vector_store %arg13[%swap3A_192, %swap3A_193], %gather3A_191 {strides = array<i32>} : memref<32x64xf32, #tpu.memory_space<vmem>>, vector<16xf32>,
                %add3A_195 = arith.constant 16 : i32
                %add3A_196 = vector.broadcast %add3A_195 : i32 to vector<16xi32>
                %add3A_197 = arith.addi %add3A_196, %iota3A : vector<16xi32>
                %gather3A_198 = tpu.vector_load_idx %arg9[%add3A_197, %sub3A_187] : memref<64x512xf32, #tpu.memory_space<vmem>>[vector<16xi32>, vector<16xi32>], vector<16xf32>,
                %swap3A_199 = arith.index_cast %while3A_180 : i32 to index
                %swap3A_200 = arith.constant 16 : index
                %swap3A_201 = tpu.vector_load %arg13[%swap3A_199, %swap3A_200] {strides = array<i32>} : memref<32x64xf32, #tpu.memory_space<vmem>>, vector<16xf32>,
                tpu.vector_store %arg13[%swap3A_199, %swap3A_200], %gather3A_198 {strides = array<i32>} : memref<32x64xf32, #tpu.memory_space<vmem>>, vector<16xf32>,
                %add3A_202 = arith.constant 32 : i32
                %add3A_203 = vector.broadcast %add3A_202 : i32 to vector<16xi32>
                %add3A_204 = arith.addi %add3A_203, %iota3A : vector<16xi32>
                %gather3A_205 = tpu.vector_load_idx %arg9[%add3A_204, %sub3A_187] : memref<64x512xf32, #tpu.memory_space<vmem>>[vector<16xi32>, vector<16xi32>], vector<16xf32>,
                %swap3A_206 = arith.index_cast %while3A_180 : i32 to index
                %swap3A_207 = arith.constant 32 : index
                %swap3A_208 = tpu.vector_load %arg13[%swap3A_206, %swap3A_207] {strides = array<i32>} : memref<32x64xf32, #tpu.memory_space<vmem>>, vector<16xf32>,
                tpu.vector_store %arg13[%swap3A_206, %swap3A_207], %gather3A_205 {strides = array<i32>} : memref<32x64xf32, #tpu.memory_space<vmem>>, vector<16xf32>,
                %add3A_209 = arith.constant 48 : i32
                %add3A_210 = vector.broadcast %add3A_209 : i32 to vector<16xi32>
                %add3A_211 = arith.addi %add3A_210, %iota3A : vector<16xi32>
                %gather3A_212 = tpu.vector_load_idx %arg9[%add3A_211, %sub3A_187] : memref<64x512xf32, #tpu.memory_space<vmem>>[vector<16xi32>, vector<16xi32>], vector<16xf32>,
                %swap3A_213 = arith.index_cast %while3A_180 : i32 to index
                %swap3A_214 = arith.constant 48 : index
                %swap3A_215 = tpu.vector_load %arg13[%swap3A_213, %swap3A_214] {strides = array<i32>} : memref<32x64xf32, #tpu.memory_space<vmem>>, vector<16xf32>,
                tpu.vector_store %arg13[%swap3A_213, %swap3A_214], %gather3A_212 {strides = array<i32>} : memref<32x64xf32, #tpu.memory_space<vmem>>, vector<16xf32>,
                %slice3A_216 = vector.extract_strided_slice %gather3A_185 {offsets = [0], sizes = [1], strides = [1]} : vector<16xi32> to vector<1xi32>
                %squeeze3A_217 = vector.extract %slice3A_216[0] : i32 from vector<1xi32>
                %dma_start3A = arith.constant 0 : i32
                %dma_start3A_218 = tpu.memref_slice %arg13[%while3A_180, %dma_start3A] : memref<32x64xf32, #tpu.memory_space<vmem>> -> memref<1x64xf32, #tpu.memory_space<vmem>>
                %dma_start3A_219 = arith.constant 0 : i32
                %dma_start3A_220 = tpu.memref_slice %arg5[%squeeze3A_217, %dma_start3A_219] : memref<16384x64xf32, #tpu.memory_space<hbm>> -> memref<1x64xf32, #tpu.memory_space<hbm>>
                %dma_start3A_221 = arith.constant 0 : i32
                %dma_start3A_222 = tpu.memref_slice %arg5[%squeeze3A_217, %dma_start3A_221] : memref<16384x64xf32, #tpu.memory_space<hbm>> -> memref<1x64xf32, #tpu.memory_space<hbm>>
                %dma_start3A_223 = arith.constant 0 : i32
                %dma_start3A_224 = tpu.memref_slice %arg13[%while3A_180, %dma_start3A_223] : memref<32x64xf32, #tpu.memory_space<vmem>> -> memref<1x64xf32, #tpu.memory_space<vmem>>
                tpu.enqueue_dma source(%dma_start3A_224 : memref<1x64xf32, #tpu.memory_space<vmem>>) target(%dma_start3A_222 : memref<1x64xf32, #tpu.memory_space<hbm>>) target_semaphore(%arg17 : memref<!tpu.dma_semaphore, #tpu.memory_space<semaphore_mem>>)
                %while3A_225 = arith.constant 0 : i32
                scf.yield %while3A_225 : i32
              }
              %while3A_165 = arith.constant 1 : i32
              %while3A_166 = scf.for %while3A_180 = %while3A_162 to %while3A_158 step %while3A_165 iter_args(%while3A_181 = %while3A_164) -> (i32)  : i32 {
                %broadcast_in_dim3A = arith.constant 0 : i32
                %broadcast_in_dim3A_182 = vector.broadcast %broadcast_in_dim3A : i32 to vector<16xi32>
                %add3A_183 = vector.broadcast %while3A_180 : i32 to vector<16xi32>
                %add3A_184 = arith.addi %broadcast_in_dim3A_182, %add3A_183 : vector<16xi32>
                %gather3A = tpu.vector_load_idx %arg11[%add3A_184] : memref<48xi32, #tpu.memory_space<vmem>>[vector<16xi32>], vector<16xi32>,
                %gather3A_185 = tpu.vector_load_idx %arg12[%add3A_184] : memref<48xi32, #tpu.memory_space<vmem>>[vector<16xi32>], vector<16xi32>,
                %sub3A_186 = vector.broadcast %mul3A_108 : i32 to vector<16xi32>
                %sub3A_187 = arith.subi %gather3A, %sub3A_186 : vector<16xi32>
                %add3A_188 = arith.constant 0 : i32
                %add3A_189 = vector.broadcast %add3A_188 : i32 to vector<16xi32>
                %add3A_190 = arith.addi %add3A_189, %iota3A : vector<16xi32>
                %gather3A_191 = tpu.vector_load_idx %arg9[%add3A_190, %sub3A_187] : memref<64x512xf32, #tpu.memory_space<vmem>>[vector<16xi32>, vector<16xi32>], vector<16xf32>,
                %swap3A_192 = arith.index_cast %while3A_180 : i32 to index
                %swap3A_193 = arith.constant 0 : index
                %swap3A_194 = tpu.vector_load %arg13[%swap3A_192, %swap3A_193] {strides = array<i32>} : memref<32x64xf32, #tpu.memory_space<vmem>>, vector<16xf32>,
                tpu.vector_store %arg13[%swap3A_192, %swap3A_193], %gather3A_191 {strides = array<i32>} : memref<32x64xf32, #tpu.memory_space<vmem>>, vector<16xf32>,
                %add3A_195 = arith.constant 16 : i32
                %add3A_196 = vector.broadcast %add3A_195 : i32 to vector<16xi32>
                %add3A_197 = arith.addi %add3A_196, %iota3A : vector<16xi32>
                %gather3A_198 = tpu.vector_load_idx %arg9[%add3A_197, %sub3A_187] : memref<64x512xf32, #tpu.memory_space<vmem>>[vector<16xi32>, vector<16xi32>], vector<16xf32>,
                %swap3A_199 = arith.index_cast %while3A_180 : i32 to index
                %swap3A_200 = arith.constant 16 : index
                %swap3A_201 = tpu.vector_load %arg13[%swap3A_199, %swap3A_200] {strides = array<i32>} : memref<32x64xf32, #tpu.memory_space<vmem>>, vector<16xf32>,
                tpu.vector_store %arg13[%swap3A_199, %swap3A_200], %gather3A_198 {strides = array<i32>} : memref<32x64xf32, #tpu.memory_space<vmem>>, vector<16xf32>,
                %add3A_202 = arith.constant 32 : i32
                %add3A_203 = vector.broadcast %add3A_202 : i32 to vector<16xi32>
                %add3A_204 = arith.addi %add3A_203, %iota3A : vector<16xi32>
                %gather3A_205 = tpu.vector_load_idx %arg9[%add3A_204, %sub3A_187] : memref<64x512xf32, #tpu.memory_space<vmem>>[vector<16xi32>, vector<16xi32>], vector<16xf32>,
                %swap3A_206 = arith.index_cast %while3A_180 : i32 to index
                %swap3A_207 = arith.constant 32 : index
                %swap3A_208 = tpu.vector_load %arg13[%swap3A_206, %swap3A_207] {strides = array<i32>} : memref<32x64xf32, #tpu.memory_space<vmem>>, vector<16xf32>,
                tpu.vector_store %arg13[%swap3A_206, %swap3A_207], %gather3A_205 {strides = array<i32>} : memref<32x64xf32, #tpu.memory_space<vmem>>, vector<16xf32>,
                %add3A_209 = arith.constant 48 : i32
                %add3A_210 = vector.broadcast %add3A_209 : i32 to vector<16xi32>
                %add3A_211 = arith.addi %add3A_210, %iota3A : vector<16xi32>
                %gather3A_212 = tpu.vector_load_idx %arg9[%add3A_211, %sub3A_187] : memref<64x512xf32, #tpu.memory_space<vmem>>[vector<16xi32>, vector<16xi32>], vector<16xf32>,
                %swap3A_213 = arith.index_cast %while3A_180 : i32 to index
                %swap3A_214 = arith.constant 48 : index
                %swap3A_215 = tpu.vector_load %arg13[%swap3A_213, %swap3A_214] {strides = array<i32>} : memref<32x64xf32, #tpu.memory_space<vmem>>, vector<16xf32>,
                tpu.vector_store %arg13[%swap3A_213, %swap3A_214], %gather3A_212 {strides = array<i32>} : memref<32x64xf32, #tpu.memory_space<vmem>>, vector<16xf32>,
                %slice3A_216 = vector.extract_strided_slice %gather3A_185 {offsets = [0], sizes = [1], strides = [1]} : vector<16xi32> to vector<1xi32>
                %squeeze3A_217 = vector.extract %slice3A_216[0] : i32 from vector<1xi32>
                %dma_start3A = arith.constant 0 : i32
                %dma_start3A_218 = tpu.memref_slice %arg13[%while3A_180, %dma_start3A] : memref<32x64xf32, #tpu.memory_space<vmem>> -> memref<1x64xf32, #tpu.memory_space<vmem>>
                %dma_start3A_219 = arith.constant 0 : i32
                %dma_start3A_220 = tpu.memref_slice %arg5[%squeeze3A_217, %dma_start3A_219] : memref<16384x64xf32, #tpu.memory_space<hbm>> -> memref<1x64xf32, #tpu.memory_space<hbm>>
                %dma_start3A_221 = arith.constant 0 : i32
                %dma_start3A_222 = tpu.memref_slice %arg5[%squeeze3A_217, %dma_start3A_221] : memref<16384x64xf32, #tpu.memory_space<hbm>> -> memref<1x64xf32, #tpu.memory_space<hbm>>
                %dma_start3A_223 = arith.constant 0 : i32
                %dma_start3A_224 = tpu.memref_slice %arg13[%while3A_180, %dma_start3A_223] : memref<32x64xf32, #tpu.memory_space<vmem>> -> memref<1x64xf32, #tpu.memory_space<vmem>>
                tpu.enqueue_dma source(%dma_start3A_224 : memref<1x64xf32, #tpu.memory_space<vmem>>) target(%dma_start3A_222 : memref<1x64xf32, #tpu.memory_space<hbm>>) target_semaphore(%arg17 : memref<!tpu.dma_semaphore, #tpu.memory_space<semaphore_mem>>)
                %while3A_225 = arith.constant 0 : i32
                scf.yield %while3A_225 : i32
              }
              %while3A_167 = arith.constant 0 : i32
              %while3A_168 = arith.constant 0 : i32
              %while3A_169 = arith.subi %add3A_148, %while3A_167 : i32
              %while3A_170 = arith.addi %while3A_167, %while3A_169 : i32
              %while3A_171 = arith.constant 1 : i32
              %while3A_172 = arith.divsi %while3A_169, %while3A_171 : i32
              %while3A_173 = arith.muli %while3A_172, %while3A_171 : i32
              %while3A_174 = arith.addi %while3A_167, %while3A_173 : i32
              %while3A_175 = arith.constant 1 : i32
              %while3A_176 = scf.for %while3A_180 = %while3A_167 to %while3A_174 step %while3A_175 iter_args(%while3A_181 = %while3A_168) -> (i32)  : i32 {
                %dma_wait3A_182 = arith.constant 0 : i32
                %dma_wait3A_183 = arith.constant 0 : i32
                %dma_wait3A_184 = tpu.memref_slice %arg13[%dma_wait3A_182, %dma_wait3A_183] : memref<32x64xf32, #tpu.memory_space<vmem>> -> memref<1x64xf32, #tpu.memory_space<vmem>>
                %dma_wait3A_185 = arith.constant 0 : i32
                %dma_wait3A_186 = arith.constant 0 : i32
                %dma_wait3A_187 = tpu.memref_slice %arg5[%dma_wait3A_185, %dma_wait3A_186] : memref<16384x64xf32, #tpu.memory_space<hbm>> -> memref<1x64xf32, #tpu.memory_space<hbm>>
                %dma_wait3A_188 = arith.constant 0 : i32
                %dma_wait3A_189 = arith.constant 0 : i32
                %dma_wait3A_190 = tpu.memref_slice %arg13[%dma_wait3A_188, %dma_wait3A_189] : memref<32x64xf32, #tpu.memory_space<vmem>> -> memref<1x64xf32, #tpu.memory_space<vmem>>
                %dma_wait3A_191 = arith.constant 0 : i32
                %dma_wait3A_192 = arith.constant 0 : i32
                %dma_wait3A_193 = tpu.memref_slice %arg5[%dma_wait3A_191, %dma_wait3A_192] : memref<16384x64xf32, #tpu.memory_space<hbm>> -> memref<1x64xf32, #tpu.memory_space<hbm>>
                tpu.wait_dma2 semaphore(%arg17 : memref<!tpu.dma_semaphore, #tpu.memory_space<semaphore_mem>>) src(%dma_wait3A_193 : memref<1x64xf32, #tpu.memory_space<hbm>>) dst(%dma_wait3A_190 : memref<1x64xf32, #tpu.memory_space<vmem>>)
                %while3A_194 = arith.constant 0 : i32
                scf.yield %while3A_194 : i32
              }
              %while3A_177 = arith.constant 1 : i32
              %while3A_178 = scf.for %while3A_180 = %while3A_174 to %while3A_170 step %while3A_177 iter_args(%while3A_181 = %while3A_176) -> (i32)  : i32 {
                %dma_wait3A_182 = arith.constant 0 : i32
                %dma_wait3A_183 = arith.constant 0 : i32
                %dma_wait3A_184 = tpu.memref_slice %arg13[%dma_wait3A_182, %dma_wait3A_183] : memref<32x64xf32, #tpu.memory_space<vmem>> -> memref<1x64xf32, #tpu.memory_space<vmem>>
                %dma_wait3A_185 = arith.constant 0 : i32
                %dma_wait3A_186 = arith.constant 0 : i32
                %dma_wait3A_187 = tpu.memref_slice %arg5[%dma_wait3A_185, %dma_wait3A_186] : memref<16384x64xf32, #tpu.memory_space<hbm>> -> memref<1x64xf32, #tpu.memory_space<hbm>>
                %dma_wait3A_188 = arith.constant 0 : i32
                %dma_wait3A_189 = arith.constant 0 : i32
                %dma_wait3A_190 = tpu.memref_slice %arg13[%dma_wait3A_188, %dma_wait3A_189] : memref<32x64xf32, #tpu.memory_space<vmem>> -> memref<1x64xf32, #tpu.memory_space<vmem>>
                %dma_wait3A_191 = arith.constant 0 : i32
                %dma_wait3A_192 = arith.constant 0 : i32
                %dma_wait3A_193 = tpu.memref_slice %arg5[%dma_wait3A_191, %dma_wait3A_192] : memref<16384x64xf32, #tpu.memory_space<hbm>> -> memref<1x64xf32, #tpu.memory_space<hbm>>
                tpu.wait_dma2 semaphore(%arg17 : memref<!tpu.dma_semaphore, #tpu.memory_space<semaphore_mem>>) src(%dma_wait3A_193 : memref<1x64xf32, #tpu.memory_space<hbm>>) dst(%dma_wait3A_190 : memref<1x64xf32, #tpu.memory_space<vmem>>)
                %while3A_194 = arith.constant 0 : i32
                scf.yield %while3A_194 : i32
              }
              %cond3A_179 = arith.constant 0 : i32
              scf.yield %cond3A_179 : i32
            } else {
              scf.yield %add3A_148 : i32
            }
            scf.yield %cond3A_154 : i32
          }
          %while3A_119 = arith.constant 1 : i32
          %while3A_120 = scf.for %while3A_125 = %while3A_116 to %while3A_112 step %while3A_119 iter_args(%while3A_126 = %while3A_118) -> (i32)  : i32 {
            %mul3A_127 = arith.constant 16 : i32
            %mul3A_128 = arith.muli %while3A_125, %mul3A_127 : i32
            %get3A = arith.index_cast %mul3A_128 : i32 to index
            %get3A_129 = tpu.vector_load %arg7[%get3A] {strides = array<i32>} : memref<16384xi32, #tpu.memory_space<vmem>>, vector<16xi32>,
            %mul3A_130 = arith.constant 16 : i32
            %mul3A_131 = arith.muli %while3A_125, %mul3A_130 : i32
            %get3A_132 = arith.index_cast %mul3A_131 : i32 to index
            %get3A_133 = tpu.vector_load %arg8[%get3A_132] {strides = array<i32>} : memref<16384xi32, #tpu.memory_space<vmem>>, vector<16xi32>,
            %mul3A_134 = arith.constant 16 : i32
            %mul3A_135 = arith.muli %while3A_125, %mul3A_134 : i32
            %add3A_136 = vector.broadcast %mul3A_135 : i32 to vector<16xi32>
            %add3A_137 = arith.addi %add3A_136, %iota3A : vector<16xi32>
            %lt3A_138 = vector.broadcast %scan3A_7 : i32 to vector<16xi32>
            %lt3A_139 = arith.cmpi slt, %add3A_137, %lt3A_138 : vector<16xi32>
            %shift_right_logical3A = arith.constant 9 : i32
            %shift_right_logical3A_140 = vector.broadcast %shift_right_logical3A : i32 to vector<16xi32>
            %shift_right_logical3A_141 = arith.shrui %get3A_129, %shift_right_logical3A_140 : vector<16xi32>
            %eq3A_142 = vector.broadcast %add3A_54 : i32 to vector<16xi32>
            %eq3A_143 = arith.cmpi eq, %shift_right_logical3A_141, %eq3A_142 : vector<16xi32>
            %and3A_144 = arith.andi %eq3A_143, %lt3A_139 : vector<16xi1>
            %all_reduce_population_count3A = tpu.all_reduce %and3A_144 {dim = 0 : i64, kind = #tpu.reduction_kind<sum>} : vector<16xi1> -> vector<16xi32>
            %slice3A = vector.extract_strided_slice %all_reduce_population_count3A {offsets = [0], sizes = [1], strides = [1]} : vector<16xi32> to vector<1xi32>
            %squeeze3A = vector.extract %slice3A[0] : i32 from vector<1xi32>
            %swap3A = arith.index_cast %while3A_126 : i32 to index
            %swap3A_145 = tpu.vector_load %arg11[%swap3A] masked %and3A_144 {strides = array<i32>} : memref<48xi32, #tpu.memory_space<vmem>>, vector<16xi32>, vector<16xi1>
            tpu.vector_store %arg11[%swap3A], %get3A_129 masked %and3A_144 {strides = array<i32>} : memref<48xi32, #tpu.memory_space<vmem>>, vector<16xi32>, vector<16xi1>
            %swap3A_146 = arith.index_cast %while3A_126 : i32 to index
            %swap3A_147 = tpu.vector_load %arg12[%swap3A_146] masked %and3A_144 {strides = array<i32>} : memref<48xi32, #tpu.memory_space<vmem>>, vector<16xi32>, vector<16xi1>
            tpu.vector_store %arg12[%swap3A_146], %get3A_133 masked %and3A_144 {strides = array<i32>} : memref<48xi32, #tpu.memory_space<vmem>>, vector<16xi32>, vector<16xi1>
            %add3A_148 = arith.addi %while3A_126, %squeeze3A : i32
            %gt3A_149 = arith.constant 16 : i32
            %gt3A_150 = arith.cmpi sgt, %add3A_148, %gt3A_149 : i32
            %convert_element_type3A_151 = arith.extui %gt3A_150 : i1 to i32
            %cond3A_152 = arith.constant 0 : i32
            %cond3A_153 = arith.cmpi ne, %convert_element_type3A_151, %cond3A_152 : i32
            %cond3A_154 = scf.if %cond3A_153 -> (i32) {
              %while3A_155 = arith.constant 0 : i32
              %while3A_156 = arith.constant 0 : i32
              %while3A_157 = arith.subi %add3A_148, %while3A_155 : i32
              %while3A_158 = arith.addi %while3A_155, %while3A_157 : i32
              %while3A_159 = arith.constant 1 : i32
              %while3A_160 = arith.divsi %while3A_157, %while3A_159 : i32
              %while3A_161 = arith.muli %while3A_160, %while3A_159 : i32
              %while3A_162 = arith.addi %while3A_155, %while3A_161 : i32
              %while3A_163 = arith.constant 1 : i32
              %while3A_164 = scf.for %while3A_180 = %while3A_155 to %while3A_162 step %while3A_163 iter_args(%while3A_181 = %while3A_156) -> (i32)  : i32 {
                %broadcast_in_dim3A = arith.constant 0 : i32
                %broadcast_in_dim3A_182 = vector.broadcast %broadcast_in_dim3A : i32 to vector<16xi32>
                %add3A_183 = vector.broadcast %while3A_180 : i32 to vector<16xi32>
                %add3A_184 = arith.addi %broadcast_in_dim3A_182, %add3A_183 : vector<16xi32>
                %gather3A = tpu.vector_load_idx %arg11[%add3A_184] : memref<48xi32, #tpu.memory_space<vmem>>[vector<16xi32>], vector<16xi32>,
                %gather3A_185 = tpu.vector_load_idx %arg12[%add3A_184] : memref<48xi32, #tpu.memory_space<vmem>>[vector<16xi32>], vector<16xi32>,
                %sub3A_186 = vector.broadcast %mul3A_108 : i32 to vector<16xi32>
                %sub3A_187 = arith.subi %gather3A, %sub3A_186 : vector<16xi32>
                %add3A_188 = arith.constant 0 : i32
                %add3A_189 = vector.broadcast %add3A_188 : i32 to vector<16xi32>
                %add3A_190 = arith.addi %add3A_189, %iota3A : vector<16xi32>
                %gather3A_191 = tpu.vector_load_idx %arg9[%add3A_190, %sub3A_187] : memref<64x512xf32, #tpu.memory_space<vmem>>[vector<16xi32>, vector<16xi32>], vector<16xf32>,
                %swap3A_192 = arith.index_cast %while3A_180 : i32 to index
                %swap3A_193 = arith.constant 0 : index
                %swap3A_194 = tpu.vector_load %arg13[%swap3A_192, %swap3A_193] {strides = array<i32>} : memref<32x64xf32, #tpu.memory_space<vmem>>, vector<16xf32>,
                tpu.vector_store %arg13[%swap3A_192, %swap3A_193], %gather3A_191 {strides = array<i32>} : memref<32x64xf32, #tpu.memory_space<vmem>>, vector<16xf32>,
                %add3A_195 = arith.constant 16 : i32
                %add3A_196 = vector.broadcast %add3A_195 : i32 to vector<16xi32>
                %add3A_197 = arith.addi %add3A_196, %iota3A : vector<16xi32>
                %gather3A_198 = tpu.vector_load_idx %arg9[%add3A_197, %sub3A_187] : memref<64x512xf32, #tpu.memory_space<vmem>>[vector<16xi32>, vector<16xi32>], vector<16xf32>,
                %swap3A_199 = arith.index_cast %while3A_180 : i32 to index
                %swap3A_200 = arith.constant 16 : index
                %swap3A_201 = tpu.vector_load %arg13[%swap3A_199, %swap3A_200] {strides = array<i32>} : memref<32x64xf32, #tpu.memory_space<vmem>>, vector<16xf32>,
                tpu.vector_store %arg13[%swap3A_199, %swap3A_200], %gather3A_198 {strides = array<i32>} : memref<32x64xf32, #tpu.memory_space<vmem>>, vector<16xf32>,
                %add3A_202 = arith.constant 32 : i32
                %add3A_203 = vector.broadcast %add3A_202 : i32 to vector<16xi32>
                %add3A_204 = arith.addi %add3A_203, %iota3A : vector<16xi32>
                %gather3A_205 = tpu.vector_load_idx %arg9[%add3A_204, %sub3A_187] : memref<64x512xf32, #tpu.memory_space<vmem>>[vector<16xi32>, vector<16xi32>], vector<16xf32>,
                %swap3A_206 = arith.index_cast %while3A_180 : i32 to index
                %swap3A_207 = arith.constant 32 : index
                %swap3A_208 = tpu.vector_load %arg13[%swap3A_206, %swap3A_207] {strides = array<i32>} : memref<32x64xf32, #tpu.memory_space<vmem>>, vector<16xf32>,
                tpu.vector_store %arg13[%swap3A_206, %swap3A_207], %gather3A_205 {strides = array<i32>} : memref<32x64xf32, #tpu.memory_space<vmem>>, vector<16xf32>,
                %add3A_209 = arith.constant 48 : i32
                %add3A_210 = vector.broadcast %add3A_209 : i32 to vector<16xi32>
                %add3A_211 = arith.addi %add3A_210, %iota3A : vector<16xi32>
                %gather3A_212 = tpu.vector_load_idx %arg9[%add3A_211, %sub3A_187] : memref<64x512xf32, #tpu.memory_space<vmem>>[vector<16xi32>, vector<16xi32>], vector<16xf32>,
                %swap3A_213 = arith.index_cast %while3A_180 : i32 to index
                %swap3A_214 = arith.constant 48 : index
                %swap3A_215 = tpu.vector_load %arg13[%swap3A_213, %swap3A_214] {strides = array<i32>} : memref<32x64xf32, #tpu.memory_space<vmem>>, vector<16xf32>,
                tpu.vector_store %arg13[%swap3A_213, %swap3A_214], %gather3A_212 {strides = array<i32>} : memref<32x64xf32, #tpu.memory_space<vmem>>, vector<16xf32>,
                %slice3A_216 = vector.extract_strided_slice %gather3A_185 {offsets = [0], sizes = [1], strides = [1]} : vector<16xi32> to vector<1xi32>
                %squeeze3A_217 = vector.extract %slice3A_216[0] : i32 from vector<1xi32>
                %dma_start3A = arith.constant 0 : i32
                %dma_start3A_218 = tpu.memref_slice %arg13[%while3A_180, %dma_start3A] : memref<32x64xf32, #tpu.memory_space<vmem>> -> memref<1x64xf32, #tpu.memory_space<vmem>>
                %dma_start3A_219 = arith.constant 0 : i32
                %dma_start3A_220 = tpu.memref_slice %arg5[%squeeze3A_217, %dma_start3A_219] : memref<16384x64xf32, #tpu.memory_space<hbm>> -> memref<1x64xf32, #tpu.memory_space<hbm>>
                %dma_start3A_221 = arith.constant 0 : i32
                %dma_start3A_222 = tpu.memref_slice %arg5[%squeeze3A_217, %dma_start3A_221] : memref<16384x64xf32, #tpu.memory_space<hbm>> -> memref<1x64xf32, #tpu.memory_space<hbm>>
                %dma_start3A_223 = arith.constant 0 : i32
                %dma_start3A_224 = tpu.memref_slice %arg13[%while3A_180, %dma_start3A_223] : memref<32x64xf32, #tpu.memory_space<vmem>> -> memref<1x64xf32, #tpu.memory_space<vmem>>
                tpu.enqueue_dma source(%dma_start3A_224 : memref<1x64xf32, #tpu.memory_space<vmem>>) target(%dma_start3A_222 : memref<1x64xf32, #tpu.memory_space<hbm>>) target_semaphore(%arg17 : memref<!tpu.dma_semaphore, #tpu.memory_space<semaphore_mem>>)
                %while3A_225 = arith.constant 0 : i32
                scf.yield %while3A_225 : i32
              }
              %while3A_165 = arith.constant 1 : i32
              %while3A_166 = scf.for %while3A_180 = %while3A_162 to %while3A_158 step %while3A_165 iter_args(%while3A_181 = %while3A_164) -> (i32)  : i32 {
                %broadcast_in_dim3A = arith.constant 0 : i32
                %broadcast_in_dim3A_182 = vector.broadcast %broadcast_in_dim3A : i32 to vector<16xi32>
                %add3A_183 = vector.broadcast %while3A_180 : i32 to vector<16xi32>
                %add3A_184 = arith.addi %broadcast_in_dim3A_182, %add3A_183 : vector<16xi32>
                %gather3A = tpu.vector_load_idx %arg11[%add3A_184] : memref<48xi32, #tpu.memory_space<vmem>>[vector<16xi32>], vector<16xi32>,
                %gather3A_185 = tpu.vector_load_idx %arg12[%add3A_184] : memref<48xi32, #tpu.memory_space<vmem>>[vector<16xi32>], vector<16xi32>,
                %sub3A_186 = vector.broadcast %mul3A_108 : i32 to vector<16xi32>
                %sub3A_187 = arith.subi %gather3A, %sub3A_186 : vector<16xi32>
                %add3A_188 = arith.constant 0 : i32
                %add3A_189 = vector.broadcast %add3A_188 : i32 to vector<16xi32>
                %add3A_190 = arith.addi %add3A_189, %iota3A : vector<16xi32>
                %gather3A_191 = tpu.vector_load_idx %arg9[%add3A_190, %sub3A_187] : memref<64x512xf32, #tpu.memory_space<vmem>>[vector<16xi32>, vector<16xi32>], vector<16xf32>,
                %swap3A_192 = arith.index_cast %while3A_180 : i32 to index
                %swap3A_193 = arith.constant 0 : index
                %swap3A_194 = tpu.vector_load %arg13[%swap3A_192, %swap3A_193] {strides = array<i32>} : memref<32x64xf32, #tpu.memory_space<vmem>>, vector<16xf32>,
                tpu.vector_store %arg13[%swap3A_192, %swap3A_193], %gather3A_191 {strides = array<i32>} : memref<32x64xf32, #tpu.memory_space<vmem>>, vector<16xf32>,
                %add3A_195 = arith.constant 16 : i32
                %add3A_196 = vector.broadcast %add3A_195 : i32 to vector<16xi32>
                %add3A_197 = arith.addi %add3A_196, %iota3A : vector<16xi32>
                %gather3A_198 = tpu.vector_load_idx %arg9[%add3A_197, %sub3A_187] : memref<64x512xf32, #tpu.memory_space<vmem>>[vector<16xi32>, vector<16xi32>], vector<16xf32>,
                %swap3A_199 = arith.index_cast %while3A_180 : i32 to index
                %swap3A_200 = arith.constant 16 : index
                %swap3A_201 = tpu.vector_load %arg13[%swap3A_199, %swap3A_200] {strides = array<i32>} : memref<32x64xf32, #tpu.memory_space<vmem>>, vector<16xf32>,
                tpu.vector_store %arg13[%swap3A_199, %swap3A_200], %gather3A_198 {strides = array<i32>} : memref<32x64xf32, #tpu.memory_space<vmem>>, vector<16xf32>,
                %add3A_202 = arith.constant 32 : i32
                %add3A_203 = vector.broadcast %add3A_202 : i32 to vector<16xi32>
                %add3A_204 = arith.addi %add3A_203, %iota3A : vector<16xi32>
                %gather3A_205 = tpu.vector_load_idx %arg9[%add3A_204, %sub3A_187] : memref<64x512xf32, #tpu.memory_space<vmem>>[vector<16xi32>, vector<16xi32>], vector<16xf32>,
                %swap3A_206 = arith.index_cast %while3A_180 : i32 to index
                %swap3A_207 = arith.constant 32 : index
                %swap3A_208 = tpu.vector_load %arg13[%swap3A_206, %swap3A_207] {strides = array<i32>} : memref<32x64xf32, #tpu.memory_space<vmem>>, vector<16xf32>,
                tpu.vector_store %arg13[%swap3A_206, %swap3A_207], %gather3A_205 {strides = array<i32>} : memref<32x64xf32, #tpu.memory_space<vmem>>, vector<16xf32>,
                %add3A_209 = arith.constant 48 : i32
                %add3A_210 = vector.broadcast %add3A_209 : i32 to vector<16xi32>
                %add3A_211 = arith.addi %add3A_210, %iota3A : vector<16xi32>
                %gather3A_212 = tpu.vector_load_idx %arg9[%add3A_211, %sub3A_187] : memref<64x512xf32, #tpu.memory_space<vmem>>[vector<16xi32>, vector<16xi32>], vector<16xf32>,
                %swap3A_213 = arith.index_cast %while3A_180 : i32 to index
                %swap3A_214 = arith.constant 48 : index
                %swap3A_215 = tpu.vector_load %arg13[%swap3A_213, %swap3A_214] {strides = array<i32>} : memref<32x64xf32, #tpu.memory_space<vmem>>, vector<16xf32>,
                tpu.vector_store %arg13[%swap3A_213, %swap3A_214], %gather3A_212 {strides = array<i32>} : memref<32x64xf32, #tpu.memory_space<vmem>>, vector<16xf32>,
                %slice3A_216 = vector.extract_strided_slice %gather3A_185 {offsets = [0], sizes = [1], strides = [1]} : vector<16xi32> to vector<1xi32>
                %squeeze3A_217 = vector.extract %slice3A_216[0] : i32 from vector<1xi32>
                %dma_start3A = arith.constant 0 : i32
                %dma_start3A_218 = tpu.memref_slice %arg13[%while3A_180, %dma_start3A] : memref<32x64xf32, #tpu.memory_space<vmem>> -> memref<1x64xf32, #tpu.memory_space<vmem>>
                %dma_start3A_219 = arith.constant 0 : i32
                %dma_start3A_220 = tpu.memref_slice %arg5[%squeeze3A_217, %dma_start3A_219] : memref<16384x64xf32, #tpu.memory_space<hbm>> -> memref<1x64xf32, #tpu.memory_space<hbm>>
                %dma_start3A_221 = arith.constant 0 : i32
                %dma_start3A_222 = tpu.memref_slice %arg5[%squeeze3A_217, %dma_start3A_221] : memref<16384x64xf32, #tpu.memory_space<hbm>> -> memref<1x64xf32, #tpu.memory_space<hbm>>
                %dma_start3A_223 = arith.constant 0 : i32
                %dma_start3A_224 = tpu.memref_slice %arg13[%while3A_180, %dma_start3A_223] : memref<32x64xf32, #tpu.memory_space<vmem>> -> memref<1x64xf32, #tpu.memory_space<vmem>>
                tpu.enqueue_dma source(%dma_start3A_224 : memref<1x64xf32, #tpu.memory_space<vmem>>) target(%dma_start3A_222 : memref<1x64xf32, #tpu.memory_space<hbm>>) target_semaphore(%arg17 : memref<!tpu.dma_semaphore, #tpu.memory_space<semaphore_mem>>)
                %while3A_225 = arith.constant 0 : i32
                scf.yield %while3A_225 : i32
              }
              %while3A_167 = arith.constant 0 : i32
              %while3A_168 = arith.constant 0 : i32
              %while3A_169 = arith.subi %add3A_148, %while3A_167 : i32
              %while3A_170 = arith.addi %while3A_167, %while3A_169 : i32
              %while3A_171 = arith.constant 1 : i32
              %while3A_172 = arith.divsi %while3A_169, %while3A_171 : i32
              %while3A_173 = arith.muli %while3A_172, %while3A_171 : i32
              %while3A_174 = arith.addi %while3A_167, %while3A_173 : i32
              %while3A_175 = arith.constant 1 : i32
              %while3A_176 = scf.for %while3A_180 = %while3A_167 to %while3A_174 step %while3A_175 iter_args(%while3A_181 = %while3A_168) -> (i32)  : i32 {
                %dma_wait3A_182 = arith.constant 0 : i32
                %dma_wait3A_183 = arith.constant 0 : i32
                %dma_wait3A_184 = tpu.memref_slice %arg13[%dma_wait3A_182, %dma_wait3A_183] : memref<32x64xf32, #tpu.memory_space<vmem>> -> memref<1x64xf32, #tpu.memory_space<vmem>>
                %dma_wait3A_185 = arith.constant 0 : i32
                %dma_wait3A_186 = arith.constant 0 : i32
                %dma_wait3A_187 = tpu.memref_slice %arg5[%dma_wait3A_185, %dma_wait3A_186] : memref<16384x64xf32, #tpu.memory_space<hbm>> -> memref<1x64xf32, #tpu.memory_space<hbm>>
                %dma_wait3A_188 = arith.constant 0 : i32
                %dma_wait3A_189 = arith.constant 0 : i32
                %dma_wait3A_190 = tpu.memref_slice %arg13[%dma_wait3A_188, %dma_wait3A_189] : memref<32x64xf32, #tpu.memory_space<vmem>> -> memref<1x64xf32, #tpu.memory_space<vmem>>
                %dma_wait3A_191 = arith.constant 0 : i32
                %dma_wait3A_192 = arith.constant 0 : i32
                %dma_wait3A_193 = tpu.memref_slice %arg5[%dma_wait3A_191, %dma_wait3A_192] : memref<16384x64xf32, #tpu.memory_space<hbm>> -> memref<1x64xf32, #tpu.memory_space<hbm>>
                tpu.wait_dma2 semaphore(%arg17 : memref<!tpu.dma_semaphore, #tpu.memory_space<semaphore_mem>>) src(%dma_wait3A_193 : memref<1x64xf32, #tpu.memory_space<hbm>>) dst(%dma_wait3A_190 : memref<1x64xf32, #tpu.memory_space<vmem>>)
                %while3A_194 = arith.constant 0 : i32
                scf.yield %while3A_194 : i32
              }
              %while3A_177 = arith.constant 1 : i32
              %while3A_178 = scf.for %while3A_180 = %while3A_174 to %while3A_170 step %while3A_177 iter_args(%while3A_181 = %while3A_176) -> (i32)  : i32 {
                %dma_wait3A_182 = arith.constant 0 : i32
                %dma_wait3A_183 = arith.constant 0 : i32
                %dma_wait3A_184 = tpu.memref_slice %arg13[%dma_wait3A_182, %dma_wait3A_183] : memref<32x64xf32, #tpu.memory_space<vmem>> -> memref<1x64xf32, #tpu.memory_space<vmem>>
                %dma_wait3A_185 = arith.constant 0 : i32
                %dma_wait3A_186 = arith.constant 0 : i32
                %dma_wait3A_187 = tpu.memref_slice %arg5[%dma_wait3A_185, %dma_wait3A_186] : memref<16384x64xf32, #tpu.memory_space<hbm>> -> memref<1x64xf32, #tpu.memory_space<hbm>>
                %dma_wait3A_188 = arith.constant 0 : i32
                %dma_wait3A_189 = arith.constant 0 : i32
                %dma_wait3A_190 = tpu.memref_slice %arg13[%dma_wait3A_188, %dma_wait3A_189] : memref<32x64xf32, #tpu.memory_space<vmem>> -> memref<1x64xf32, #tpu.memory_space<vmem>>
                %dma_wait3A_191 = arith.constant 0 : i32
                %dma_wait3A_192 = arith.constant 0 : i32
                %dma_wait3A_193 = tpu.memref_slice %arg5[%dma_wait3A_191, %dma_wait3A_192] : memref<16384x64xf32, #tpu.memory_space<hbm>> -> memref<1x64xf32, #tpu.memory_space<hbm>>
                tpu.wait_dma2 semaphore(%arg17 : memref<!tpu.dma_semaphore, #tpu.memory_space<semaphore_mem>>) src(%dma_wait3A_193 : memref<1x64xf32, #tpu.memory_space<hbm>>) dst(%dma_wait3A_190 : memref<1x64xf32, #tpu.memory_space<vmem>>)
                %while3A_194 = arith.constant 0 : i32
                scf.yield %while3A_194 : i32
              }
              %cond3A_179 = arith.constant 0 : i32
              scf.yield %cond3A_179 : i32
            } else {
              scf.yield %add3A_148 : i32
            }
            scf.yield %cond3A_154 : i32
          }
          %gt3A = arith.constant 0 : i32
          %gt3A_121 = arith.cmpi sgt, %while3A_120, %gt3A : i32
          %convert_element_type3A_122 = arith.extui %gt3A_121 : i1 to i32
          %cond3A_123 = arith.constant 0 : i32
          %cond3A_124 = arith.cmpi ne, %convert_element_type3A_122, %cond3A_123 : i32
          scf.if %cond3A_124 {
            %while3A_125 = arith.constant 0 : i32
            %while3A_126 = arith.constant 0 : i32
            %while3A_127 = arith.subi %while3A_120, %while3A_125 : i32
            %while3A_128 = arith.addi %while3A_125, %while3A_127 : i32
            %while3A_129 = arith.constant 1 : i32
            %while3A_130 = arith.divsi %while3A_127, %while3A_129 : i32
            %while3A_131 = arith.muli %while3A_130, %while3A_129 : i32
            %while3A_132 = arith.addi %while3A_125, %while3A_131 : i32
            %while3A_133 = arith.constant 1 : i32
            %while3A_134 = scf.for %while3A_137 = %while3A_125 to %while3A_132 step %while3A_133 iter_args(%while3A_138 = %while3A_126) -> (i32)  : i32 {
              %broadcast_in_dim3A = arith.constant 0 : i32
              %broadcast_in_dim3A_139 = vector.broadcast %broadcast_in_dim3A : i32 to vector<16xi32>
              %add3A_140 = vector.broadcast %while3A_137 : i32 to vector<16xi32>
              %add3A_141 = arith.addi %broadcast_in_dim3A_139, %add3A_140 : vector<16xi32>
              %gather3A = tpu.vector_load_idx %arg11[%add3A_141] : memref<48xi32, #tpu.memory_space<vmem>>[vector<16xi32>], vector<16xi32>,
              %gather3A_142 = tpu.vector_load_idx %arg12[%add3A_141] : memref<48xi32, #tpu.memory_space<vmem>>[vector<16xi32>], vector<16xi32>,
              %sub3A_143 = vector.broadcast %mul3A_108 : i32 to vector<16xi32>
              %sub3A_144 = arith.subi %gather3A, %sub3A_143 : vector<16xi32>
              %add3A_145 = arith.constant 0 : i32
              %add3A_146 = vector.broadcast %add3A_145 : i32 to vector<16xi32>
              %add3A_147 = arith.addi %add3A_146, %iota3A : vector<16xi32>
              %gather3A_148 = tpu.vector_load_idx %arg9[%add3A_147, %sub3A_144] : memref<64x512xf32, #tpu.memory_space<vmem>>[vector<16xi32>, vector<16xi32>], vector<16xf32>,
              %swap3A = arith.index_cast %while3A_137 : i32 to index
              %swap3A_149 = arith.constant 0 : index
              %swap3A_150 = tpu.vector_load %arg13[%swap3A, %swap3A_149] {strides = array<i32>} : memref<32x64xf32, #tpu.memory_space<vmem>>, vector<16xf32>,
              tpu.vector_store %arg13[%swap3A, %swap3A_149], %gather3A_148 {strides = array<i32>} : memref<32x64xf32, #tpu.memory_space<vmem>>, vector<16xf32>,
              %add3A_151 = arith.constant 16 : i32
              %add3A_152 = vector.broadcast %add3A_151 : i32 to vector<16xi32>
              %add3A_153 = arith.addi %add3A_152, %iota3A : vector<16xi32>
              %gather3A_154 = tpu.vector_load_idx %arg9[%add3A_153, %sub3A_144] : memref<64x512xf32, #tpu.memory_space<vmem>>[vector<16xi32>, vector<16xi32>], vector<16xf32>,
              %swap3A_155 = arith.index_cast %while3A_137 : i32 to index
              %swap3A_156 = arith.constant 16 : index
              %swap3A_157 = tpu.vector_load %arg13[%swap3A_155, %swap3A_156] {strides = array<i32>} : memref<32x64xf32, #tpu.memory_space<vmem>>, vector<16xf32>,
              tpu.vector_store %arg13[%swap3A_155, %swap3A_156], %gather3A_154 {strides = array<i32>} : memref<32x64xf32, #tpu.memory_space<vmem>>, vector<16xf32>,
              %add3A_158 = arith.constant 32 : i32
              %add3A_159 = vector.broadcast %add3A_158 : i32 to vector<16xi32>
              %add3A_160 = arith.addi %add3A_159, %iota3A : vector<16xi32>
              %gather3A_161 = tpu.vector_load_idx %arg9[%add3A_160, %sub3A_144] : memref<64x512xf32, #tpu.memory_space<vmem>>[vector<16xi32>, vector<16xi32>], vector<16xf32>,
              %swap3A_162 = arith.index_cast %while3A_137 : i32 to index
              %swap3A_163 = arith.constant 32 : index
              %swap3A_164 = tpu.vector_load %arg13[%swap3A_162, %swap3A_163] {strides = array<i32>} : memref<32x64xf32, #tpu.memory_space<vmem>>, vector<16xf32>,
              tpu.vector_store %arg13[%swap3A_162, %swap3A_163], %gather3A_161 {strides = array<i32>} : memref<32x64xf32, #tpu.memory_space<vmem>>, vector<16xf32>,
              %add3A_165 = arith.constant 48 : i32
              %add3A_166 = vector.broadcast %add3A_165 : i32 to vector<16xi32>
              %add3A_167 = arith.addi %add3A_166, %iota3A : vector<16xi32>
              %gather3A_168 = tpu.vector_load_idx %arg9[%add3A_167, %sub3A_144] : memref<64x512xf32, #tpu.memory_space<vmem>>[vector<16xi32>, vector<16xi32>], vector<16xf32>,
              %swap3A_169 = arith.index_cast %while3A_137 : i32 to index
              %swap3A_170 = arith.constant 48 : index
              %swap3A_171 = tpu.vector_load %arg13[%swap3A_169, %swap3A_170] {strides = array<i32>} : memref<32x64xf32, #tpu.memory_space<vmem>>, vector<16xf32>,
              tpu.vector_store %arg13[%swap3A_169, %swap3A_170], %gather3A_168 {strides = array<i32>} : memref<32x64xf32, #tpu.memory_space<vmem>>, vector<16xf32>,
              %slice3A = vector.extract_strided_slice %gather3A_142 {offsets = [0], sizes = [1], strides = [1]} : vector<16xi32> to vector<1xi32>
              %squeeze3A = vector.extract %slice3A[0] : i32 from vector<1xi32>
              %dma_start3A = arith.constant 0 : i32
              %dma_start3A_172 = tpu.memref_slice %arg13[%while3A_137, %dma_start3A] : memref<32x64xf32, #tpu.memory_space<vmem>> -> memref<1x64xf32, #tpu.memory_space<vmem>>
              %dma_start3A_173 = arith.constant 0 : i32
              %dma_start3A_174 = tpu.memref_slice %arg5[%squeeze3A, %dma_start3A_173] : memref<16384x64xf32, #tpu.memory_space<hbm>> -> memref<1x64xf32, #tpu.memory_space<hbm>>
              %dma_start3A_175 = arith.constant 0 : i32
              %dma_start3A_176 = tpu.memref_slice %arg5[%squeeze3A, %dma_start3A_175] : memref<16384x64xf32, #tpu.memory_space<hbm>> -> memref<1x64xf32, #tpu.memory_space<hbm>>
              %dma_start3A_177 = arith.constant 0 : i32
              %dma_start3A_178 = tpu.memref_slice %arg13[%while3A_137, %dma_start3A_177] : memref<32x64xf32, #tpu.memory_space<vmem>> -> memref<1x64xf32, #tpu.memory_space<vmem>>
              tpu.enqueue_dma source(%dma_start3A_178 : memref<1x64xf32, #tpu.memory_space<vmem>>) target(%dma_start3A_176 : memref<1x64xf32, #tpu.memory_space<hbm>>) target_semaphore(%arg17 : memref<!tpu.dma_semaphore, #tpu.memory_space<semaphore_mem>>)
              %while3A_179 = arith.constant 0 : i32
              scf.yield %while3A_179 : i32
            }
            %while3A_135 = arith.constant 1 : i32
            %while3A_136 = scf.for %while3A_137 = %while3A_132 to %while3A_128 step %while3A_135 iter_args(%while3A_138 = %while3A_134) -> (i32)  : i32 {
              %broadcast_in_dim3A = arith.constant 0 : i32
              %broadcast_in_dim3A_139 = vector.broadcast %broadcast_in_dim3A : i32 to vector<16xi32>
              %add3A_140 = vector.broadcast %while3A_137 : i32 to vector<16xi32>
              %add3A_141 = arith.addi %broadcast_in_dim3A_139, %add3A_140 : vector<16xi32>
              %gather3A = tpu.vector_load_idx %arg11[%add3A_141] : memref<48xi32, #tpu.memory_space<vmem>>[vector<16xi32>], vector<16xi32>,
              %gather3A_142 = tpu.vector_load_idx %arg12[%add3A_141] : memref<48xi32, #tpu.memory_space<vmem>>[vector<16xi32>], vector<16xi32>,
              %sub3A_143 = vector.broadcast %mul3A_108 : i32 to vector<16xi32>
              %sub3A_144 = arith.subi %gather3A, %sub3A_143 : vector<16xi32>
              %add3A_145 = arith.constant 0 : i32
              %add3A_146 = vector.broadcast %add3A_145 : i32 to vector<16xi32>
              %add3A_147 = arith.addi %add3A_146, %iota3A : vector<16xi32>
              %gather3A_148 = tpu.vector_load_idx %arg9[%add3A_147, %sub3A_144] : memref<64x512xf32, #tpu.memory_space<vmem>>[vector<16xi32>, vector<16xi32>], vector<16xf32>,
              %swap3A = arith.index_cast %while3A_137 : i32 to index
              %swap3A_149 = arith.constant 0 : index
              %swap3A_150 = tpu.vector_load %arg13[%swap3A, %swap3A_149] {strides = array<i32>} : memref<32x64xf32, #tpu.memory_space<vmem>>, vector<16xf32>,
              tpu.vector_store %arg13[%swap3A, %swap3A_149], %gather3A_148 {strides = array<i32>} : memref<32x64xf32, #tpu.memory_space<vmem>>, vector<16xf32>,
              %add3A_151 = arith.constant 16 : i32
              %add3A_152 = vector.broadcast %add3A_151 : i32 to vector<16xi32>
              %add3A_153 = arith.addi %add3A_152, %iota3A : vector<16xi32>
              %gather3A_154 = tpu.vector_load_idx %arg9[%add3A_153, %sub3A_144] : memref<64x512xf32, #tpu.memory_space<vmem>>[vector<16xi32>, vector<16xi32>], vector<16xf32>,
              %swap3A_155 = arith.index_cast %while3A_137 : i32 to index
              %swap3A_156 = arith.constant 16 : index
              %swap3A_157 = tpu.vector_load %arg13[%swap3A_155, %swap3A_156] {strides = array<i32>} : memref<32x64xf32, #tpu.memory_space<vmem>>, vector<16xf32>,
              tpu.vector_store %arg13[%swap3A_155, %swap3A_156], %gather3A_154 {strides = array<i32>} : memref<32x64xf32, #tpu.memory_space<vmem>>, vector<16xf32>,
              %add3A_158 = arith.constant 32 : i32
              %add3A_159 = vector.broadcast %add3A_158 : i32 to vector<16xi32>
              %add3A_160 = arith.addi %add3A_159, %iota3A : vector<16xi32>
              %gather3A_161 = tpu.vector_load_idx %arg9[%add3A_160, %sub3A_144] : memref<64x512xf32, #tpu.memory_space<vmem>>[vector<16xi32>, vector<16xi32>], vector<16xf32>,
              %swap3A_162 = arith.index_cast %while3A_137 : i32 to index
              %swap3A_163 = arith.constant 32 : index
              %swap3A_164 = tpu.vector_load %arg13[%swap3A_162, %swap3A_163] {strides = array<i32>} : memref<32x64xf32, #tpu.memory_space<vmem>>, vector<16xf32>,
              tpu.vector_store %arg13[%swap3A_162, %swap3A_163], %gather3A_161 {strides = array<i32>} : memref<32x64xf32, #tpu.memory_space<vmem>>, vector<16xf32>,
              %add3A_165 = arith.constant 48 : i32
              %add3A_166 = vector.broadcast %add3A_165 : i32 to vector<16xi32>
              %add3A_167 = arith.addi %add3A_166, %iota3A : vector<16xi32>
              %gather3A_168 = tpu.vector_load_idx %arg9[%add3A_167, %sub3A_144] : memref<64x512xf32, #tpu.memory_space<vmem>>[vector<16xi32>, vector<16xi32>], vector<16xf32>,
              %swap3A_169 = arith.index_cast %while3A_137 : i32 to index
              %swap3A_170 = arith.constant 48 : index
              %swap3A_171 = tpu.vector_load %arg13[%swap3A_169, %swap3A_170] {strides = array<i32>} : memref<32x64xf32, #tpu.memory_space<vmem>>, vector<16xf32>,
              tpu.vector_store %arg13[%swap3A_169, %swap3A_170], %gather3A_168 {strides = array<i32>} : memref<32x64xf32, #tpu.memory_space<vmem>>, vector<16xf32>,
              %slice3A = vector.extract_strided_slice %gather3A_142 {offsets = [0], sizes = [1], strides = [1]} : vector<16xi32> to vector<1xi32>
              %squeeze3A = vector.extract %slice3A[0] : i32 from vector<1xi32>
              %dma_start3A = arith.constant 0 : i32
              %dma_start3A_172 = tpu.memref_slice %arg13[%while3A_137, %dma_start3A] : memref<32x64xf32, #tpu.memory_space<vmem>> -> memref<1x64xf32, #tpu.memory_space<vmem>>
              %dma_start3A_173 = arith.constant 0 : i32
              %dma_start3A_174 = tpu.memref_slice %arg5[%squeeze3A, %dma_start3A_173] : memref<16384x64xf32, #tpu.memory_space<hbm>> -> memref<1x64xf32, #tpu.memory_space<hbm>>
              %dma_start3A_175 = arith.constant 0 : i32
              %dma_start3A_176 = tpu.memref_slice %arg5[%squeeze3A, %dma_start3A_175] : memref<16384x64xf32, #tpu.memory_space<hbm>> -> memref<1x64xf32, #tpu.memory_space<hbm>>
              %dma_start3A_177 = arith.constant 0 : i32
              %dma_start3A_178 = tpu.memref_slice %arg13[%while3A_137, %dma_start3A_177] : memref<32x64xf32, #tpu.memory_space<vmem>> -> memref<1x64xf32, #tpu.memory_space<vmem>>
              tpu.enqueue_dma source(%dma_start3A_178 : memref<1x64xf32, #tpu.memory_space<vmem>>) target(%dma_start3A_176 : memref<1x64xf32, #tpu.memory_space<hbm>>) target_semaphore(%arg17 : memref<!tpu.dma_semaphore, #tpu.memory_space<semaphore_mem>>)
              %while3A_179 = arith.constant 0 : i32
              scf.yield %while3A_179 : i32
            }
          } else {
          }
          scf.yield %while3A_120 : i32
        } else {
          scf.yield %scan3A_51 : i32
        }
        scf.yield %cond3A_89 : i32
      } else {
        %lt3A_79 = arith.constant 1953 : i32
        %lt3A_80 = arith.cmpi slt, %add3A_56, %lt3A_79 : i32
        %convert_element_type3A_81 = arith.extui %lt3A_80 : i1 to i32
        %cond3A_82 = arith.constant 0 : i32
        %cond3A_83 = arith.cmpi ne, %convert_element_type3A_81, %cond3A_82 : i32
        scf.if %cond3A_83 {
          %mul3A_90 = arith.constant 512 : i32
          %mul3A_91 = arith.muli %add3A_56, %mul3A_90 : i32
          %dma_start3A = arith.constant 0 : i32
          %dma_start3A_92 = arith.constant 0 : i32
          %dma_start3A_93 = tpu.memref_slice %arg9[%dma_start3A, %dma_start3A_92] : memref<64x512xf32, #tpu.memory_space<vmem>> -> memref<32x512xf32, #tpu.memory_space<vmem>>
          %dma_start3A_94 = arith.constant 0 : i32
          %dma_start3A_95 = tpu.memref_slice %arg2[%dma_start3A_94, %mul3A_91] : memref<64x1000000xf32, #tpu.memory_space<hbm>> -> memref<32x512xf32, #tpu.memory_space<hbm>>
          %dma_start3A_96 = arith.constant 0 : i32
          %dma_start3A_97 = arith.constant 0 : i32
          %dma_start3A_98 = tpu.memref_slice %arg9[%dma_start3A_96, %dma_start3A_97] : memref<64x512xf32, #tpu.memory_space<vmem>> -> memref<32x512xf32, #tpu.memory_space<vmem>>
          %dma_start3A_99 = arith.constant 0 : i32
          %dma_start3A_100 = tpu.memref_slice %arg2[%dma_start3A_99, %mul3A_91] : memref<64x1000000xf32, #tpu.memory_space<hbm>> -> memref<32x512xf32, #tpu.memory_space<hbm>>
          tpu.enqueue_dma source(%dma_start3A_100 : memref<32x512xf32, #tpu.memory_space<hbm>>) target(%dma_start3A_98 : memref<32x512xf32, #tpu.memory_space<vmem>>) target_semaphore(%arg15 : memref<!tpu.dma_semaphore, #tpu.memory_space<semaphore_mem>>)
          %mul3A_101 = arith.constant 512 : i32
          %mul3A_102 = arith.muli %add3A_56, %mul3A_101 : i32
          %dma_start3A_103 = arith.constant 32 : i32
          %dma_start3A_104 = arith.constant 0 : i32
          %dma_start3A_105 = tpu.memref_slice %arg9[%dma_start3A_103, %dma_start3A_104] : memref<64x512xf32, #tpu.memory_space<vmem>> -> memref<32x512xf32, #tpu.memory_space<vmem>>
          %dma_start3A_106 = arith.constant 32 : i32
          %dma_start3A_107 = tpu.memref_slice %arg2[%dma_start3A_106, %mul3A_102] : memref<64x1000000xf32, #tpu.memory_space<hbm>> -> memref<32x512xf32, #tpu.memory_space<hbm>>
          %dma_start3A_108 = arith.constant 32 : i32
          %dma_start3A_109 = arith.constant 0 : i32
          %dma_start3A_110 = tpu.memref_slice %arg9[%dma_start3A_108, %dma_start3A_109] : memref<64x512xf32, #tpu.memory_space<vmem>> -> memref<32x512xf32, #tpu.memory_space<vmem>>
          %dma_start3A_111 = arith.constant 32 : i32
          %dma_start3A_112 = tpu.memref_slice %arg2[%dma_start3A_111, %mul3A_102] : memref<64x1000000xf32, #tpu.memory_space<hbm>> -> memref<32x512xf32, #tpu.memory_space<hbm>>
          tpu.enqueue_dma source(%dma_start3A_112 : memref<32x512xf32, #tpu.memory_space<hbm>>) target(%dma_start3A_110 : memref<32x512xf32, #tpu.memory_space<vmem>>) target_semaphore(%arg15 : memref<!tpu.dma_semaphore, #tpu.memory_space<semaphore_mem>>)
        } else {
        }
        %lt3A_84 = arith.constant 1953 : i32
        %lt3A_85 = arith.cmpi slt, %add3A_54, %lt3A_84 : i32
        %convert_element_type3A_86 = arith.extui %lt3A_85 : i1 to i32
        %cond3A_87 = arith.constant 0 : i32
        %cond3A_88 = arith.cmpi ne, %convert_element_type3A_86, %cond3A_87 : i32
        %cond3A_89 = scf.if %cond3A_88 -> (i32) {
          %dma_wait3A = arith.constant 0 : i32
          %dma_wait3A_90 = arith.constant 0 : i32
          %dma_wait3A_91 = tpu.memref_slice %arg2[%dma_wait3A, %dma_wait3A_90] : memref<64x1000000xf32, #tpu.memory_space<hbm>> -> memref<64x512xf32, #tpu.memory_space<hbm>>
          %dma_wait3A_92 = arith.constant 0 : i32
          %dma_wait3A_93 = arith.constant 0 : i32
          %dma_wait3A_94 = tpu.memref_slice %arg2[%dma_wait3A_92, %dma_wait3A_93] : memref<64x1000000xf32, #tpu.memory_space<hbm>> -> memref<64x512xf32, #tpu.memory_space<hbm>>
          tpu.wait_dma2 semaphore(%arg16 : memref<!tpu.dma_semaphore, #tpu.memory_space<semaphore_mem>>) src(%dma_wait3A_94 : memref<64x512xf32, #tpu.memory_space<hbm>>) dst(%arg10 : memref<64x512xf32, #tpu.memory_space<vmem>>)
          %while3A_95 = arith.constant 0 : i32
          %while3A_96 = arith.constant 0 : i32
          %while3A_97 = arith.subi %scan3A_51, %while3A_95 : i32
          %while3A_98 = arith.addi %while3A_95, %while3A_97 : i32
          %while3A_99 = arith.constant 1 : i32
          %while3A_100 = arith.divsi %while3A_97, %while3A_99 : i32
          %while3A_101 = arith.muli %while3A_100, %while3A_99 : i32
          %while3A_102 = arith.addi %while3A_95, %while3A_101 : i32
          %while3A_103 = arith.constant 1 : i32
          %while3A_104 = scf.for %while3A_125 = %while3A_95 to %while3A_102 step %while3A_103 iter_args(%while3A_126 = %while3A_96) -> (i32)  : i32 {
            %dma_wait3A_127 = arith.constant 0 : i32
            %dma_wait3A_128 = arith.constant 0 : i32
            %dma_wait3A_129 = tpu.memref_slice %arg13[%dma_wait3A_127, %dma_wait3A_128] : memref<32x64xf32, #tpu.memory_space<vmem>> -> memref<1x64xf32, #tpu.memory_space<vmem>>
            %dma_wait3A_130 = arith.constant 0 : i32
            %dma_wait3A_131 = arith.constant 0 : i32
            %dma_wait3A_132 = tpu.memref_slice %arg5[%dma_wait3A_130, %dma_wait3A_131] : memref<16384x64xf32, #tpu.memory_space<hbm>> -> memref<1x64xf32, #tpu.memory_space<hbm>>
            %dma_wait3A_133 = arith.constant 0 : i32
            %dma_wait3A_134 = arith.constant 0 : i32
            %dma_wait3A_135 = tpu.memref_slice %arg13[%dma_wait3A_133, %dma_wait3A_134] : memref<32x64xf32, #tpu.memory_space<vmem>> -> memref<1x64xf32, #tpu.memory_space<vmem>>
            %dma_wait3A_136 = arith.constant 0 : i32
            %dma_wait3A_137 = arith.constant 0 : i32
            %dma_wait3A_138 = tpu.memref_slice %arg5[%dma_wait3A_136, %dma_wait3A_137] : memref<16384x64xf32, #tpu.memory_space<hbm>> -> memref<1x64xf32, #tpu.memory_space<hbm>>
            tpu.wait_dma2 semaphore(%arg17 : memref<!tpu.dma_semaphore, #tpu.memory_space<semaphore_mem>>) src(%dma_wait3A_138 : memref<1x64xf32, #tpu.memory_space<hbm>>) dst(%dma_wait3A_135 : memref<1x64xf32, #tpu.memory_space<vmem>>)
            %while3A_139 = arith.constant 0 : i32
            scf.yield %while3A_139 : i32
          }
          %while3A_105 = arith.constant 1 : i32
          %while3A_106 = scf.for %while3A_125 = %while3A_102 to %while3A_98 step %while3A_105 iter_args(%while3A_126 = %while3A_104) -> (i32)  : i32 {
            %dma_wait3A_127 = arith.constant 0 : i32
            %dma_wait3A_128 = arith.constant 0 : i32
            %dma_wait3A_129 = tpu.memref_slice %arg13[%dma_wait3A_127, %dma_wait3A_128] : memref<32x64xf32, #tpu.memory_space<vmem>> -> memref<1x64xf32, #tpu.memory_space<vmem>>
            %dma_wait3A_130 = arith.constant 0 : i32
            %dma_wait3A_131 = arith.constant 0 : i32
            %dma_wait3A_132 = tpu.memref_slice %arg5[%dma_wait3A_130, %dma_wait3A_131] : memref<16384x64xf32, #tpu.memory_space<hbm>> -> memref<1x64xf32, #tpu.memory_space<hbm>>
            %dma_wait3A_133 = arith.constant 0 : i32
            %dma_wait3A_134 = arith.constant 0 : i32
            %dma_wait3A_135 = tpu.memref_slice %arg13[%dma_wait3A_133, %dma_wait3A_134] : memref<32x64xf32, #tpu.memory_space<vmem>> -> memref<1x64xf32, #tpu.memory_space<vmem>>
            %dma_wait3A_136 = arith.constant 0 : i32
            %dma_wait3A_137 = arith.constant 0 : i32
            %dma_wait3A_138 = tpu.memref_slice %arg5[%dma_wait3A_136, %dma_wait3A_137] : memref<16384x64xf32, #tpu.memory_space<hbm>> -> memref<1x64xf32, #tpu.memory_space<hbm>>
            tpu.wait_dma2 semaphore(%arg17 : memref<!tpu.dma_semaphore, #tpu.memory_space<semaphore_mem>>) src(%dma_wait3A_138 : memref<1x64xf32, #tpu.memory_space<hbm>>) dst(%dma_wait3A_135 : memref<1x64xf32, #tpu.memory_space<vmem>>)
            %while3A_139 = arith.constant 0 : i32
            scf.yield %while3A_139 : i32
          }
          %mul3A_107 = arith.constant 512 : i32
          %mul3A_108 = arith.muli %add3A_54, %mul3A_107 : i32
          %while3A_109 = arith.constant 0 : i32
          %while3A_110 = arith.constant 0 : i32
          %while3A_111 = arith.subi %select_n3A, %while3A_109 : i32
          %while3A_112 = arith.addi %while3A_109, %while3A_111 : i32
          %while3A_113 = arith.constant 1 : i32
          %while3A_114 = arith.divsi %while3A_111, %while3A_113 : i32
          %while3A_115 = arith.muli %while3A_114, %while3A_113 : i32
          %while3A_116 = arith.addi %while3A_109, %while3A_115 : i32
          %while3A_117 = arith.constant 1 : i32
          %while3A_118 = scf.for %while3A_125 = %while3A_109 to %while3A_116 step %while3A_117 iter_args(%while3A_126 = %while3A_110) -> (i32)  : i32 {
            %mul3A_127 = arith.constant 16 : i32
            %mul3A_128 = arith.muli %while3A_125, %mul3A_127 : i32
            %get3A = arith.index_cast %mul3A_128 : i32 to index
            %get3A_129 = tpu.vector_load %arg7[%get3A] {strides = array<i32>} : memref<16384xi32, #tpu.memory_space<vmem>>, vector<16xi32>,
            %mul3A_130 = arith.constant 16 : i32
            %mul3A_131 = arith.muli %while3A_125, %mul3A_130 : i32
            %get3A_132 = arith.index_cast %mul3A_131 : i32 to index
            %get3A_133 = tpu.vector_load %arg8[%get3A_132] {strides = array<i32>} : memref<16384xi32, #tpu.memory_space<vmem>>, vector<16xi32>,
            %mul3A_134 = arith.constant 16 : i32
            %mul3A_135 = arith.muli %while3A_125, %mul3A_134 : i32
            %add3A_136 = vector.broadcast %mul3A_135 : i32 to vector<16xi32>
            %add3A_137 = arith.addi %add3A_136, %iota3A : vector<16xi32>
            %lt3A_138 = vector.broadcast %scan3A_7 : i32 to vector<16xi32>
            %lt3A_139 = arith.cmpi slt, %add3A_137, %lt3A_138 : vector<16xi32>
            %shift_right_logical3A = arith.constant 9 : i32
            %shift_right_logical3A_140 = vector.broadcast %shift_right_logical3A : i32 to vector<16xi32>
            %shift_right_logical3A_141 = arith.shrui %get3A_129, %shift_right_logical3A_140 : vector<16xi32>
            %eq3A_142 = vector.broadcast %add3A_54 : i32 to vector<16xi32>
            %eq3A_143 = arith.cmpi eq, %shift_right_logical3A_141, %eq3A_142 : vector<16xi32>
            %and3A_144 = arith.andi %eq3A_143, %lt3A_139 : vector<16xi1>
            %all_reduce_population_count3A = tpu.all_reduce %and3A_144 {dim = 0 : i64, kind = #tpu.reduction_kind<sum>} : vector<16xi1> -> vector<16xi32>
            %slice3A = vector.extract_strided_slice %all_reduce_population_count3A {offsets = [0], sizes = [1], strides = [1]} : vector<16xi32> to vector<1xi32>
            %squeeze3A = vector.extract %slice3A[0] : i32 from vector<1xi32>
            %swap3A = arith.index_cast %while3A_126 : i32 to index
            %swap3A_145 = tpu.vector_load %arg11[%swap3A] masked %and3A_144 {strides = array<i32>} : memref<48xi32, #tpu.memory_space<vmem>>, vector<16xi32>, vector<16xi1>
            tpu.vector_store %arg11[%swap3A], %get3A_129 masked %and3A_144 {strides = array<i32>} : memref<48xi32, #tpu.memory_space<vmem>>, vector<16xi32>, vector<16xi1>
            %swap3A_146 = arith.index_cast %while3A_126 : i32 to index
            %swap3A_147 = tpu.vector_load %arg12[%swap3A_146] masked %and3A_144 {strides = array<i32>} : memref<48xi32, #tpu.memory_space<vmem>>, vector<16xi32>, vector<16xi1>
            tpu.vector_store %arg12[%swap3A_146], %get3A_133 masked %and3A_144 {strides = array<i32>} : memref<48xi32, #tpu.memory_space<vmem>>, vector<16xi32>, vector<16xi1>
            %add3A_148 = arith.addi %while3A_126, %squeeze3A : i32
            %gt3A_149 = arith.constant 16 : i32
            %gt3A_150 = arith.cmpi sgt, %add3A_148, %gt3A_149 : i32
            %convert_element_type3A_151 = arith.extui %gt3A_150 : i1 to i32
            %cond3A_152 = arith.constant 0 : i32
            %cond3A_153 = arith.cmpi ne, %convert_element_type3A_151, %cond3A_152 : i32
            %cond3A_154 = scf.if %cond3A_153 -> (i32) {
              %while3A_155 = arith.constant 0 : i32
              %while3A_156 = arith.constant 0 : i32
              %while3A_157 = arith.subi %add3A_148, %while3A_155 : i32
              %while3A_158 = arith.addi %while3A_155, %while3A_157 : i32
              %while3A_159 = arith.constant 1 : i32
              %while3A_160 = arith.divsi %while3A_157, %while3A_159 : i32
              %while3A_161 = arith.muli %while3A_160, %while3A_159 : i32
              %while3A_162 = arith.addi %while3A_155, %while3A_161 : i32
              %while3A_163 = arith.constant 1 : i32
              %while3A_164 = scf.for %while3A_180 = %while3A_155 to %while3A_162 step %while3A_163 iter_args(%while3A_181 = %while3A_156) -> (i32)  : i32 {
                %broadcast_in_dim3A = arith.constant 0 : i32
                %broadcast_in_dim3A_182 = vector.broadcast %broadcast_in_dim3A : i32 to vector<16xi32>
                %add3A_183 = vector.broadcast %while3A_180 : i32 to vector<16xi32>
                %add3A_184 = arith.addi %broadcast_in_dim3A_182, %add3A_183 : vector<16xi32>
                %gather3A = tpu.vector_load_idx %arg11[%add3A_184] : memref<48xi32, #tpu.memory_space<vmem>>[vector<16xi32>], vector<16xi32>,
                %gather3A_185 = tpu.vector_load_idx %arg12[%add3A_184] : memref<48xi32, #tpu.memory_space<vmem>>[vector<16xi32>], vector<16xi32>,
                %sub3A_186 = vector.broadcast %mul3A_108 : i32 to vector<16xi32>
                %sub3A_187 = arith.subi %gather3A, %sub3A_186 : vector<16xi32>
                %add3A_188 = arith.constant 0 : i32
                %add3A_189 = vector.broadcast %add3A_188 : i32 to vector<16xi32>
                %add3A_190 = arith.addi %add3A_189, %iota3A : vector<16xi32>
                %gather3A_191 = tpu.vector_load_idx %arg10[%add3A_190, %sub3A_187] : memref<64x512xf32, #tpu.memory_space<vmem>>[vector<16xi32>, vector<16xi32>], vector<16xf32>,
                %swap3A_192 = arith.index_cast %while3A_180 : i32 to index
                %swap3A_193 = arith.constant 0 : index
                %swap3A_194 = tpu.vector_load %arg13[%swap3A_192, %swap3A_193] {strides = array<i32>} : memref<32x64xf32, #tpu.memory_space<vmem>>, vector<16xf32>,
                tpu.vector_store %arg13[%swap3A_192, %swap3A_193], %gather3A_191 {strides = array<i32>} : memref<32x64xf32, #tpu.memory_space<vmem>>, vector<16xf32>,
                %add3A_195 = arith.constant 16 : i32
                %add3A_196 = vector.broadcast %add3A_195 : i32 to vector<16xi32>
                %add3A_197 = arith.addi %add3A_196, %iota3A : vector<16xi32>
                %gather3A_198 = tpu.vector_load_idx %arg10[%add3A_197, %sub3A_187] : memref<64x512xf32, #tpu.memory_space<vmem>>[vector<16xi32>, vector<16xi32>], vector<16xf32>,
                %swap3A_199 = arith.index_cast %while3A_180 : i32 to index
                %swap3A_200 = arith.constant 16 : index
                %swap3A_201 = tpu.vector_load %arg13[%swap3A_199, %swap3A_200] {strides = array<i32>} : memref<32x64xf32, #tpu.memory_space<vmem>>, vector<16xf32>,
                tpu.vector_store %arg13[%swap3A_199, %swap3A_200], %gather3A_198 {strides = array<i32>} : memref<32x64xf32, #tpu.memory_space<vmem>>, vector<16xf32>,
                %add3A_202 = arith.constant 32 : i32
                %add3A_203 = vector.broadcast %add3A_202 : i32 to vector<16xi32>
                %add3A_204 = arith.addi %add3A_203, %iota3A : vector<16xi32>
                %gather3A_205 = tpu.vector_load_idx %arg10[%add3A_204, %sub3A_187] : memref<64x512xf32, #tpu.memory_space<vmem>>[vector<16xi32>, vector<16xi32>], vector<16xf32>,
                %swap3A_206 = arith.index_cast %while3A_180 : i32 to index
                %swap3A_207 = arith.constant 32 : index
                %swap3A_208 = tpu.vector_load %arg13[%swap3A_206, %swap3A_207] {strides = array<i32>} : memref<32x64xf32, #tpu.memory_space<vmem>>, vector<16xf32>,
                tpu.vector_store %arg13[%swap3A_206, %swap3A_207], %gather3A_205 {strides = array<i32>} : memref<32x64xf32, #tpu.memory_space<vmem>>, vector<16xf32>,
                %add3A_209 = arith.constant 48 : i32
                %add3A_210 = vector.broadcast %add3A_209 : i32 to vector<16xi32>
                %add3A_211 = arith.addi %add3A_210, %iota3A : vector<16xi32>
                %gather3A_212 = tpu.vector_load_idx %arg10[%add3A_211, %sub3A_187] : memref<64x512xf32, #tpu.memory_space<vmem>>[vector<16xi32>, vector<16xi32>], vector<16xf32>,
                %swap3A_213 = arith.index_cast %while3A_180 : i32 to index
                %swap3A_214 = arith.constant 48 : index
                %swap3A_215 = tpu.vector_load %arg13[%swap3A_213, %swap3A_214] {strides = array<i32>} : memref<32x64xf32, #tpu.memory_space<vmem>>, vector<16xf32>,
                tpu.vector_store %arg13[%swap3A_213, %swap3A_214], %gather3A_212 {strides = array<i32>} : memref<32x64xf32, #tpu.memory_space<vmem>>, vector<16xf32>,
                %slice3A_216 = vector.extract_strided_slice %gather3A_185 {offsets = [0], sizes = [1], strides = [1]} : vector<16xi32> to vector<1xi32>
                %squeeze3A_217 = vector.extract %slice3A_216[0] : i32 from vector<1xi32>
                %dma_start3A = arith.constant 0 : i32
                %dma_start3A_218 = tpu.memref_slice %arg13[%while3A_180, %dma_start3A] : memref<32x64xf32, #tpu.memory_space<vmem>> -> memref<1x64xf32, #tpu.memory_space<vmem>>
                %dma_start3A_219 = arith.constant 0 : i32
                %dma_start3A_220 = tpu.memref_slice %arg5[%squeeze3A_217, %dma_start3A_219] : memref<16384x64xf32, #tpu.memory_space<hbm>> -> memref<1x64xf32, #tpu.memory_space<hbm>>
                %dma_start3A_221 = arith.constant 0 : i32
                %dma_start3A_222 = tpu.memref_slice %arg5[%squeeze3A_217, %dma_start3A_221] : memref<16384x64xf32, #tpu.memory_space<hbm>> -> memref<1x64xf32, #tpu.memory_space<hbm>>
                %dma_start3A_223 = arith.constant 0 : i32
                %dma_start3A_224 = tpu.memref_slice %arg13[%while3A_180, %dma_start3A_223] : memref<32x64xf32, #tpu.memory_space<vmem>> -> memref<1x64xf32, #tpu.memory_space<vmem>>
                tpu.enqueue_dma source(%dma_start3A_224 : memref<1x64xf32, #tpu.memory_space<vmem>>) target(%dma_start3A_222 : memref<1x64xf32, #tpu.memory_space<hbm>>) target_semaphore(%arg17 : memref<!tpu.dma_semaphore, #tpu.memory_space<semaphore_mem>>)
                %while3A_225 = arith.constant 0 : i32
                scf.yield %while3A_225 : i32
              }
              %while3A_165 = arith.constant 1 : i32
              %while3A_166 = scf.for %while3A_180 = %while3A_162 to %while3A_158 step %while3A_165 iter_args(%while3A_181 = %while3A_164) -> (i32)  : i32 {
                %broadcast_in_dim3A = arith.constant 0 : i32
                %broadcast_in_dim3A_182 = vector.broadcast %broadcast_in_dim3A : i32 to vector<16xi32>
                %add3A_183 = vector.broadcast %while3A_180 : i32 to vector<16xi32>
                %add3A_184 = arith.addi %broadcast_in_dim3A_182, %add3A_183 : vector<16xi32>
                %gather3A = tpu.vector_load_idx %arg11[%add3A_184] : memref<48xi32, #tpu.memory_space<vmem>>[vector<16xi32>], vector<16xi32>,
                %gather3A_185 = tpu.vector_load_idx %arg12[%add3A_184] : memref<48xi32, #tpu.memory_space<vmem>>[vector<16xi32>], vector<16xi32>,
                %sub3A_186 = vector.broadcast %mul3A_108 : i32 to vector<16xi32>
                %sub3A_187 = arith.subi %gather3A, %sub3A_186 : vector<16xi32>
                %add3A_188 = arith.constant 0 : i32
                %add3A_189 = vector.broadcast %add3A_188 : i32 to vector<16xi32>
                %add3A_190 = arith.addi %add3A_189, %iota3A : vector<16xi32>
                %gather3A_191 = tpu.vector_load_idx %arg10[%add3A_190, %sub3A_187] : memref<64x512xf32, #tpu.memory_space<vmem>>[vector<16xi32>, vector<16xi32>], vector<16xf32>,
                %swap3A_192 = arith.index_cast %while3A_180 : i32 to index
                %swap3A_193 = arith.constant 0 : index
                %swap3A_194 = tpu.vector_load %arg13[%swap3A_192, %swap3A_193] {strides = array<i32>} : memref<32x64xf32, #tpu.memory_space<vmem>>, vector<16xf32>,
                tpu.vector_store %arg13[%swap3A_192, %swap3A_193], %gather3A_191 {strides = array<i32>} : memref<32x64xf32, #tpu.memory_space<vmem>>, vector<16xf32>,
                %add3A_195 = arith.constant 16 : i32
                %add3A_196 = vector.broadcast %add3A_195 : i32 to vector<16xi32>
                %add3A_197 = arith.addi %add3A_196, %iota3A : vector<16xi32>
                %gather3A_198 = tpu.vector_load_idx %arg10[%add3A_197, %sub3A_187] : memref<64x512xf32, #tpu.memory_space<vmem>>[vector<16xi32>, vector<16xi32>], vector<16xf32>,
                %swap3A_199 = arith.index_cast %while3A_180 : i32 to index
                %swap3A_200 = arith.constant 16 : index
                %swap3A_201 = tpu.vector_load %arg13[%swap3A_199, %swap3A_200] {strides = array<i32>} : memref<32x64xf32, #tpu.memory_space<vmem>>, vector<16xf32>,
                tpu.vector_store %arg13[%swap3A_199, %swap3A_200], %gather3A_198 {strides = array<i32>} : memref<32x64xf32, #tpu.memory_space<vmem>>, vector<16xf32>,
                %add3A_202 = arith.constant 32 : i32
                %add3A_203 = vector.broadcast %add3A_202 : i32 to vector<16xi32>
                %add3A_204 = arith.addi %add3A_203, %iota3A : vector<16xi32>
                %gather3A_205 = tpu.vector_load_idx %arg10[%add3A_204, %sub3A_187] : memref<64x512xf32, #tpu.memory_space<vmem>>[vector<16xi32>, vector<16xi32>], vector<16xf32>,
                %swap3A_206 = arith.index_cast %while3A_180 : i32 to index
                %swap3A_207 = arith.constant 32 : index
                %swap3A_208 = tpu.vector_load %arg13[%swap3A_206, %swap3A_207] {strides = array<i32>} : memref<32x64xf32, #tpu.memory_space<vmem>>, vector<16xf32>,
                tpu.vector_store %arg13[%swap3A_206, %swap3A_207], %gather3A_205 {strides = array<i32>} : memref<32x64xf32, #tpu.memory_space<vmem>>, vector<16xf32>,
                %add3A_209 = arith.constant 48 : i32
                %add3A_210 = vector.broadcast %add3A_209 : i32 to vector<16xi32>
                %add3A_211 = arith.addi %add3A_210, %iota3A : vector<16xi32>
                %gather3A_212 = tpu.vector_load_idx %arg10[%add3A_211, %sub3A_187] : memref<64x512xf32, #tpu.memory_space<vmem>>[vector<16xi32>, vector<16xi32>], vector<16xf32>,
                %swap3A_213 = arith.index_cast %while3A_180 : i32 to index
                %swap3A_214 = arith.constant 48 : index
                %swap3A_215 = tpu.vector_load %arg13[%swap3A_213, %swap3A_214] {strides = array<i32>} : memref<32x64xf32, #tpu.memory_space<vmem>>, vector<16xf32>,
                tpu.vector_store %arg13[%swap3A_213, %swap3A_214], %gather3A_212 {strides = array<i32>} : memref<32x64xf32, #tpu.memory_space<vmem>>, vector<16xf32>,
                %slice3A_216 = vector.extract_strided_slice %gather3A_185 {offsets = [0], sizes = [1], strides = [1]} : vector<16xi32> to vector<1xi32>
                %squeeze3A_217 = vector.extract %slice3A_216[0] : i32 from vector<1xi32>
                %dma_start3A = arith.constant 0 : i32
                %dma_start3A_218 = tpu.memref_slice %arg13[%while3A_180, %dma_start3A] : memref<32x64xf32, #tpu.memory_space<vmem>> -> memref<1x64xf32, #tpu.memory_space<vmem>>
                %dma_start3A_219 = arith.constant 0 : i32
                %dma_start3A_220 = tpu.memref_slice %arg5[%squeeze3A_217, %dma_start3A_219] : memref<16384x64xf32, #tpu.memory_space<hbm>> -> memref<1x64xf32, #tpu.memory_space<hbm>>
                %dma_start3A_221 = arith.constant 0 : i32
                %dma_start3A_222 = tpu.memref_slice %arg5[%squeeze3A_217, %dma_start3A_221] : memref<16384x64xf32, #tpu.memory_space<hbm>> -> memref<1x64xf32, #tpu.memory_space<hbm>>
                %dma_start3A_223 = arith.constant 0 : i32
                %dma_start3A_224 = tpu.memref_slice %arg13[%while3A_180, %dma_start3A_223] : memref<32x64xf32, #tpu.memory_space<vmem>> -> memref<1x64xf32, #tpu.memory_space<vmem>>
                tpu.enqueue_dma source(%dma_start3A_224 : memref<1x64xf32, #tpu.memory_space<vmem>>) target(%dma_start3A_222 : memref<1x64xf32, #tpu.memory_space<hbm>>) target_semaphore(%arg17 : memref<!tpu.dma_semaphore, #tpu.memory_space<semaphore_mem>>)
                %while3A_225 = arith.constant 0 : i32
                scf.yield %while3A_225 : i32
              }
              %while3A_167 = arith.constant 0 : i32
              %while3A_168 = arith.constant 0 : i32
              %while3A_169 = arith.subi %add3A_148, %while3A_167 : i32
              %while3A_170 = arith.addi %while3A_167, %while3A_169 : i32
              %while3A_171 = arith.constant 1 : i32
              %while3A_172 = arith.divsi %while3A_169, %while3A_171 : i32
              %while3A_173 = arith.muli %while3A_172, %while3A_171 : i32
              %while3A_174 = arith.addi %while3A_167, %while3A_173 : i32
              %while3A_175 = arith.constant 1 : i32
              %while3A_176 = scf.for %while3A_180 = %while3A_167 to %while3A_174 step %while3A_175 iter_args(%while3A_181 = %while3A_168) -> (i32)  : i32 {
                %dma_wait3A_182 = arith.constant 0 : i32
                %dma_wait3A_183 = arith.constant 0 : i32
                %dma_wait3A_184 = tpu.memref_slice %arg13[%dma_wait3A_182, %dma_wait3A_183] : memref<32x64xf32, #tpu.memory_space<vmem>> -> memref<1x64xf32, #tpu.memory_space<vmem>>
                %dma_wait3A_185 = arith.constant 0 : i32
                %dma_wait3A_186 = arith.constant 0 : i32
                %dma_wait3A_187 = tpu.memref_slice %arg5[%dma_wait3A_185, %dma_wait3A_186] : memref<16384x64xf32, #tpu.memory_space<hbm>> -> memref<1x64xf32, #tpu.memory_space<hbm>>
                %dma_wait3A_188 = arith.constant 0 : i32
                %dma_wait3A_189 = arith.constant 0 : i32
                %dma_wait3A_190 = tpu.memref_slice %arg13[%dma_wait3A_188, %dma_wait3A_189] : memref<32x64xf32, #tpu.memory_space<vmem>> -> memref<1x64xf32, #tpu.memory_space<vmem>>
                %dma_wait3A_191 = arith.constant 0 : i32
                %dma_wait3A_192 = arith.constant 0 : i32
                %dma_wait3A_193 = tpu.memref_slice %arg5[%dma_wait3A_191, %dma_wait3A_192] : memref<16384x64xf32, #tpu.memory_space<hbm>> -> memref<1x64xf32, #tpu.memory_space<hbm>>
                tpu.wait_dma2 semaphore(%arg17 : memref<!tpu.dma_semaphore, #tpu.memory_space<semaphore_mem>>) src(%dma_wait3A_193 : memref<1x64xf32, #tpu.memory_space<hbm>>) dst(%dma_wait3A_190 : memref<1x64xf32, #tpu.memory_space<vmem>>)
                %while3A_194 = arith.constant 0 : i32
                scf.yield %while3A_194 : i32
              }
              %while3A_177 = arith.constant 1 : i32
              %while3A_178 = scf.for %while3A_180 = %while3A_174 to %while3A_170 step %while3A_177 iter_args(%while3A_181 = %while3A_176) -> (i32)  : i32 {
                %dma_wait3A_182 = arith.constant 0 : i32
                %dma_wait3A_183 = arith.constant 0 : i32
                %dma_wait3A_184 = tpu.memref_slice %arg13[%dma_wait3A_182, %dma_wait3A_183] : memref<32x64xf32, #tpu.memory_space<vmem>> -> memref<1x64xf32, #tpu.memory_space<vmem>>
                %dma_wait3A_185 = arith.constant 0 : i32
                %dma_wait3A_186 = arith.constant 0 : i32
                %dma_wait3A_187 = tpu.memref_slice %arg5[%dma_wait3A_185, %dma_wait3A_186] : memref<16384x64xf32, #tpu.memory_space<hbm>> -> memref<1x64xf32, #tpu.memory_space<hbm>>
                %dma_wait3A_188 = arith.constant 0 : i32
                %dma_wait3A_189 = arith.constant 0 : i32
                %dma_wait3A_190 = tpu.memref_slice %arg13[%dma_wait3A_188, %dma_wait3A_189] : memref<32x64xf32, #tpu.memory_space<vmem>> -> memref<1x64xf32, #tpu.memory_space<vmem>>
                %dma_wait3A_191 = arith.constant 0 : i32
                %dma_wait3A_192 = arith.constant 0 : i32
                %dma_wait3A_193 = tpu.memref_slice %arg5[%dma_wait3A_191, %dma_wait3A_192] : memref<16384x64xf32, #tpu.memory_space<hbm>> -> memref<1x64xf32, #tpu.memory_space<hbm>>
                tpu.wait_dma2 semaphore(%arg17 : memref<!tpu.dma_semaphore, #tpu.memory_space<semaphore_mem>>) src(%dma_wait3A_193 : memref<1x64xf32, #tpu.memory_space<hbm>>) dst(%dma_wait3A_190 : memref<1x64xf32, #tpu.memory_space<vmem>>)
                %while3A_194 = arith.constant 0 : i32
                scf.yield %while3A_194 : i32
              }
              %cond3A_179 = arith.constant 0 : i32
              scf.yield %cond3A_179 : i32
            } else {
              scf.yield %add3A_148 : i32
            }
            scf.yield %cond3A_154 : i32
          }
          %while3A_119 = arith.constant 1 : i32
          %while3A_120 = scf.for %while3A_125 = %while3A_116 to %while3A_112 step %while3A_119 iter_args(%while3A_126 = %while3A_118) -> (i32)  : i32 {
            %mul3A_127 = arith.constant 16 : i32
            %mul3A_128 = arith.muli %while3A_125, %mul3A_127 : i32
            %get3A = arith.index_cast %mul3A_128 : i32 to index
            %get3A_129 = tpu.vector_load %arg7[%get3A] {strides = array<i32>} : memref<16384xi32, #tpu.memory_space<vmem>>, vector<16xi32>,
            %mul3A_130 = arith.constant 16 : i32
            %mul3A_131 = arith.muli %while3A_125, %mul3A_130 : i32
            %get3A_132 = arith.index_cast %mul3A_131 : i32 to index
            %get3A_133 = tpu.vector_load %arg8[%get3A_132] {strides = array<i32>} : memref<16384xi32, #tpu.memory_space<vmem>>, vector<16xi32>,
            %mul3A_134 = arith.constant 16 : i32
            %mul3A_135 = arith.muli %while3A_125, %mul3A_134 : i32
            %add3A_136 = vector.broadcast %mul3A_135 : i32 to vector<16xi32>
            %add3A_137 = arith.addi %add3A_136, %iota3A : vector<16xi32>
            %lt3A_138 = vector.broadcast %scan3A_7 : i32 to vector<16xi32>
            %lt3A_139 = arith.cmpi slt, %add3A_137, %lt3A_138 : vector<16xi32>
            %shift_right_logical3A = arith.constant 9 : i32
            %shift_right_logical3A_140 = vector.broadcast %shift_right_logical3A : i32 to vector<16xi32>
            %shift_right_logical3A_141 = arith.shrui %get3A_129, %shift_right_logical3A_140 : vector<16xi32>
            %eq3A_142 = vector.broadcast %add3A_54 : i32 to vector<16xi32>
            %eq3A_143 = arith.cmpi eq, %shift_right_logical3A_141, %eq3A_142 : vector<16xi32>
            %and3A_144 = arith.andi %eq3A_143, %lt3A_139 : vector<16xi1>
            %all_reduce_population_count3A = tpu.all_reduce %and3A_144 {dim = 0 : i64, kind = #tpu.reduction_kind<sum>} : vector<16xi1> -> vector<16xi32>
            %slice3A = vector.extract_strided_slice %all_reduce_population_count3A {offsets = [0], sizes = [1], strides = [1]} : vector<16xi32> to vector<1xi32>
            %squeeze3A = vector.extract %slice3A[0] : i32 from vector<1xi32>
            %swap3A = arith.index_cast %while3A_126 : i32 to index
            %swap3A_145 = tpu.vector_load %arg11[%swap3A] masked %and3A_144 {strides = array<i32>} : memref<48xi32, #tpu.memory_space<vmem>>, vector<16xi32>, vector<16xi1>
            tpu.vector_store %arg11[%swap3A], %get3A_129 masked %and3A_144 {strides = array<i32>} : memref<48xi32, #tpu.memory_space<vmem>>, vector<16xi32>, vector<16xi1>
            %swap3A_146 = arith.index_cast %while3A_126 : i32 to index
            %swap3A_147 = tpu.vector_load %arg12[%swap3A_146] masked %and3A_144 {strides = array<i32>} : memref<48xi32, #tpu.memory_space<vmem>>, vector<16xi32>, vector<16xi1>
            tpu.vector_store %arg12[%swap3A_146], %get3A_133 masked %and3A_144 {strides = array<i32>} : memref<48xi32, #tpu.memory_space<vmem>>, vector<16xi32>, vector<16xi1>
            %add3A_148 = arith.addi %while3A_126, %squeeze3A : i32
            %gt3A_149 = arith.constant 16 : i32
            %gt3A_150 = arith.cmpi sgt, %add3A_148, %gt3A_149 : i32
            %convert_element_type3A_151 = arith.extui %gt3A_150 : i1 to i32
            %cond3A_152 = arith.constant 0 : i32
            %cond3A_153 = arith.cmpi ne, %convert_element_type3A_151, %cond3A_152 : i32
            %cond3A_154 = scf.if %cond3A_153 -> (i32) {
              %while3A_155 = arith.constant 0 : i32
              %while3A_156 = arith.constant 0 : i32
              %while3A_157 = arith.subi %add3A_148, %while3A_155 : i32
              %while3A_158 = arith.addi %while3A_155, %while3A_157 : i32
              %while3A_159 = arith.constant 1 : i32
              %while3A_160 = arith.divsi %while3A_157, %while3A_159 : i32
              %while3A_161 = arith.muli %while3A_160, %while3A_159 : i32
              %while3A_162 = arith.addi %while3A_155, %while3A_161 : i32
              %while3A_163 = arith.constant 1 : i32
              %while3A_164 = scf.for %while3A_180 = %while3A_155 to %while3A_162 step %while3A_163 iter_args(%while3A_181 = %while3A_156) -> (i32)  : i32 {
                %broadcast_in_dim3A = arith.constant 0 : i32
                %broadcast_in_dim3A_182 = vector.broadcast %broadcast_in_dim3A : i32 to vector<16xi32>
                %add3A_183 = vector.broadcast %while3A_180 : i32 to vector<16xi32>
                %add3A_184 = arith.addi %broadcast_in_dim3A_182, %add3A_183 : vector<16xi32>
                %gather3A = tpu.vector_load_idx %arg11[%add3A_184] : memref<48xi32, #tpu.memory_space<vmem>>[vector<16xi32>], vector<16xi32>,
                %gather3A_185 = tpu.vector_load_idx %arg12[%add3A_184] : memref<48xi32, #tpu.memory_space<vmem>>[vector<16xi32>], vector<16xi32>,
                %sub3A_186 = vector.broadcast %mul3A_108 : i32 to vector<16xi32>
                %sub3A_187 = arith.subi %gather3A, %sub3A_186 : vector<16xi32>
                %add3A_188 = arith.constant 0 : i32
                %add3A_189 = vector.broadcast %add3A_188 : i32 to vector<16xi32>
                %add3A_190 = arith.addi %add3A_189, %iota3A : vector<16xi32>
                %gather3A_191 = tpu.vector_load_idx %arg10[%add3A_190, %sub3A_187] : memref<64x512xf32, #tpu.memory_space<vmem>>[vector<16xi32>, vector<16xi32>], vector<16xf32>,
                %swap3A_192 = arith.index_cast %while3A_180 : i32 to index
                %swap3A_193 = arith.constant 0 : index
                %swap3A_194 = tpu.vector_load %arg13[%swap3A_192, %swap3A_193] {strides = array<i32>} : memref<32x64xf32, #tpu.memory_space<vmem>>, vector<16xf32>,
                tpu.vector_store %arg13[%swap3A_192, %swap3A_193], %gather3A_191 {strides = array<i32>} : memref<32x64xf32, #tpu.memory_space<vmem>>, vector<16xf32>,
                %add3A_195 = arith.constant 16 : i32
                %add3A_196 = vector.broadcast %add3A_195 : i32 to vector<16xi32>
                %add3A_197 = arith.addi %add3A_196, %iota3A : vector<16xi32>
                %gather3A_198 = tpu.vector_load_idx %arg10[%add3A_197, %sub3A_187] : memref<64x512xf32, #tpu.memory_space<vmem>>[vector<16xi32>, vector<16xi32>], vector<16xf32>,
                %swap3A_199 = arith.index_cast %while3A_180 : i32 to index
                %swap3A_200 = arith.constant 16 : index
                %swap3A_201 = tpu.vector_load %arg13[%swap3A_199, %swap3A_200] {strides = array<i32>} : memref<32x64xf32, #tpu.memory_space<vmem>>, vector<16xf32>,
                tpu.vector_store %arg13[%swap3A_199, %swap3A_200], %gather3A_198 {strides = array<i32>} : memref<32x64xf32, #tpu.memory_space<vmem>>, vector<16xf32>,
                %add3A_202 = arith.constant 32 : i32
                %add3A_203 = vector.broadcast %add3A_202 : i32 to vector<16xi32>
                %add3A_204 = arith.addi %add3A_203, %iota3A : vector<16xi32>
                %gather3A_205 = tpu.vector_load_idx %arg10[%add3A_204, %sub3A_187] : memref<64x512xf32, #tpu.memory_space<vmem>>[vector<16xi32>, vector<16xi32>], vector<16xf32>,
                %swap3A_206 = arith.index_cast %while3A_180 : i32 to index
                %swap3A_207 = arith.constant 32 : index
                %swap3A_208 = tpu.vector_load %arg13[%swap3A_206, %swap3A_207] {strides = array<i32>} : memref<32x64xf32, #tpu.memory_space<vmem>>, vector<16xf32>,
                tpu.vector_store %arg13[%swap3A_206, %swap3A_207], %gather3A_205 {strides = array<i32>} : memref<32x64xf32, #tpu.memory_space<vmem>>, vector<16xf32>,
                %add3A_209 = arith.constant 48 : i32
                %add3A_210 = vector.broadcast %add3A_209 : i32 to vector<16xi32>
                %add3A_211 = arith.addi %add3A_210, %iota3A : vector<16xi32>
                %gather3A_212 = tpu.vector_load_idx %arg10[%add3A_211, %sub3A_187] : memref<64x512xf32, #tpu.memory_space<vmem>>[vector<16xi32>, vector<16xi32>], vector<16xf32>,
                %swap3A_213 = arith.index_cast %while3A_180 : i32 to index
                %swap3A_214 = arith.constant 48 : index
                %swap3A_215 = tpu.vector_load %arg13[%swap3A_213, %swap3A_214] {strides = array<i32>} : memref<32x64xf32, #tpu.memory_space<vmem>>, vector<16xf32>,
                tpu.vector_store %arg13[%swap3A_213, %swap3A_214], %gather3A_212 {strides = array<i32>} : memref<32x64xf32, #tpu.memory_space<vmem>>, vector<16xf32>,
                %slice3A_216 = vector.extract_strided_slice %gather3A_185 {offsets = [0], sizes = [1], strides = [1]} : vector<16xi32> to vector<1xi32>
                %squeeze3A_217 = vector.extract %slice3A_216[0] : i32 from vector<1xi32>
                %dma_start3A = arith.constant 0 : i32
                %dma_start3A_218 = tpu.memref_slice %arg13[%while3A_180, %dma_start3A] : memref<32x64xf32, #tpu.memory_space<vmem>> -> memref<1x64xf32, #tpu.memory_space<vmem>>
                %dma_start3A_219 = arith.constant 0 : i32
                %dma_start3A_220 = tpu.memref_slice %arg5[%squeeze3A_217, %dma_start3A_219] : memref<16384x64xf32, #tpu.memory_space<hbm>> -> memref<1x64xf32, #tpu.memory_space<hbm>>
                %dma_start3A_221 = arith.constant 0 : i32
                %dma_start3A_222 = tpu.memref_slice %arg5[%squeeze3A_217, %dma_start3A_221] : memref<16384x64xf32, #tpu.memory_space<hbm>> -> memref<1x64xf32, #tpu.memory_space<hbm>>
                %dma_start3A_223 = arith.constant 0 : i32
                %dma_start3A_224 = tpu.memref_slice %arg13[%while3A_180, %dma_start3A_223] : memref<32x64xf32, #tpu.memory_space<vmem>> -> memref<1x64xf32, #tpu.memory_space<vmem>>
                tpu.enqueue_dma source(%dma_start3A_224 : memref<1x64xf32, #tpu.memory_space<vmem>>) target(%dma_start3A_222 : memref<1x64xf32, #tpu.memory_space<hbm>>) target_semaphore(%arg17 : memref<!tpu.dma_semaphore, #tpu.memory_space<semaphore_mem>>)
                %while3A_225 = arith.constant 0 : i32
                scf.yield %while3A_225 : i32
              }
              %while3A_165 = arith.constant 1 : i32
              %while3A_166 = scf.for %while3A_180 = %while3A_162 to %while3A_158 step %while3A_165 iter_args(%while3A_181 = %while3A_164) -> (i32)  : i32 {
                %broadcast_in_dim3A = arith.constant 0 : i32
                %broadcast_in_dim3A_182 = vector.broadcast %broadcast_in_dim3A : i32 to vector<16xi32>
                %add3A_183 = vector.broadcast %while3A_180 : i32 to vector<16xi32>
                %add3A_184 = arith.addi %broadcast_in_dim3A_182, %add3A_183 : vector<16xi32>
                %gather3A = tpu.vector_load_idx %arg11[%add3A_184] : memref<48xi32, #tpu.memory_space<vmem>>[vector<16xi32>], vector<16xi32>,
                %gather3A_185 = tpu.vector_load_idx %arg12[%add3A_184] : memref<48xi32, #tpu.memory_space<vmem>>[vector<16xi32>], vector<16xi32>,
                %sub3A_186 = vector.broadcast %mul3A_108 : i32 to vector<16xi32>
                %sub3A_187 = arith.subi %gather3A, %sub3A_186 : vector<16xi32>
                %add3A_188 = arith.constant 0 : i32
                %add3A_189 = vector.broadcast %add3A_188 : i32 to vector<16xi32>
                %add3A_190 = arith.addi %add3A_189, %iota3A : vector<16xi32>
                %gather3A_191 = tpu.vector_load_idx %arg10[%add3A_190, %sub3A_187] : memref<64x512xf32, #tpu.memory_space<vmem>>[vector<16xi32>, vector<16xi32>], vector<16xf32>,
                %swap3A_192 = arith.index_cast %while3A_180 : i32 to index
                %swap3A_193 = arith.constant 0 : index
                %swap3A_194 = tpu.vector_load %arg13[%swap3A_192, %swap3A_193] {strides = array<i32>} : memref<32x64xf32, #tpu.memory_space<vmem>>, vector<16xf32>,
                tpu.vector_store %arg13[%swap3A_192, %swap3A_193], %gather3A_191 {strides = array<i32>} : memref<32x64xf32, #tpu.memory_space<vmem>>, vector<16xf32>,
                %add3A_195 = arith.constant 16 : i32
                %add3A_196 = vector.broadcast %add3A_195 : i32 to vector<16xi32>
                %add3A_197 = arith.addi %add3A_196, %iota3A : vector<16xi32>
                %gather3A_198 = tpu.vector_load_idx %arg10[%add3A_197, %sub3A_187] : memref<64x512xf32, #tpu.memory_space<vmem>>[vector<16xi32>, vector<16xi32>], vector<16xf32>,
                %swap3A_199 = arith.index_cast %while3A_180 : i32 to index
                %swap3A_200 = arith.constant 16 : index
                %swap3A_201 = tpu.vector_load %arg13[%swap3A_199, %swap3A_200] {strides = array<i32>} : memref<32x64xf32, #tpu.memory_space<vmem>>, vector<16xf32>,
                tpu.vector_store %arg13[%swap3A_199, %swap3A_200], %gather3A_198 {strides = array<i32>} : memref<32x64xf32, #tpu.memory_space<vmem>>, vector<16xf32>,
                %add3A_202 = arith.constant 32 : i32
                %add3A_203 = vector.broadcast %add3A_202 : i32 to vector<16xi32>
                %add3A_204 = arith.addi %add3A_203, %iota3A : vector<16xi32>
                %gather3A_205 = tpu.vector_load_idx %arg10[%add3A_204, %sub3A_187] : memref<64x512xf32, #tpu.memory_space<vmem>>[vector<16xi32>, vector<16xi32>], vector<16xf32>,
                %swap3A_206 = arith.index_cast %while3A_180 : i32 to index
                %swap3A_207 = arith.constant 32 : index
                %swap3A_208 = tpu.vector_load %arg13[%swap3A_206, %swap3A_207] {strides = array<i32>} : memref<32x64xf32, #tpu.memory_space<vmem>>, vector<16xf32>,
                tpu.vector_store %arg13[%swap3A_206, %swap3A_207], %gather3A_205 {strides = array<i32>} : memref<32x64xf32, #tpu.memory_space<vmem>>, vector<16xf32>,
                %add3A_209 = arith.constant 48 : i32
                %add3A_210 = vector.broadcast %add3A_209 : i32 to vector<16xi32>
                %add3A_211 = arith.addi %add3A_210, %iota3A : vector<16xi32>
                %gather3A_212 = tpu.vector_load_idx %arg10[%add3A_211, %sub3A_187] : memref<64x512xf32, #tpu.memory_space<vmem>>[vector<16xi32>, vector<16xi32>], vector<16xf32>,
                %swap3A_213 = arith.index_cast %while3A_180 : i32 to index
                %swap3A_214 = arith.constant 48 : index
                %swap3A_215 = tpu.vector_load %arg13[%swap3A_213, %swap3A_214] {strides = array<i32>} : memref<32x64xf32, #tpu.memory_space<vmem>>, vector<16xf32>,
                tpu.vector_store %arg13[%swap3A_213, %swap3A_214], %gather3A_212 {strides = array<i32>} : memref<32x64xf32, #tpu.memory_space<vmem>>, vector<16xf32>,
                %slice3A_216 = vector.extract_strided_slice %gather3A_185 {offsets = [0], sizes = [1], strides = [1]} : vector<16xi32> to vector<1xi32>
                %squeeze3A_217 = vector.extract %slice3A_216[0] : i32 from vector<1xi32>
                %dma_start3A = arith.constant 0 : i32
                %dma_start3A_218 = tpu.memref_slice %arg13[%while3A_180, %dma_start3A] : memref<32x64xf32, #tpu.memory_space<vmem>> -> memref<1x64xf32, #tpu.memory_space<vmem>>
                %dma_start3A_219 = arith.constant 0 : i32
                %dma_start3A_220 = tpu.memref_slice %arg5[%squeeze3A_217, %dma_start3A_219] : memref<16384x64xf32, #tpu.memory_space<hbm>> -> memref<1x64xf32, #tpu.memory_space<hbm>>
                %dma_start3A_221 = arith.constant 0 : i32
                %dma_start3A_222 = tpu.memref_slice %arg5[%squeeze3A_217, %dma_start3A_221] : memref<16384x64xf32, #tpu.memory_space<hbm>> -> memref<1x64xf32, #tpu.memory_space<hbm>>
                %dma_start3A_223 = arith.constant 0 : i32
                %dma_start3A_224 = tpu.memref_slice %arg13[%while3A_180, %dma_start3A_223] : memref<32x64xf32, #tpu.memory_space<vmem>> -> memref<1x64xf32, #tpu.memory_space<vmem>>
                tpu.enqueue_dma source(%dma_start3A_224 : memref<1x64xf32, #tpu.memory_space<vmem>>) target(%dma_start3A_222 : memref<1x64xf32, #tpu.memory_space<hbm>>) target_semaphore(%arg17 : memref<!tpu.dma_semaphore, #tpu.memory_space<semaphore_mem>>)
                %while3A_225 = arith.constant 0 : i32
                scf.yield %while3A_225 : i32
              }
              %while3A_167 = arith.constant 0 : i32
              %while3A_168 = arith.constant 0 : i32
              %while3A_169 = arith.subi %add3A_148, %while3A_167 : i32
              %while3A_170 = arith.addi %while3A_167, %while3A_169 : i32
              %while3A_171 = arith.constant 1 : i32
              %while3A_172 = arith.divsi %while3A_169, %while3A_171 : i32
              %while3A_173 = arith.muli %while3A_172, %while3A_171 : i32
              %while3A_174 = arith.addi %while3A_167, %while3A_173 : i32
              %while3A_175 = arith.constant 1 : i32
              %while3A_176 = scf.for %while3A_180 = %while3A_167 to %while3A_174 step %while3A_175 iter_args(%while3A_181 = %while3A_168) -> (i32)  : i32 {
                %dma_wait3A_182 = arith.constant 0 : i32
                %dma_wait3A_183 = arith.constant 0 : i32
                %dma_wait3A_184 = tpu.memref_slice %arg13[%dma_wait3A_182, %dma_wait3A_183] : memref<32x64xf32, #tpu.memory_space<vmem>> -> memref<1x64xf32, #tpu.memory_space<vmem>>
                %dma_wait3A_185 = arith.constant 0 : i32
                %dma_wait3A_186 = arith.constant 0 : i32
                %dma_wait3A_187 = tpu.memref_slice %arg5[%dma_wait3A_185, %dma_wait3A_186] : memref<16384x64xf32, #tpu.memory_space<hbm>> -> memref<1x64xf32, #tpu.memory_space<hbm>>
                %dma_wait3A_188 = arith.constant 0 : i32
                %dma_wait3A_189 = arith.constant 0 : i32
                %dma_wait3A_190 = tpu.memref_slice %arg13[%dma_wait3A_188, %dma_wait3A_189] : memref<32x64xf32, #tpu.memory_space<vmem>> -> memref<1x64xf32, #tpu.memory_space<vmem>>
                %dma_wait3A_191 = arith.constant 0 : i32
                %dma_wait3A_192 = arith.constant 0 : i32
                %dma_wait3A_193 = tpu.memref_slice %arg5[%dma_wait3A_191, %dma_wait3A_192] : memref<16384x64xf32, #tpu.memory_space<hbm>> -> memref<1x64xf32, #tpu.memory_space<hbm>>
                tpu.wait_dma2 semaphore(%arg17 : memref<!tpu.dma_semaphore, #tpu.memory_space<semaphore_mem>>) src(%dma_wait3A_193 : memref<1x64xf32, #tpu.memory_space<hbm>>) dst(%dma_wait3A_190 : memref<1x64xf32, #tpu.memory_space<vmem>>)
                %while3A_194 = arith.constant 0 : i32
                scf.yield %while3A_194 : i32
              }
              %while3A_177 = arith.constant 1 : i32
              %while3A_178 = scf.for %while3A_180 = %while3A_174 to %while3A_170 step %while3A_177 iter_args(%while3A_181 = %while3A_176) -> (i32)  : i32 {
                %dma_wait3A_182 = arith.constant 0 : i32
                %dma_wait3A_183 = arith.constant 0 : i32
                %dma_wait3A_184 = tpu.memref_slice %arg13[%dma_wait3A_182, %dma_wait3A_183] : memref<32x64xf32, #tpu.memory_space<vmem>> -> memref<1x64xf32, #tpu.memory_space<vmem>>
                %dma_wait3A_185 = arith.constant 0 : i32
                %dma_wait3A_186 = arith.constant 0 : i32
                %dma_wait3A_187 = tpu.memref_slice %arg5[%dma_wait3A_185, %dma_wait3A_186] : memref<16384x64xf32, #tpu.memory_space<hbm>> -> memref<1x64xf32, #tpu.memory_space<hbm>>
                %dma_wait3A_188 = arith.constant 0 : i32
                %dma_wait3A_189 = arith.constant 0 : i32
                %dma_wait3A_190 = tpu.memref_slice %arg13[%dma_wait3A_188, %dma_wait3A_189] : memref<32x64xf32, #tpu.memory_space<vmem>> -> memref<1x64xf32, #tpu.memory_space<vmem>>
                %dma_wait3A_191 = arith.constant 0 : i32
                %dma_wait3A_192 = arith.constant 0 : i32
                %dma_wait3A_193 = tpu.memref_slice %arg5[%dma_wait3A_191, %dma_wait3A_192] : memref<16384x64xf32, #tpu.memory_space<hbm>> -> memref<1x64xf32, #tpu.memory_space<hbm>>
                tpu.wait_dma2 semaphore(%arg17 : memref<!tpu.dma_semaphore, #tpu.memory_space<semaphore_mem>>) src(%dma_wait3A_193 : memref<1x64xf32, #tpu.memory_space<hbm>>) dst(%dma_wait3A_190 : memref<1x64xf32, #tpu.memory_space<vmem>>)
                %while3A_194 = arith.constant 0 : i32
                scf.yield %while3A_194 : i32
              }
              %cond3A_179 = arith.constant 0 : i32
              scf.yield %cond3A_179 : i32
            } else {
              scf.yield %add3A_148 : i32
            }
            scf.yield %cond3A_154 : i32
          }
          %gt3A = arith.constant 0 : i32
          %gt3A_121 = arith.cmpi sgt, %while3A_120, %gt3A : i32
          %convert_element_type3A_122 = arith.extui %gt3A_121 : i1 to i32
          %cond3A_123 = arith.constant 0 : i32
          %cond3A_124 = arith.cmpi ne, %convert_element_type3A_122, %cond3A_123 : i32
          scf.if %cond3A_124 {
            %while3A_125 = arith.constant 0 : i32
            %while3A_126 = arith.constant 0 : i32
            %while3A_127 = arith.subi %while3A_120, %while3A_125 : i32
            %while3A_128 = arith.addi %while3A_125, %while3A_127 : i32
            %while3A_129 = arith.constant 1 : i32
            %while3A_130 = arith.divsi %while3A_127, %while3A_129 : i32
            %while3A_131 = arith.muli %while3A_130, %while3A_129 : i32
            %while3A_132 = arith.addi %while3A_125, %while3A_131 : i32
            %while3A_133 = arith.constant 1 : i32
            %while3A_134 = scf.for %while3A_137 = %while3A_125 to %while3A_132 step %while3A_133 iter_args(%while3A_138 = %while3A_126) -> (i32)  : i32 {
              %broadcast_in_dim3A = arith.constant 0 : i32
              %broadcast_in_dim3A_139 = vector.broadcast %broadcast_in_dim3A : i32 to vector<16xi32>
              %add3A_140 = vector.broadcast %while3A_137 : i32 to vector<16xi32>
              %add3A_141 = arith.addi %broadcast_in_dim3A_139, %add3A_140 : vector<16xi32>
              %gather3A = tpu.vector_load_idx %arg11[%add3A_141] : memref<48xi32, #tpu.memory_space<vmem>>[vector<16xi32>], vector<16xi32>,
              %gather3A_142 = tpu.vector_load_idx %arg12[%add3A_141] : memref<48xi32, #tpu.memory_space<vmem>>[vector<16xi32>], vector<16xi32>,
              %sub3A_143 = vector.broadcast %mul3A_108 : i32 to vector<16xi32>
              %sub3A_144 = arith.subi %gather3A, %sub3A_143 : vector<16xi32>
              %add3A_145 = arith.constant 0 : i32
              %add3A_146 = vector.broadcast %add3A_145 : i32 to vector<16xi32>
              %add3A_147 = arith.addi %add3A_146, %iota3A : vector<16xi32>
              %gather3A_148 = tpu.vector_load_idx %arg10[%add3A_147, %sub3A_144] : memref<64x512xf32, #tpu.memory_space<vmem>>[vector<16xi32>, vector<16xi32>], vector<16xf32>,
              %swap3A = arith.index_cast %while3A_137 : i32 to index
              %swap3A_149 = arith.constant 0 : index
              %swap3A_150 = tpu.vector_load %arg13[%swap3A, %swap3A_149] {strides = array<i32>} : memref<32x64xf32, #tpu.memory_space<vmem>>, vector<16xf32>,
              tpu.vector_store %arg13[%swap3A, %swap3A_149], %gather3A_148 {strides = array<i32>} : memref<32x64xf32, #tpu.memory_space<vmem>>, vector<16xf32>,
              %add3A_151 = arith.constant 16 : i32
              %add3A_152 = vector.broadcast %add3A_151 : i32 to vector<16xi32>
              %add3A_153 = arith.addi %add3A_152, %iota3A : vector<16xi32>
              %gather3A_154 = tpu.vector_load_idx %arg10[%add3A_153, %sub3A_144] : memref<64x512xf32, #tpu.memory_space<vmem>>[vector<16xi32>, vector<16xi32>], vector<16xf32>,
              %swap3A_155 = arith.index_cast %while3A_137 : i32 to index
              %swap3A_156 = arith.constant 16 : index
              %swap3A_157 = tpu.vector_load %arg13[%swap3A_155, %swap3A_156] {strides = array<i32>} : memref<32x64xf32, #tpu.memory_space<vmem>>, vector<16xf32>,
              tpu.vector_store %arg13[%swap3A_155, %swap3A_156], %gather3A_154 {strides = array<i32>} : memref<32x64xf32, #tpu.memory_space<vmem>>, vector<16xf32>,
              %add3A_158 = arith.constant 32 : i32
              %add3A_159 = vector.broadcast %add3A_158 : i32 to vector<16xi32>
              %add3A_160 = arith.addi %add3A_159, %iota3A : vector<16xi32>
              %gather3A_161 = tpu.vector_load_idx %arg10[%add3A_160, %sub3A_144] : memref<64x512xf32, #tpu.memory_space<vmem>>[vector<16xi32>, vector<16xi32>], vector<16xf32>,
              %swap3A_162 = arith.index_cast %while3A_137 : i32 to index
              %swap3A_163 = arith.constant 32 : index
              %swap3A_164 = tpu.vector_load %arg13[%swap3A_162, %swap3A_163] {strides = array<i32>} : memref<32x64xf32, #tpu.memory_space<vmem>>, vector<16xf32>,
              tpu.vector_store %arg13[%swap3A_162, %swap3A_163], %gather3A_161 {strides = array<i32>} : memref<32x64xf32, #tpu.memory_space<vmem>>, vector<16xf32>,
              %add3A_165 = arith.constant 48 : i32
              %add3A_166 = vector.broadcast %add3A_165 : i32 to vector<16xi32>
              %add3A_167 = arith.addi %add3A_166, %iota3A : vector<16xi32>
              %gather3A_168 = tpu.vector_load_idx %arg10[%add3A_167, %sub3A_144] : memref<64x512xf32, #tpu.memory_space<vmem>>[vector<16xi32>, vector<16xi32>], vector<16xf32>,
              %swap3A_169 = arith.index_cast %while3A_137 : i32 to index
              %swap3A_170 = arith.constant 48 : index
              %swap3A_171 = tpu.vector_load %arg13[%swap3A_169, %swap3A_170] {strides = array<i32>} : memref<32x64xf32, #tpu.memory_space<vmem>>, vector<16xf32>,
              tpu.vector_store %arg13[%swap3A_169, %swap3A_170], %gather3A_168 {strides = array<i32>} : memref<32x64xf32, #tpu.memory_space<vmem>>, vector<16xf32>,
              %slice3A = vector.extract_strided_slice %gather3A_142 {offsets = [0], sizes = [1], strides = [1]} : vector<16xi32> to vector<1xi32>
              %squeeze3A = vector.extract %slice3A[0] : i32 from vector<1xi32>
              %dma_start3A = arith.constant 0 : i32
              %dma_start3A_172 = tpu.memref_slice %arg13[%while3A_137, %dma_start3A] : memref<32x64xf32, #tpu.memory_space<vmem>> -> memref<1x64xf32, #tpu.memory_space<vmem>>
              %dma_start3A_173 = arith.constant 0 : i32
              %dma_start3A_174 = tpu.memref_slice %arg5[%squeeze3A, %dma_start3A_173] : memref<16384x64xf32, #tpu.memory_space<hbm>> -> memref<1x64xf32, #tpu.memory_space<hbm>>
              %dma_start3A_175 = arith.constant 0 : i32
              %dma_start3A_176 = tpu.memref_slice %arg5[%squeeze3A, %dma_start3A_175] : memref<16384x64xf32, #tpu.memory_space<hbm>> -> memref<1x64xf32, #tpu.memory_space<hbm>>
              %dma_start3A_177 = arith.constant 0 : i32
              %dma_start3A_178 = tpu.memref_slice %arg13[%while3A_137, %dma_start3A_177] : memref<32x64xf32, #tpu.memory_space<vmem>> -> memref<1x64xf32, #tpu.memory_space<vmem>>
              tpu.enqueue_dma source(%dma_start3A_178 : memref<1x64xf32, #tpu.memory_space<vmem>>) target(%dma_start3A_176 : memref<1x64xf32, #tpu.memory_space<hbm>>) target_semaphore(%arg17 : memref<!tpu.dma_semaphore, #tpu.memory_space<semaphore_mem>>)
              %while3A_179 = arith.constant 0 : i32
              scf.yield %while3A_179 : i32
            }
            %while3A_135 = arith.constant 1 : i32
            %while3A_136 = scf.for %while3A_137 = %while3A_132 to %while3A_128 step %while3A_135 iter_args(%while3A_138 = %while3A_134) -> (i32)  : i32 {
              %broadcast_in_dim3A = arith.constant 0 : i32
              %broadcast_in_dim3A_139 = vector.broadcast %broadcast_in_dim3A : i32 to vector<16xi32>
              %add3A_140 = vector.broadcast %while3A_137 : i32 to vector<16xi32>
              %add3A_141 = arith.addi %broadcast_in_dim3A_139, %add3A_140 : vector<16xi32>
              %gather3A = tpu.vector_load_idx %arg11[%add3A_141] : memref<48xi32, #tpu.memory_space<vmem>>[vector<16xi32>], vector<16xi32>,
              %gather3A_142 = tpu.vector_load_idx %arg12[%add3A_141] : memref<48xi32, #tpu.memory_space<vmem>>[vector<16xi32>], vector<16xi32>,
              %sub3A_143 = vector.broadcast %mul3A_108 : i32 to vector<16xi32>
              %sub3A_144 = arith.subi %gather3A, %sub3A_143 : vector<16xi32>
              %add3A_145 = arith.constant 0 : i32
              %add3A_146 = vector.broadcast %add3A_145 : i32 to vector<16xi32>
              %add3A_147 = arith.addi %add3A_146, %iota3A : vector<16xi32>
              %gather3A_148 = tpu.vector_load_idx %arg10[%add3A_147, %sub3A_144] : memref<64x512xf32, #tpu.memory_space<vmem>>[vector<16xi32>, vector<16xi32>], vector<16xf32>,
              %swap3A = arith.index_cast %while3A_137 : i32 to index
              %swap3A_149 = arith.constant 0 : index
              %swap3A_150 = tpu.vector_load %arg13[%swap3A, %swap3A_149] {strides = array<i32>} : memref<32x64xf32, #tpu.memory_space<vmem>>, vector<16xf32>,
              tpu.vector_store %arg13[%swap3A, %swap3A_149], %gather3A_148 {strides = array<i32>} : memref<32x64xf32, #tpu.memory_space<vmem>>, vector<16xf32>,
              %add3A_151 = arith.constant 16 : i32
              %add3A_152 = vector.broadcast %add3A_151 : i32 to vector<16xi32>
              %add3A_153 = arith.addi %add3A_152, %iota3A : vector<16xi32>
              %gather3A_154 = tpu.vector_load_idx %arg10[%add3A_153, %sub3A_144] : memref<64x512xf32, #tpu.memory_space<vmem>>[vector<16xi32>, vector<16xi32>], vector<16xf32>,
              %swap3A_155 = arith.index_cast %while3A_137 : i32 to index
              %swap3A_156 = arith.constant 16 : index
              %swap3A_157 = tpu.vector_load %arg13[%swap3A_155, %swap3A_156] {strides = array<i32>} : memref<32x64xf32, #tpu.memory_space<vmem>>, vector<16xf32>,
              tpu.vector_store %arg13[%swap3A_155, %swap3A_156], %gather3A_154 {strides = array<i32>} : memref<32x64xf32, #tpu.memory_space<vmem>>, vector<16xf32>,
              %add3A_158 = arith.constant 32 : i32
              %add3A_159 = vector.broadcast %add3A_158 : i32 to vector<16xi32>
              %add3A_160 = arith.addi %add3A_159, %iota3A : vector<16xi32>
              %gather3A_161 = tpu.vector_load_idx %arg10[%add3A_160, %sub3A_144] : memref<64x512xf32, #tpu.memory_space<vmem>>[vector<16xi32>, vector<16xi32>], vector<16xf32>,
              %swap3A_162 = arith.index_cast %while3A_137 : i32 to index
              %swap3A_163 = arith.constant 32 : index
              %swap3A_164 = tpu.vector_load %arg13[%swap3A_162, %swap3A_163] {strides = array<i32>} : memref<32x64xf32, #tpu.memory_space<vmem>>, vector<16xf32>,
              tpu.vector_store %arg13[%swap3A_162, %swap3A_163], %gather3A_161 {strides = array<i32>} : memref<32x64xf32, #tpu.memory_space<vmem>>, vector<16xf32>,
              %add3A_165 = arith.constant 48 : i32
              %add3A_166 = vector.broadcast %add3A_165 : i32 to vector<16xi32>
              %add3A_167 = arith.addi %add3A_166, %iota3A : vector<16xi32>
              %gather3A_168 = tpu.vector_load_idx %arg10[%add3A_167, %sub3A_144] : memref<64x512xf32, #tpu.memory_space<vmem>>[vector<16xi32>, vector<16xi32>], vector<16xf32>,
              %swap3A_169 = arith.index_cast %while3A_137 : i32 to index
              %swap3A_170 = arith.constant 48 : index
              %swap3A_171 = tpu.vector_load %arg13[%swap3A_169, %swap3A_170] {strides = array<i32>} : memref<32x64xf32, #tpu.memory_space<vmem>>, vector<16xf32>,
              tpu.vector_store %arg13[%swap3A_169, %swap3A_170], %gather3A_168 {strides = array<i32>} : memref<32x64xf32, #tpu.memory_space<vmem>>, vector<16xf32>,
              %slice3A = vector.extract_strided_slice %gather3A_142 {offsets = [0], sizes = [1], strides = [1]} : vector<16xi32> to vector<1xi32>
              %squeeze3A = vector.extract %slice3A[0] : i32 from vector<1xi32>
              %dma_start3A = arith.constant 0 : i32
              %dma_start3A_172 = tpu.memref_slice %arg13[%while3A_137, %dma_start3A] : memref<32x64xf32, #tpu.memory_space<vmem>> -> memref<1x64xf32, #tpu.memory_space<vmem>>
              %dma_start3A_173 = arith.constant 0 : i32
              %dma_start3A_174 = tpu.memref_slice %arg5[%squeeze3A, %dma_start3A_173] : memref<16384x64xf32, #tpu.memory_space<hbm>> -> memref<1x64xf32, #tpu.memory_space<hbm>>
              %dma_start3A_175 = arith.constant 0 : i32
              %dma_start3A_176 = tpu.memref_slice %arg5[%squeeze3A, %dma_start3A_175] : memref<16384x64xf32, #tpu.memory_space<hbm>> -> memref<1x64xf32, #tpu.memory_space<hbm>>
              %dma_start3A_177 = arith.constant 0 : i32
              %dma_start3A_178 = tpu.memref_slice %arg13[%while3A_137, %dma_start3A_177] : memref<32x64xf32, #tpu.memory_space<vmem>> -> memref<1x64xf32, #tpu.memory_space<vmem>>
              tpu.enqueue_dma source(%dma_start3A_178 : memref<1x64xf32, #tpu.memory_space<vmem>>) target(%dma_start3A_176 : memref<1x64xf32, #tpu.memory_space<hbm>>) target_semaphore(%arg17 : memref<!tpu.dma_semaphore, #tpu.memory_space<semaphore_mem>>)
              %while3A_179 = arith.constant 0 : i32
              scf.yield %while3A_179 : i32
            }
          } else {
          }
          scf.yield %while3A_120 : i32
        } else {
          scf.yield %scan3A_51 : i32
        }
        scf.yield %cond3A_89 : i32
      }
      scf.yield %cond3A_78 : i32
    }
    %scan3A_33 = arith.constant 62 : i32
    %eq3A = arith.constant 1 : i32
    %eq3A_34 = arith.cmpi eq, %add3A, %eq3A : i32
    %convert_element_type3A_35 = arith.extui %eq3A_34 : i1 to i32
    %cond3A_36 = arith.constant 0 : i32
    %cond3A_37 = arith.cmpi ne, %convert_element_type3A_35, %cond3A_36 : i32
    %cond3A_38 = scf.if %cond3A_37 -> (i32) {
      "tpu.region"() ({
        %run_scoped3A = tpu.sem_alloc : memref<!tpu.dma_semaphore, #tpu.memory_space<semaphore_mem>>
        tpu.enqueue_dma source(%arg3 : memref<64x128xf32, #tpu.memory_space<hbm>>) target(%arg14 : memref<64x128xf32, #tpu.memory_space<vmem>>) target_semaphore(%run_scoped3A : memref<!tpu.dma_semaphore, #tpu.memory_space<semaphore_mem>>)
        tpu.wait_dma2 semaphore(%run_scoped3A : memref<!tpu.dma_semaphore, #tpu.memory_space<semaphore_mem>>) src(%arg3 : memref<64x128xf32, #tpu.memory_space<hbm>>) dst(%arg14 : memref<64x128xf32, #tpu.memory_space<vmem>>)
        tpu.yield
      }) : () -> ()
      %while3A_50 = arith.constant 0 : i32
      %while3A_51 = arith.constant 0 : i32
      %while3A_52 = arith.subi %scan3A_32, %while3A_50 : i32
      %while3A_53 = arith.addi %while3A_50, %while3A_52 : i32
      %while3A_54 = arith.constant 1 : i32
      %while3A_55 = arith.divsi %while3A_52, %while3A_54 : i32
      %while3A_56 = arith.muli %while3A_55, %while3A_54 : i32
      %while3A_57 = arith.addi %while3A_50, %while3A_56 : i32
      %while3A_58 = arith.constant 1 : i32
      %while3A_59 = scf.for %while3A_78 = %while3A_50 to %while3A_57 step %while3A_58 iter_args(%while3A_79 = %while3A_51) -> (i32)  : i32 {
        %dma_wait3A = arith.constant 0 : i32
        %dma_wait3A_80 = arith.constant 0 : i32
        %dma_wait3A_81 = tpu.memref_slice %arg13[%dma_wait3A, %dma_wait3A_80] : memref<32x64xf32, #tpu.memory_space<vmem>> -> memref<1x64xf32, #tpu.memory_space<vmem>>
        %dma_wait3A_82 = arith.constant 0 : i32
        %dma_wait3A_83 = arith.constant 0 : i32
        %dma_wait3A_84 = tpu.memref_slice %arg5[%dma_wait3A_82, %dma_wait3A_83] : memref<16384x64xf32, #tpu.memory_space<hbm>> -> memref<1x64xf32, #tpu.memory_space<hbm>>
        %dma_wait3A_85 = arith.constant 0 : i32
        %dma_wait3A_86 = arith.constant 0 : i32
        %dma_wait3A_87 = tpu.memref_slice %arg13[%dma_wait3A_85, %dma_wait3A_86] : memref<32x64xf32, #tpu.memory_space<vmem>> -> memref<1x64xf32, #tpu.memory_space<vmem>>
        %dma_wait3A_88 = arith.constant 0 : i32
        %dma_wait3A_89 = arith.constant 0 : i32
        %dma_wait3A_90 = tpu.memref_slice %arg5[%dma_wait3A_88, %dma_wait3A_89] : memref<16384x64xf32, #tpu.memory_space<hbm>> -> memref<1x64xf32, #tpu.memory_space<hbm>>
        tpu.wait_dma2 semaphore(%arg17 : memref<!tpu.dma_semaphore, #tpu.memory_space<semaphore_mem>>) src(%dma_wait3A_90 : memref<1x64xf32, #tpu.memory_space<hbm>>) dst(%dma_wait3A_87 : memref<1x64xf32, #tpu.memory_space<vmem>>)
        %while3A_91 = arith.constant 0 : i32
        scf.yield %while3A_91 : i32
      }
      %while3A_60 = arith.constant 1 : i32
      %while3A_61 = scf.for %while3A_78 = %while3A_57 to %while3A_53 step %while3A_60 iter_args(%while3A_79 = %while3A_59) -> (i32)  : i32 {
        %dma_wait3A = arith.constant 0 : i32
        %dma_wait3A_80 = arith.constant 0 : i32
        %dma_wait3A_81 = tpu.memref_slice %arg13[%dma_wait3A, %dma_wait3A_80] : memref<32x64xf32, #tpu.memory_space<vmem>> -> memref<1x64xf32, #tpu.memory_space<vmem>>
        %dma_wait3A_82 = arith.constant 0 : i32
        %dma_wait3A_83 = arith.constant 0 : i32
        %dma_wait3A_84 = tpu.memref_slice %arg5[%dma_wait3A_82, %dma_wait3A_83] : memref<16384x64xf32, #tpu.memory_space<hbm>> -> memref<1x64xf32, #tpu.memory_space<hbm>>
        %dma_wait3A_85 = arith.constant 0 : i32
        %dma_wait3A_86 = arith.constant 0 : i32
        %dma_wait3A_87 = tpu.memref_slice %arg13[%dma_wait3A_85, %dma_wait3A_86] : memref<32x64xf32, #tpu.memory_space<vmem>> -> memref<1x64xf32, #tpu.memory_space<vmem>>
        %dma_wait3A_88 = arith.constant 0 : i32
        %dma_wait3A_89 = arith.constant 0 : i32
        %dma_wait3A_90 = tpu.memref_slice %arg5[%dma_wait3A_88, %dma_wait3A_89] : memref<16384x64xf32, #tpu.memory_space<hbm>> -> memref<1x64xf32, #tpu.memory_space<hbm>>
        tpu.wait_dma2 semaphore(%arg17 : memref<!tpu.dma_semaphore, #tpu.memory_space<semaphore_mem>>) src(%dma_wait3A_90 : memref<1x64xf32, #tpu.memory_space<hbm>>) dst(%dma_wait3A_87 : memref<1x64xf32, #tpu.memory_space<vmem>>)
        %while3A_91 = arith.constant 0 : i32
        scf.yield %while3A_91 : i32
      }
      %while3A_62 = arith.constant 0 : i32
      %while3A_63 = arith.constant 0 : i32
      %while3A_64 = arith.subi %select_n3A, %while3A_62 : i32
      %while3A_65 = arith.addi %while3A_62, %while3A_64 : i32
      %while3A_66 = arith.constant 1 : i32
      %while3A_67 = arith.divsi %while3A_64, %while3A_66 : i32
      %while3A_68 = arith.muli %while3A_67, %while3A_66 : i32
      %while3A_69 = arith.addi %while3A_62, %while3A_68 : i32
      %while3A_70 = arith.constant 1 : i32
      %while3A_71 = scf.for %while3A_78 = %while3A_62 to %while3A_69 step %while3A_70 iter_args(%while3A_79 = %while3A_63) -> (i32)  : i32 {
        %mul3A_80 = arith.constant 16 : i32
        %mul3A_81 = arith.muli %while3A_78, %mul3A_80 : i32
        %get3A = arith.index_cast %mul3A_81 : i32 to index
        %get3A_82 = tpu.vector_load %arg7[%get3A] {strides = array<i32>} : memref<16384xi32, #tpu.memory_space<vmem>>, vector<16xi32>,
        %mul3A_83 = arith.constant 16 : i32
        %mul3A_84 = arith.muli %while3A_78, %mul3A_83 : i32
        %get3A_85 = arith.index_cast %mul3A_84 : i32 to index
        %get3A_86 = tpu.vector_load %arg8[%get3A_85] {strides = array<i32>} : memref<16384xi32, #tpu.memory_space<vmem>>, vector<16xi32>,
        %mul3A_87 = arith.constant 16 : i32
        %mul3A_88 = arith.muli %while3A_78, %mul3A_87 : i32
        %add3A_89 = vector.broadcast %mul3A_88 : i32 to vector<16xi32>
        %add3A_90 = arith.addi %add3A_89, %iota3A : vector<16xi32>
        %lt3A_91 = vector.broadcast %scan3A_7 : i32 to vector<16xi32>
        %lt3A_92 = arith.cmpi slt, %add3A_90, %lt3A_91 : vector<16xi32>
        %shift_right_logical3A = arith.constant 9 : i32
        %shift_right_logical3A_93 = vector.broadcast %shift_right_logical3A : i32 to vector<16xi32>
        %shift_right_logical3A_94 = arith.shrui %get3A_82, %shift_right_logical3A_93 : vector<16xi32>
        %eq3A_95 = arith.constant 1953 : i32
        %eq3A_96 = vector.broadcast %eq3A_95 : i32 to vector<16xi32>
        %eq3A_97 = arith.cmpi eq, %shift_right_logical3A_94, %eq3A_96 : vector<16xi32>
        %and3A_98 = arith.andi %eq3A_97, %lt3A_92 : vector<16xi1>
        %all_reduce_population_count3A = tpu.all_reduce %and3A_98 {dim = 0 : i64, kind = #tpu.reduction_kind<sum>} : vector<16xi1> -> vector<16xi32>
        %slice3A = vector.extract_strided_slice %all_reduce_population_count3A {offsets = [0], sizes = [1], strides = [1]} : vector<16xi32> to vector<1xi32>
        %squeeze3A = vector.extract %slice3A[0] : i32 from vector<1xi32>
        %swap3A = arith.index_cast %while3A_79 : i32 to index
        %swap3A_99 = tpu.vector_load %arg11[%swap3A] masked %and3A_98 {strides = array<i32>} : memref<48xi32, #tpu.memory_space<vmem>>, vector<16xi32>, vector<16xi1>
        tpu.vector_store %arg11[%swap3A], %get3A_82 masked %and3A_98 {strides = array<i32>} : memref<48xi32, #tpu.memory_space<vmem>>, vector<16xi32>, vector<16xi1>
        %swap3A_100 = arith.index_cast %while3A_79 : i32 to index
        %swap3A_101 = tpu.vector_load %arg12[%swap3A_100] masked %and3A_98 {strides = array<i32>} : memref<48xi32, #tpu.memory_space<vmem>>, vector<16xi32>, vector<16xi1>
        tpu.vector_store %arg12[%swap3A_100], %get3A_86 masked %and3A_98 {strides = array<i32>} : memref<48xi32, #tpu.memory_space<vmem>>, vector<16xi32>, vector<16xi1>
        %add3A_102 = arith.addi %while3A_79, %squeeze3A : i32
        %gt3A_103 = arith.constant 16 : i32
        %gt3A_104 = arith.cmpi sgt, %add3A_102, %gt3A_103 : i32
        %convert_element_type3A_105 = arith.extui %gt3A_104 : i1 to i32
        %cond3A_106 = arith.constant 0 : i32
        %cond3A_107 = arith.cmpi ne, %convert_element_type3A_105, %cond3A_106 : i32
        %cond3A_108 = scf.if %cond3A_107 -> (i32) {
          %while3A_109 = arith.constant 0 : i32
          %while3A_110 = arith.constant 0 : i32
          %while3A_111 = arith.subi %add3A_102, %while3A_109 : i32
          %while3A_112 = arith.addi %while3A_109, %while3A_111 : i32
          %while3A_113 = arith.constant 1 : i32
          %while3A_114 = arith.divsi %while3A_111, %while3A_113 : i32
          %while3A_115 = arith.muli %while3A_114, %while3A_113 : i32
          %while3A_116 = arith.addi %while3A_109, %while3A_115 : i32
          %while3A_117 = arith.constant 1 : i32
          %while3A_118 = scf.for %while3A_134 = %while3A_109 to %while3A_116 step %while3A_117 iter_args(%while3A_135 = %while3A_110) -> (i32)  : i32 {
            %broadcast_in_dim3A = arith.constant 0 : i32
            %broadcast_in_dim3A_136 = vector.broadcast %broadcast_in_dim3A : i32 to vector<16xi32>
            %add3A_137 = vector.broadcast %while3A_134 : i32 to vector<16xi32>
            %add3A_138 = arith.addi %broadcast_in_dim3A_136, %add3A_137 : vector<16xi32>
            %gather3A = tpu.vector_load_idx %arg11[%add3A_138] : memref<48xi32, #tpu.memory_space<vmem>>[vector<16xi32>], vector<16xi32>,
            %gather3A_139 = tpu.vector_load_idx %arg12[%add3A_138] : memref<48xi32, #tpu.memory_space<vmem>>[vector<16xi32>], vector<16xi32>,
            %sub3A_140 = arith.constant 999936 : i32
            %sub3A_141 = vector.broadcast %sub3A_140 : i32 to vector<16xi32>
            %sub3A_142 = arith.subi %gather3A, %sub3A_141 : vector<16xi32>
            %add3A_143 = arith.constant 0 : i32
            %add3A_144 = vector.broadcast %add3A_143 : i32 to vector<16xi32>
            %add3A_145 = arith.addi %add3A_144, %iota3A : vector<16xi32>
            %gather3A_146 = tpu.vector_load_idx %arg14[%add3A_145, %sub3A_142] : memref<64x128xf32, #tpu.memory_space<vmem>>[vector<16xi32>, vector<16xi32>], vector<16xf32>,
            %swap3A_147 = arith.index_cast %while3A_134 : i32 to index
            %swap3A_148 = arith.constant 0 : index
            %swap3A_149 = tpu.vector_load %arg13[%swap3A_147, %swap3A_148] {strides = array<i32>} : memref<32x64xf32, #tpu.memory_space<vmem>>, vector<16xf32>,
            tpu.vector_store %arg13[%swap3A_147, %swap3A_148], %gather3A_146 {strides = array<i32>} : memref<32x64xf32, #tpu.memory_space<vmem>>, vector<16xf32>,
            %add3A_150 = arith.constant 16 : i32
            %add3A_151 = vector.broadcast %add3A_150 : i32 to vector<16xi32>
            %add3A_152 = arith.addi %add3A_151, %iota3A : vector<16xi32>
            %gather3A_153 = tpu.vector_load_idx %arg14[%add3A_152, %sub3A_142] : memref<64x128xf32, #tpu.memory_space<vmem>>[vector<16xi32>, vector<16xi32>], vector<16xf32>,
            %swap3A_154 = arith.index_cast %while3A_134 : i32 to index
            %swap3A_155 = arith.constant 16 : index
            %swap3A_156 = tpu.vector_load %arg13[%swap3A_154, %swap3A_155] {strides = array<i32>} : memref<32x64xf32, #tpu.memory_space<vmem>>, vector<16xf32>,
            tpu.vector_store %arg13[%swap3A_154, %swap3A_155], %gather3A_153 {strides = array<i32>} : memref<32x64xf32, #tpu.memory_space<vmem>>, vector<16xf32>,
            %add3A_157 = arith.constant 32 : i32
            %add3A_158 = vector.broadcast %add3A_157 : i32 to vector<16xi32>
            %add3A_159 = arith.addi %add3A_158, %iota3A : vector<16xi32>
            %gather3A_160 = tpu.vector_load_idx %arg14[%add3A_159, %sub3A_142] : memref<64x128xf32, #tpu.memory_space<vmem>>[vector<16xi32>, vector<16xi32>], vector<16xf32>,
            %swap3A_161 = arith.index_cast %while3A_134 : i32 to index
            %swap3A_162 = arith.constant 32 : index
            %swap3A_163 = tpu.vector_load %arg13[%swap3A_161, %swap3A_162] {strides = array<i32>} : memref<32x64xf32, #tpu.memory_space<vmem>>, vector<16xf32>,
            tpu.vector_store %arg13[%swap3A_161, %swap3A_162], %gather3A_160 {strides = array<i32>} : memref<32x64xf32, #tpu.memory_space<vmem>>, vector<16xf32>,
            %add3A_164 = arith.constant 48 : i32
            %add3A_165 = vector.broadcast %add3A_164 : i32 to vector<16xi32>
            %add3A_166 = arith.addi %add3A_165, %iota3A : vector<16xi32>
            %gather3A_167 = tpu.vector_load_idx %arg14[%add3A_166, %sub3A_142] : memref<64x128xf32, #tpu.memory_space<vmem>>[vector<16xi32>, vector<16xi32>], vector<16xf32>,
            %swap3A_168 = arith.index_cast %while3A_134 : i32 to index
            %swap3A_169 = arith.constant 48 : index
            %swap3A_170 = tpu.vector_load %arg13[%swap3A_168, %swap3A_169] {strides = array<i32>} : memref<32x64xf32, #tpu.memory_space<vmem>>, vector<16xf32>,
            tpu.vector_store %arg13[%swap3A_168, %swap3A_169], %gather3A_167 {strides = array<i32>} : memref<32x64xf32, #tpu.memory_space<vmem>>, vector<16xf32>,
            %slice3A_171 = vector.extract_strided_slice %gather3A_139 {offsets = [0], sizes = [1], strides = [1]} : vector<16xi32> to vector<1xi32>
            %squeeze3A_172 = vector.extract %slice3A_171[0] : i32 from vector<1xi32>
            %dma_start3A = arith.constant 0 : i32
            %dma_start3A_173 = tpu.memref_slice %arg13[%while3A_134, %dma_start3A] : memref<32x64xf32, #tpu.memory_space<vmem>> -> memref<1x64xf32, #tpu.memory_space<vmem>>
            %dma_start3A_174 = arith.constant 0 : i32
            %dma_start3A_175 = tpu.memref_slice %arg5[%squeeze3A_172, %dma_start3A_174] : memref<16384x64xf32, #tpu.memory_space<hbm>> -> memref<1x64xf32, #tpu.memory_space<hbm>>
            %dma_start3A_176 = arith.constant 0 : i32
            %dma_start3A_177 = tpu.memref_slice %arg5[%squeeze3A_172, %dma_start3A_176] : memref<16384x64xf32, #tpu.memory_space<hbm>> -> memref<1x64xf32, #tpu.memory_space<hbm>>
            %dma_start3A_178 = arith.constant 0 : i32
            %dma_start3A_179 = tpu.memref_slice %arg13[%while3A_134, %dma_start3A_178] : memref<32x64xf32, #tpu.memory_space<vmem>> -> memref<1x64xf32, #tpu.memory_space<vmem>>
            tpu.enqueue_dma source(%dma_start3A_179 : memref<1x64xf32, #tpu.memory_space<vmem>>) target(%dma_start3A_177 : memref<1x64xf32, #tpu.memory_space<hbm>>) target_semaphore(%arg17 : memref<!tpu.dma_semaphore, #tpu.memory_space<semaphore_mem>>)
            %while3A_180 = arith.constant 0 : i32
            scf.yield %while3A_180 : i32
          }
          %while3A_119 = arith.constant 1 : i32
          %while3A_120 = scf.for %while3A_134 = %while3A_116 to %while3A_112 step %while3A_119 iter_args(%while3A_135 = %while3A_118) -> (i32)  : i32 {
            %broadcast_in_dim3A = arith.constant 0 : i32
            %broadcast_in_dim3A_136 = vector.broadcast %broadcast_in_dim3A : i32 to vector<16xi32>
            %add3A_137 = vector.broadcast %while3A_134 : i32 to vector<16xi32>
            %add3A_138 = arith.addi %broadcast_in_dim3A_136, %add3A_137 : vector<16xi32>
            %gather3A = tpu.vector_load_idx %arg11[%add3A_138] : memref<48xi32, #tpu.memory_space<vmem>>[vector<16xi32>], vector<16xi32>,
            %gather3A_139 = tpu.vector_load_idx %arg12[%add3A_138] : memref<48xi32, #tpu.memory_space<vmem>>[vector<16xi32>], vector<16xi32>,
            %sub3A_140 = arith.constant 999936 : i32
            %sub3A_141 = vector.broadcast %sub3A_140 : i32 to vector<16xi32>
            %sub3A_142 = arith.subi %gather3A, %sub3A_141 : vector<16xi32>
            %add3A_143 = arith.constant 0 : i32
            %add3A_144 = vector.broadcast %add3A_143 : i32 to vector<16xi32>
            %add3A_145 = arith.addi %add3A_144, %iota3A : vector<16xi32>
            %gather3A_146 = tpu.vector_load_idx %arg14[%add3A_145, %sub3A_142] : memref<64x128xf32, #tpu.memory_space<vmem>>[vector<16xi32>, vector<16xi32>], vector<16xf32>,
            %swap3A_147 = arith.index_cast %while3A_134 : i32 to index
            %swap3A_148 = arith.constant 0 : index
            %swap3A_149 = tpu.vector_load %arg13[%swap3A_147, %swap3A_148] {strides = array<i32>} : memref<32x64xf32, #tpu.memory_space<vmem>>, vector<16xf32>,
            tpu.vector_store %arg13[%swap3A_147, %swap3A_148], %gather3A_146 {strides = array<i32>} : memref<32x64xf32, #tpu.memory_space<vmem>>, vector<16xf32>,
            %add3A_150 = arith.constant 16 : i32
            %add3A_151 = vector.broadcast %add3A_150 : i32 to vector<16xi32>
            %add3A_152 = arith.addi %add3A_151, %iota3A : vector<16xi32>
            %gather3A_153 = tpu.vector_load_idx %arg14[%add3A_152, %sub3A_142] : memref<64x128xf32, #tpu.memory_space<vmem>>[vector<16xi32>, vector<16xi32>], vector<16xf32>,
            %swap3A_154 = arith.index_cast %while3A_134 : i32 to index
            %swap3A_155 = arith.constant 16 : index
            %swap3A_156 = tpu.vector_load %arg13[%swap3A_154, %swap3A_155] {strides = array<i32>} : memref<32x64xf32, #tpu.memory_space<vmem>>, vector<16xf32>,
            tpu.vector_store %arg13[%swap3A_154, %swap3A_155], %gather3A_153 {strides = array<i32>} : memref<32x64xf32, #tpu.memory_space<vmem>>, vector<16xf32>,
            %add3A_157 = arith.constant 32 : i32
            %add3A_158 = vector.broadcast %add3A_157 : i32 to vector<16xi32>
            %add3A_159 = arith.addi %add3A_158, %iota3A : vector<16xi32>
            %gather3A_160 = tpu.vector_load_idx %arg14[%add3A_159, %sub3A_142] : memref<64x128xf32, #tpu.memory_space<vmem>>[vector<16xi32>, vector<16xi32>], vector<16xf32>,
            %swap3A_161 = arith.index_cast %while3A_134 : i32 to index
            %swap3A_162 = arith.constant 32 : index
            %swap3A_163 = tpu.vector_load %arg13[%swap3A_161, %swap3A_162] {strides = array<i32>} : memref<32x64xf32, #tpu.memory_space<vmem>>, vector<16xf32>,
            tpu.vector_store %arg13[%swap3A_161, %swap3A_162], %gather3A_160 {strides = array<i32>} : memref<32x64xf32, #tpu.memory_space<vmem>>, vector<16xf32>,
            %add3A_164 = arith.constant 48 : i32
            %add3A_165 = vector.broadcast %add3A_164 : i32 to vector<16xi32>
            %add3A_166 = arith.addi %add3A_165, %iota3A : vector<16xi32>
            %gather3A_167 = tpu.vector_load_idx %arg14[%add3A_166, %sub3A_142] : memref<64x128xf32, #tpu.memory_space<vmem>>[vector<16xi32>, vector<16xi32>], vector<16xf32>,
            %swap3A_168 = arith.index_cast %while3A_134 : i32 to index
            %swap3A_169 = arith.constant 48 : index
            %swap3A_170 = tpu.vector_load %arg13[%swap3A_168, %swap3A_169] {strides = array<i32>} : memref<32x64xf32, #tpu.memory_space<vmem>>, vector<16xf32>,
            tpu.vector_store %arg13[%swap3A_168, %swap3A_169], %gather3A_167 {strides = array<i32>} : memref<32x64xf32, #tpu.memory_space<vmem>>, vector<16xf32>,
            %slice3A_171 = vector.extract_strided_slice %gather3A_139 {offsets = [0], sizes = [1], strides = [1]} : vector<16xi32> to vector<1xi32>
            %squeeze3A_172 = vector.extract %slice3A_171[0] : i32 from vector<1xi32>
            %dma_start3A = arith.constant 0 : i32
            %dma_start3A_173 = tpu.memref_slice %arg13[%while3A_134, %dma_start3A] : memref<32x64xf32, #tpu.memory_space<vmem>> -> memref<1x64xf32, #tpu.memory_space<vmem>>
            %dma_start3A_174 = arith.constant 0 : i32
            %dma_start3A_175 = tpu.memref_slice %arg5[%squeeze3A_172, %dma_start3A_174] : memref<16384x64xf32, #tpu.memory_space<hbm>> -> memref<1x64xf32, #tpu.memory_space<hbm>>
            %dma_start3A_176 = arith.constant 0 : i32
            %dma_start3A_177 = tpu.memref_slice %arg5[%squeeze3A_172, %dma_start3A_176] : memref<16384x64xf32, #tpu.memory_space<hbm>> -> memref<1x64xf32, #tpu.memory_space<hbm>>
            %dma_start3A_178 = arith.constant 0 : i32
            %dma_start3A_179 = tpu.memref_slice %arg13[%while3A_134, %dma_start3A_178] : memref<32x64xf32, #tpu.memory_space<vmem>> -> memref<1x64xf32, #tpu.memory_space<vmem>>
            tpu.enqueue_dma source(%dma_start3A_179 : memref<1x64xf32, #tpu.memory_space<vmem>>) target(%dma_start3A_177 : memref<1x64xf32, #tpu.memory_space<hbm>>) target_semaphore(%arg17 : memref<!tpu.dma_semaphore, #tpu.memory_space<semaphore_mem>>)
            %while3A_180 = arith.constant 0 : i32
            scf.yield %while3A_180 : i32
          }
          %while3A_121 = arith.constant 0 : i32
          %while3A_122 = arith.constant 0 : i32
          %while3A_123 = arith.subi %add3A_102, %while3A_121 : i32
          %while3A_124 = arith.addi %while3A_121, %while3A_123 : i32
          %while3A_125 = arith.constant 1 : i32
          %while3A_126 = arith.divsi %while3A_123, %while3A_125 : i32
          %while3A_127 = arith.muli %while3A_126, %while3A_125 : i32
          %while3A_128 = arith.addi %while3A_121, %while3A_127 : i32
          %while3A_129 = arith.constant 1 : i32
          %while3A_130 = scf.for %while3A_134 = %while3A_121 to %while3A_128 step %while3A_129 iter_args(%while3A_135 = %while3A_122) -> (i32)  : i32 {
            %dma_wait3A = arith.constant 0 : i32
            %dma_wait3A_136 = arith.constant 0 : i32
            %dma_wait3A_137 = tpu.memref_slice %arg13[%dma_wait3A, %dma_wait3A_136] : memref<32x64xf32, #tpu.memory_space<vmem>> -> memref<1x64xf32, #tpu.memory_space<vmem>>
            %dma_wait3A_138 = arith.constant 0 : i32
            %dma_wait3A_139 = arith.constant 0 : i32
            %dma_wait3A_140 = tpu.memref_slice %arg5[%dma_wait3A_138, %dma_wait3A_139] : memref<16384x64xf32, #tpu.memory_space<hbm>> -> memref<1x64xf32, #tpu.memory_space<hbm>>
            %dma_wait3A_141 = arith.constant 0 : i32
            %dma_wait3A_142 = arith.constant 0 : i32
            %dma_wait3A_143 = tpu.memref_slice %arg13[%dma_wait3A_141, %dma_wait3A_142] : memref<32x64xf32, #tpu.memory_space<vmem>> -> memref<1x64xf32, #tpu.memory_space<vmem>>
            %dma_wait3A_144 = arith.constant 0 : i32
            %dma_wait3A_145 = arith.constant 0 : i32
            %dma_wait3A_146 = tpu.memref_slice %arg5[%dma_wait3A_144, %dma_wait3A_145] : memref<16384x64xf32, #tpu.memory_space<hbm>> -> memref<1x64xf32, #tpu.memory_space<hbm>>
            tpu.wait_dma2 semaphore(%arg17 : memref<!tpu.dma_semaphore, #tpu.memory_space<semaphore_mem>>) src(%dma_wait3A_146 : memref<1x64xf32, #tpu.memory_space<hbm>>) dst(%dma_wait3A_143 : memref<1x64xf32, #tpu.memory_space<vmem>>)
            %while3A_147 = arith.constant 0 : i32
            scf.yield %while3A_147 : i32
          }
          %while3A_131 = arith.constant 1 : i32
          %while3A_132 = scf.for %while3A_134 = %while3A_128 to %while3A_124 step %while3A_131 iter_args(%while3A_135 = %while3A_130) -> (i32)  : i32 {
            %dma_wait3A = arith.constant 0 : i32
            %dma_wait3A_136 = arith.constant 0 : i32
            %dma_wait3A_137 = tpu.memref_slice %arg13[%dma_wait3A, %dma_wait3A_136] : memref<32x64xf32, #tpu.memory_space<vmem>> -> memref<1x64xf32, #tpu.memory_space<vmem>>
            %dma_wait3A_138 = arith.constant 0 : i32
            %dma_wait3A_139 = arith.constant 0 : i32
            %dma_wait3A_140 = tpu.memref_slice %arg5[%dma_wait3A_138, %dma_wait3A_139] : memref<16384x64xf32, #tpu.memory_space<hbm>> -> memref<1x64xf32, #tpu.memory_space<hbm>>
            %dma_wait3A_141 = arith.constant 0 : i32
            %dma_wait3A_142 = arith.constant 0 : i32
            %dma_wait3A_143 = tpu.memref_slice %arg13[%dma_wait3A_141, %dma_wait3A_142] : memref<32x64xf32, #tpu.memory_space<vmem>> -> memref<1x64xf32, #tpu.memory_space<vmem>>
            %dma_wait3A_144 = arith.constant 0 : i32
            %dma_wait3A_145 = arith.constant 0 : i32
            %dma_wait3A_146 = tpu.memref_slice %arg5[%dma_wait3A_144, %dma_wait3A_145] : memref<16384x64xf32, #tpu.memory_space<hbm>> -> memref<1x64xf32, #tpu.memory_space<hbm>>
            tpu.wait_dma2 semaphore(%arg17 : memref<!tpu.dma_semaphore, #tpu.memory_space<semaphore_mem>>) src(%dma_wait3A_146 : memref<1x64xf32, #tpu.memory_space<hbm>>) dst(%dma_wait3A_143 : memref<1x64xf32, #tpu.memory_space<vmem>>)
            %while3A_147 = arith.constant 0 : i32
            scf.yield %while3A_147 : i32
          }
          %cond3A_133 = arith.constant 0 : i32
          scf.yield %cond3A_133 : i32
        } else {
          scf.yield %add3A_102 : i32
        }
        scf.yield %cond3A_108 : i32
      }
      %while3A_72 = arith.constant 1 : i32
      %while3A_73 = scf.for %while3A_78 = %while3A_69 to %while3A_65 step %while3A_72 iter_args(%while3A_79 = %while3A_71) -> (i32)  : i32 {
        %mul3A_80 = arith.constant 16 : i32
        %mul3A_81 = arith.muli %while3A_78, %mul3A_80 : i32
        %get3A = arith.index_cast %mul3A_81 : i32 to index
        %get3A_82 = tpu.vector_load %arg7[%get3A] {strides = array<i32>} : memref<16384xi32, #tpu.memory_space<vmem>>, vector<16xi32>,
        %mul3A_83 = arith.constant 16 : i32
        %mul3A_84 = arith.muli %while3A_78, %mul3A_83 : i32
        %get3A_85 = arith.index_cast %mul3A_84 : i32 to index
        %get3A_86 = tpu.vector_load %arg8[%get3A_85] {strides = array<i32>} : memref<16384xi32, #tpu.memory_space<vmem>>, vector<16xi32>,
        %mul3A_87 = arith.constant 16 : i32
        %mul3A_88 = arith.muli %while3A_78, %mul3A_87 : i32
        %add3A_89 = vector.broadcast %mul3A_88 : i32 to vector<16xi32>
        %add3A_90 = arith.addi %add3A_89, %iota3A : vector<16xi32>
        %lt3A_91 = vector.broadcast %scan3A_7 : i32 to vector<16xi32>
        %lt3A_92 = arith.cmpi slt, %add3A_90, %lt3A_91 : vector<16xi32>
        %shift_right_logical3A = arith.constant 9 : i32
        %shift_right_logical3A_93 = vector.broadcast %shift_right_logical3A : i32 to vector<16xi32>
        %shift_right_logical3A_94 = arith.shrui %get3A_82, %shift_right_logical3A_93 : vector<16xi32>
        %eq3A_95 = arith.constant 1953 : i32
        %eq3A_96 = vector.broadcast %eq3A_95 : i32 to vector<16xi32>
        %eq3A_97 = arith.cmpi eq, %shift_right_logical3A_94, %eq3A_96 : vector<16xi32>
        %and3A_98 = arith.andi %eq3A_97, %lt3A_92 : vector<16xi1>
        %all_reduce_population_count3A = tpu.all_reduce %and3A_98 {dim = 0 : i64, kind = #tpu.reduction_kind<sum>} : vector<16xi1> -> vector<16xi32>
        %slice3A = vector.extract_strided_slice %all_reduce_population_count3A {offsets = [0], sizes = [1], strides = [1]} : vector<16xi32> to vector<1xi32>
        %squeeze3A = vector.extract %slice3A[0] : i32 from vector<1xi32>
        %swap3A = arith.index_cast %while3A_79 : i32 to index
        %swap3A_99 = tpu.vector_load %arg11[%swap3A] masked %and3A_98 {strides = array<i32>} : memref<48xi32, #tpu.memory_space<vmem>>, vector<16xi32>, vector<16xi1>
        tpu.vector_store %arg11[%swap3A], %get3A_82 masked %and3A_98 {strides = array<i32>} : memref<48xi32, #tpu.memory_space<vmem>>, vector<16xi32>, vector<16xi1>
        %swap3A_100 = arith.index_cast %while3A_79 : i32 to index
        %swap3A_101 = tpu.vector_load %arg12[%swap3A_100] masked %and3A_98 {strides = array<i32>} : memref<48xi32, #tpu.memory_space<vmem>>, vector<16xi32>, vector<16xi1>
        tpu.vector_store %arg12[%swap3A_100], %get3A_86 masked %and3A_98 {strides = array<i32>} : memref<48xi32, #tpu.memory_space<vmem>>, vector<16xi32>, vector<16xi1>
        %add3A_102 = arith.addi %while3A_79, %squeeze3A : i32
        %gt3A_103 = arith.constant 16 : i32
        %gt3A_104 = arith.cmpi sgt, %add3A_102, %gt3A_103 : i32
        %convert_element_type3A_105 = arith.extui %gt3A_104 : i1 to i32
        %cond3A_106 = arith.constant 0 : i32
        %cond3A_107 = arith.cmpi ne, %convert_element_type3A_105, %cond3A_106 : i32
        %cond3A_108 = scf.if %cond3A_107 -> (i32) {
          %while3A_109 = arith.constant 0 : i32
          %while3A_110 = arith.constant 0 : i32
          %while3A_111 = arith.subi %add3A_102, %while3A_109 : i32
          %while3A_112 = arith.addi %while3A_109, %while3A_111 : i32
          %while3A_113 = arith.constant 1 : i32
          %while3A_114 = arith.divsi %while3A_111, %while3A_113 : i32
          %while3A_115 = arith.muli %while3A_114, %while3A_113 : i32
          %while3A_116 = arith.addi %while3A_109, %while3A_115 : i32
          %while3A_117 = arith.constant 1 : i32
          %while3A_118 = scf.for %while3A_134 = %while3A_109 to %while3A_116 step %while3A_117 iter_args(%while3A_135 = %while3A_110) -> (i32)  : i32 {
            %broadcast_in_dim3A = arith.constant 0 : i32
            %broadcast_in_dim3A_136 = vector.broadcast %broadcast_in_dim3A : i32 to vector<16xi32>
            %add3A_137 = vector.broadcast %while3A_134 : i32 to vector<16xi32>
            %add3A_138 = arith.addi %broadcast_in_dim3A_136, %add3A_137 : vector<16xi32>
            %gather3A = tpu.vector_load_idx %arg11[%add3A_138] : memref<48xi32, #tpu.memory_space<vmem>>[vector<16xi32>], vector<16xi32>,
            %gather3A_139 = tpu.vector_load_idx %arg12[%add3A_138] : memref<48xi32, #tpu.memory_space<vmem>>[vector<16xi32>], vector<16xi32>,
            %sub3A_140 = arith.constant 999936 : i32
            %sub3A_141 = vector.broadcast %sub3A_140 : i32 to vector<16xi32>
            %sub3A_142 = arith.subi %gather3A, %sub3A_141 : vector<16xi32>
            %add3A_143 = arith.constant 0 : i32
            %add3A_144 = vector.broadcast %add3A_143 : i32 to vector<16xi32>
            %add3A_145 = arith.addi %add3A_144, %iota3A : vector<16xi32>
            %gather3A_146 = tpu.vector_load_idx %arg14[%add3A_145, %sub3A_142] : memref<64x128xf32, #tpu.memory_space<vmem>>[vector<16xi32>, vector<16xi32>], vector<16xf32>,
            %swap3A_147 = arith.index_cast %while3A_134 : i32 to index
            %swap3A_148 = arith.constant 0 : index
            %swap3A_149 = tpu.vector_load %arg13[%swap3A_147, %swap3A_148] {strides = array<i32>} : memref<32x64xf32, #tpu.memory_space<vmem>>, vector<16xf32>,
            tpu.vector_store %arg13[%swap3A_147, %swap3A_148], %gather3A_146 {strides = array<i32>} : memref<32x64xf32, #tpu.memory_space<vmem>>, vector<16xf32>,
            %add3A_150 = arith.constant 16 : i32
            %add3A_151 = vector.broadcast %add3A_150 : i32 to vector<16xi32>
            %add3A_152 = arith.addi %add3A_151, %iota3A : vector<16xi32>
            %gather3A_153 = tpu.vector_load_idx %arg14[%add3A_152, %sub3A_142] : memref<64x128xf32, #tpu.memory_space<vmem>>[vector<16xi32>, vector<16xi32>], vector<16xf32>,
            %swap3A_154 = arith.index_cast %while3A_134 : i32 to index
            %swap3A_155 = arith.constant 16 : index
            %swap3A_156 = tpu.vector_load %arg13[%swap3A_154, %swap3A_155] {strides = array<i32>} : memref<32x64xf32, #tpu.memory_space<vmem>>, vector<16xf32>,
            tpu.vector_store %arg13[%swap3A_154, %swap3A_155], %gather3A_153 {strides = array<i32>} : memref<32x64xf32, #tpu.memory_space<vmem>>, vector<16xf32>,
            %add3A_157 = arith.constant 32 : i32
            %add3A_158 = vector.broadcast %add3A_157 : i32 to vector<16xi32>
            %add3A_159 = arith.addi %add3A_158, %iota3A : vector<16xi32>
            %gather3A_160 = tpu.vector_load_idx %arg14[%add3A_159, %sub3A_142] : memref<64x128xf32, #tpu.memory_space<vmem>>[vector<16xi32>, vector<16xi32>], vector<16xf32>,
            %swap3A_161 = arith.index_cast %while3A_134 : i32 to index
            %swap3A_162 = arith.constant 32 : index
            %swap3A_163 = tpu.vector_load %arg13[%swap3A_161, %swap3A_162] {strides = array<i32>} : memref<32x64xf32, #tpu.memory_space<vmem>>, vector<16xf32>,
            tpu.vector_store %arg13[%swap3A_161, %swap3A_162], %gather3A_160 {strides = array<i32>} : memref<32x64xf32, #tpu.memory_space<vmem>>, vector<16xf32>,
            %add3A_164 = arith.constant 48 : i32
            %add3A_165 = vector.broadcast %add3A_164 : i32 to vector<16xi32>
            %add3A_166 = arith.addi %add3A_165, %iota3A : vector<16xi32>
            %gather3A_167 = tpu.vector_load_idx %arg14[%add3A_166, %sub3A_142] : memref<64x128xf32, #tpu.memory_space<vmem>>[vector<16xi32>, vector<16xi32>], vector<16xf32>,
            %swap3A_168 = arith.index_cast %while3A_134 : i32 to index
            %swap3A_169 = arith.constant 48 : index
            %swap3A_170 = tpu.vector_load %arg13[%swap3A_168, %swap3A_169] {strides = array<i32>} : memref<32x64xf32, #tpu.memory_space<vmem>>, vector<16xf32>,
            tpu.vector_store %arg13[%swap3A_168, %swap3A_169], %gather3A_167 {strides = array<i32>} : memref<32x64xf32, #tpu.memory_space<vmem>>, vector<16xf32>,
            %slice3A_171 = vector.extract_strided_slice %gather3A_139 {offsets = [0], sizes = [1], strides = [1]} : vector<16xi32> to vector<1xi32>
            %squeeze3A_172 = vector.extract %slice3A_171[0] : i32 from vector<1xi32>
            %dma_start3A = arith.constant 0 : i32
            %dma_start3A_173 = tpu.memref_slice %arg13[%while3A_134, %dma_start3A] : memref<32x64xf32, #tpu.memory_space<vmem>> -> memref<1x64xf32, #tpu.memory_space<vmem>>
            %dma_start3A_174 = arith.constant 0 : i32
            %dma_start3A_175 = tpu.memref_slice %arg5[%squeeze3A_172, %dma_start3A_174] : memref<16384x64xf32, #tpu.memory_space<hbm>> -> memref<1x64xf32, #tpu.memory_space<hbm>>
            %dma_start3A_176 = arith.constant 0 : i32
            %dma_start3A_177 = tpu.memref_slice %arg5[%squeeze3A_172, %dma_start3A_176] : memref<16384x64xf32, #tpu.memory_space<hbm>> -> memref<1x64xf32, #tpu.memory_space<hbm>>
            %dma_start3A_178 = arith.constant 0 : i32
            %dma_start3A_179 = tpu.memref_slice %arg13[%while3A_134, %dma_start3A_178] : memref<32x64xf32, #tpu.memory_space<vmem>> -> memref<1x64xf32, #tpu.memory_space<vmem>>
            tpu.enqueue_dma source(%dma_start3A_179 : memref<1x64xf32, #tpu.memory_space<vmem>>) target(%dma_start3A_177 : memref<1x64xf32, #tpu.memory_space<hbm>>) target_semaphore(%arg17 : memref<!tpu.dma_semaphore, #tpu.memory_space<semaphore_mem>>)
            %while3A_180 = arith.constant 0 : i32
            scf.yield %while3A_180 : i32
          }
          %while3A_119 = arith.constant 1 : i32
          %while3A_120 = scf.for %while3A_134 = %while3A_116 to %while3A_112 step %while3A_119 iter_args(%while3A_135 = %while3A_118) -> (i32)  : i32 {
            %broadcast_in_dim3A = arith.constant 0 : i32
            %broadcast_in_dim3A_136 = vector.broadcast %broadcast_in_dim3A : i32 to vector<16xi32>
            %add3A_137 = vector.broadcast %while3A_134 : i32 to vector<16xi32>
            %add3A_138 = arith.addi %broadcast_in_dim3A_136, %add3A_137 : vector<16xi32>
            %gather3A = tpu.vector_load_idx %arg11[%add3A_138] : memref<48xi32, #tpu.memory_space<vmem>>[vector<16xi32>], vector<16xi32>,
            %gather3A_139 = tpu.vector_load_idx %arg12[%add3A_138] : memref<48xi32, #tpu.memory_space<vmem>>[vector<16xi32>], vector<16xi32>,
            %sub3A_140 = arith.constant 999936 : i32
            %sub3A_141 = vector.broadcast %sub3A_140 : i32 to vector<16xi32>
            %sub3A_142 = arith.subi %gather3A, %sub3A_141 : vector<16xi32>
            %add3A_143 = arith.constant 0 : i32
            %add3A_144 = vector.broadcast %add3A_143 : i32 to vector<16xi32>
            %add3A_145 = arith.addi %add3A_144, %iota3A : vector<16xi32>
            %gather3A_146 = tpu.vector_load_idx %arg14[%add3A_145, %sub3A_142] : memref<64x128xf32, #tpu.memory_space<vmem>>[vector<16xi32>, vector<16xi32>], vector<16xf32>,
            %swap3A_147 = arith.index_cast %while3A_134 : i32 to index
            %swap3A_148 = arith.constant 0 : index
            %swap3A_149 = tpu.vector_load %arg13[%swap3A_147, %swap3A_148] {strides = array<i32>} : memref<32x64xf32, #tpu.memory_space<vmem>>, vector<16xf32>,
            tpu.vector_store %arg13[%swap3A_147, %swap3A_148], %gather3A_146 {strides = array<i32>} : memref<32x64xf32, #tpu.memory_space<vmem>>, vector<16xf32>,
            %add3A_150 = arith.constant 16 : i32
            %add3A_151 = vector.broadcast %add3A_150 : i32 to vector<16xi32>
            %add3A_152 = arith.addi %add3A_151, %iota3A : vector<16xi32>
            %gather3A_153 = tpu.vector_load_idx %arg14[%add3A_152, %sub3A_142] : memref<64x128xf32, #tpu.memory_space<vmem>>[vector<16xi32>, vector<16xi32>], vector<16xf32>,
            %swap3A_154 = arith.index_cast %while3A_134 : i32 to index
            %swap3A_155 = arith.constant 16 : index
            %swap3A_156 = tpu.vector_load %arg13[%swap3A_154, %swap3A_155] {strides = array<i32>} : memref<32x64xf32, #tpu.memory_space<vmem>>, vector<16xf32>,
            tpu.vector_store %arg13[%swap3A_154, %swap3A_155], %gather3A_153 {strides = array<i32>} : memref<32x64xf32, #tpu.memory_space<vmem>>, vector<16xf32>,
            %add3A_157 = arith.constant 32 : i32
            %add3A_158 = vector.broadcast %add3A_157 : i32 to vector<16xi32>
            %add3A_159 = arith.addi %add3A_158, %iota3A : vector<16xi32>
            %gather3A_160 = tpu.vector_load_idx %arg14[%add3A_159, %sub3A_142] : memref<64x128xf32, #tpu.memory_space<vmem>>[vector<16xi32>, vector<16xi32>], vector<16xf32>,
            %swap3A_161 = arith.index_cast %while3A_134 : i32 to index
            %swap3A_162 = arith.constant 32 : index
            %swap3A_163 = tpu.vector_load %arg13[%swap3A_161, %swap3A_162] {strides = array<i32>} : memref<32x64xf32, #tpu.memory_space<vmem>>, vector<16xf32>,
            tpu.vector_store %arg13[%swap3A_161, %swap3A_162], %gather3A_160 {strides = array<i32>} : memref<32x64xf32, #tpu.memory_space<vmem>>, vector<16xf32>,
            %add3A_164 = arith.constant 48 : i32
            %add3A_165 = vector.broadcast %add3A_164 : i32 to vector<16xi32>
            %add3A_166 = arith.addi %add3A_165, %iota3A : vector<16xi32>
            %gather3A_167 = tpu.vector_load_idx %arg14[%add3A_166, %sub3A_142] : memref<64x128xf32, #tpu.memory_space<vmem>>[vector<16xi32>, vector<16xi32>], vector<16xf32>,
            %swap3A_168 = arith.index_cast %while3A_134 : i32 to index
            %swap3A_169 = arith.constant 48 : index
            %swap3A_170 = tpu.vector_load %arg13[%swap3A_168, %swap3A_169] {strides = array<i32>} : memref<32x64xf32, #tpu.memory_space<vmem>>, vector<16xf32>,
            tpu.vector_store %arg13[%swap3A_168, %swap3A_169], %gather3A_167 {strides = array<i32>} : memref<32x64xf32, #tpu.memory_space<vmem>>, vector<16xf32>,
            %slice3A_171 = vector.extract_strided_slice %gather3A_139 {offsets = [0], sizes = [1], strides = [1]} : vector<16xi32> to vector<1xi32>
            %squeeze3A_172 = vector.extract %slice3A_171[0] : i32 from vector<1xi32>
            %dma_start3A = arith.constant 0 : i32
            %dma_start3A_173 = tpu.memref_slice %arg13[%while3A_134, %dma_start3A] : memref<32x64xf32, #tpu.memory_space<vmem>> -> memref<1x64xf32, #tpu.memory_space<vmem>>
            %dma_start3A_174 = arith.constant 0 : i32
            %dma_start3A_175 = tpu.memref_slice %arg5[%squeeze3A_172, %dma_start3A_174] : memref<16384x64xf32, #tpu.memory_space<hbm>> -> memref<1x64xf32, #tpu.memory_space<hbm>>
            %dma_start3A_176 = arith.constant 0 : i32
            %dma_start3A_177 = tpu.memref_slice %arg5[%squeeze3A_172, %dma_start3A_176] : memref<16384x64xf32, #tpu.memory_space<hbm>> -> memref<1x64xf32, #tpu.memory_space<hbm>>
            %dma_start3A_178 = arith.constant 0 : i32
            %dma_start3A_179 = tpu.memref_slice %arg13[%while3A_134, %dma_start3A_178] : memref<32x64xf32, #tpu.memory_space<vmem>> -> memref<1x64xf32, #tpu.memory_space<vmem>>
            tpu.enqueue_dma source(%dma_start3A_179 : memref<1x64xf32, #tpu.memory_space<vmem>>) target(%dma_start3A_177 : memref<1x64xf32, #tpu.memory_space<hbm>>) target_semaphore(%arg17 : memref<!tpu.dma_semaphore, #tpu.memory_space<semaphore_mem>>)
            %while3A_180 = arith.constant 0 : i32
            scf.yield %while3A_180 : i32
          }
          %while3A_121 = arith.constant 0 : i32
          %while3A_122 = arith.constant 0 : i32
          %while3A_123 = arith.subi %add3A_102, %while3A_121 : i32
          %while3A_124 = arith.addi %while3A_121, %while3A_123 : i32
          %while3A_125 = arith.constant 1 : i32
          %while3A_126 = arith.divsi %while3A_123, %while3A_125 : i32
          %while3A_127 = arith.muli %while3A_126, %while3A_125 : i32
          %while3A_128 = arith.addi %while3A_121, %while3A_127 : i32
          %while3A_129 = arith.constant 1 : i32
          %while3A_130 = scf.for %while3A_134 = %while3A_121 to %while3A_128 step %while3A_129 iter_args(%while3A_135 = %while3A_122) -> (i32)  : i32 {
            %dma_wait3A = arith.constant 0 : i32
            %dma_wait3A_136 = arith.constant 0 : i32
            %dma_wait3A_137 = tpu.memref_slice %arg13[%dma_wait3A, %dma_wait3A_136] : memref<32x64xf32, #tpu.memory_space<vmem>> -> memref<1x64xf32, #tpu.memory_space<vmem>>
            %dma_wait3A_138 = arith.constant 0 : i32
            %dma_wait3A_139 = arith.constant 0 : i32
            %dma_wait3A_140 = tpu.memref_slice %arg5[%dma_wait3A_138, %dma_wait3A_139] : memref<16384x64xf32, #tpu.memory_space<hbm>> -> memref<1x64xf32, #tpu.memory_space<hbm>>
            %dma_wait3A_141 = arith.constant 0 : i32
            %dma_wait3A_142 = arith.constant 0 : i32
            %dma_wait3A_143 = tpu.memref_slice %arg13[%dma_wait3A_141, %dma_wait3A_142] : memref<32x64xf32, #tpu.memory_space<vmem>> -> memref<1x64xf32, #tpu.memory_space<vmem>>
            %dma_wait3A_144 = arith.constant 0 : i32
            %dma_wait3A_145 = arith.constant 0 : i32
            %dma_wait3A_146 = tpu.memref_slice %arg5[%dma_wait3A_144, %dma_wait3A_145] : memref<16384x64xf32, #tpu.memory_space<hbm>> -> memref<1x64xf32, #tpu.memory_space<hbm>>
            tpu.wait_dma2 semaphore(%arg17 : memref<!tpu.dma_semaphore, #tpu.memory_space<semaphore_mem>>) src(%dma_wait3A_146 : memref<1x64xf32, #tpu.memory_space<hbm>>) dst(%dma_wait3A_143 : memref<1x64xf32, #tpu.memory_space<vmem>>)
            %while3A_147 = arith.constant 0 : i32
            scf.yield %while3A_147 : i32
          }
          %while3A_131 = arith.constant 1 : i32
          %while3A_132 = scf.for %while3A_134 = %while3A_128 to %while3A_124 step %while3A_131 iter_args(%while3A_135 = %while3A_130) -> (i32)  : i32 {
            %dma_wait3A = arith.constant 0 : i32
            %dma_wait3A_136 = arith.constant 0 : i32
            %dma_wait3A_137 = tpu.memref_slice %arg13[%dma_wait3A, %dma_wait3A_136] : memref<32x64xf32, #tpu.memory_space<vmem>> -> memref<1x64xf32, #tpu.memory_space<vmem>>
            %dma_wait3A_138 = arith.constant 0 : i32
            %dma_wait3A_139 = arith.constant 0 : i32
            %dma_wait3A_140 = tpu.memref_slice %arg5[%dma_wait3A_138, %dma_wait3A_139] : memref<16384x64xf32, #tpu.memory_space<hbm>> -> memref<1x64xf32, #tpu.memory_space<hbm>>
            %dma_wait3A_141 = arith.constant 0 : i32
            %dma_wait3A_142 = arith.constant 0 : i32
            %dma_wait3A_143 = tpu.memref_slice %arg13[%dma_wait3A_141, %dma_wait3A_142] : memref<32x64xf32, #tpu.memory_space<vmem>> -> memref<1x64xf32, #tpu.memory_space<vmem>>
            %dma_wait3A_144 = arith.constant 0 : i32
            %dma_wait3A_145 = arith.constant 0 : i32
            %dma_wait3A_146 = tpu.memref_slice %arg5[%dma_wait3A_144, %dma_wait3A_145] : memref<16384x64xf32, #tpu.memory_space<hbm>> -> memref<1x64xf32, #tpu.memory_space<hbm>>
            tpu.wait_dma2 semaphore(%arg17 : memref<!tpu.dma_semaphore, #tpu.memory_space<semaphore_mem>>) src(%dma_wait3A_146 : memref<1x64xf32, #tpu.memory_space<hbm>>) dst(%dma_wait3A_143 : memref<1x64xf32, #tpu.memory_space<vmem>>)
            %while3A_147 = arith.constant 0 : i32
            scf.yield %while3A_147 : i32
          }
          %cond3A_133 = arith.constant 0 : i32
          scf.yield %cond3A_133 : i32
        } else {
          scf.yield %add3A_102 : i32
        }
        scf.yield %cond3A_108 : i32
      }
      %gt3A = arith.constant 0 : i32
      %gt3A_74 = arith.cmpi sgt, %while3A_73, %gt3A : i32
      %convert_element_type3A_75 = arith.extui %gt3A_74 : i1 to i32
      %cond3A_76 = arith.constant 0 : i32
      %cond3A_77 = arith.cmpi ne, %convert_element_type3A_75, %cond3A_76 : i32
      scf.if %cond3A_77 {
        %while3A_78 = arith.constant 0 : i32
        %while3A_79 = arith.constant 0 : i32
        %while3A_80 = arith.subi %while3A_73, %while3A_78 : i32
        %while3A_81 = arith.addi %while3A_78, %while3A_80 : i32
        %while3A_82 = arith.constant 1 : i32
        %while3A_83 = arith.divsi %while3A_80, %while3A_82 : i32
        %while3A_84 = arith.muli %while3A_83, %while3A_82 : i32
        %while3A_85 = arith.addi %while3A_78, %while3A_84 : i32
        %while3A_86 = arith.constant 1 : i32
        %while3A_87 = scf.for %while3A_90 = %while3A_78 to %while3A_85 step %while3A_86 iter_args(%while3A_91 = %while3A_79) -> (i32)  : i32 {
          %broadcast_in_dim3A = arith.constant 0 : i32
          %broadcast_in_dim3A_92 = vector.broadcast %broadcast_in_dim3A : i32 to vector<16xi32>
          %add3A_93 = vector.broadcast %while3A_90 : i32 to vector<16xi32>
          %add3A_94 = arith.addi %broadcast_in_dim3A_92, %add3A_93 : vector<16xi32>
          %gather3A = tpu.vector_load_idx %arg11[%add3A_94] : memref<48xi32, #tpu.memory_space<vmem>>[vector<16xi32>], vector<16xi32>,
          %gather3A_95 = tpu.vector_load_idx %arg12[%add3A_94] : memref<48xi32, #tpu.memory_space<vmem>>[vector<16xi32>], vector<16xi32>,
          %sub3A_96 = arith.constant 999936 : i32
          %sub3A_97 = vector.broadcast %sub3A_96 : i32 to vector<16xi32>
          %sub3A_98 = arith.subi %gather3A, %sub3A_97 : vector<16xi32>
          %add3A_99 = arith.constant 0 : i32
          %add3A_100 = vector.broadcast %add3A_99 : i32 to vector<16xi32>
          %add3A_101 = arith.addi %add3A_100, %iota3A : vector<16xi32>
          %gather3A_102 = tpu.vector_load_idx %arg14[%add3A_101, %sub3A_98] : memref<64x128xf32, #tpu.memory_space<vmem>>[vector<16xi32>, vector<16xi32>], vector<16xf32>,
          %swap3A = arith.index_cast %while3A_90 : i32 to index
          %swap3A_103 = arith.constant 0 : index
          %swap3A_104 = tpu.vector_load %arg13[%swap3A, %swap3A_103] {strides = array<i32>} : memref<32x64xf32, #tpu.memory_space<vmem>>, vector<16xf32>,
          tpu.vector_store %arg13[%swap3A, %swap3A_103], %gather3A_102 {strides = array<i32>} : memref<32x64xf32, #tpu.memory_space<vmem>>, vector<16xf32>,
          %add3A_105 = arith.constant 16 : i32
          %add3A_106 = vector.broadcast %add3A_105 : i32 to vector<16xi32>
          %add3A_107 = arith.addi %add3A_106, %iota3A : vector<16xi32>
          %gather3A_108 = tpu.vector_load_idx %arg14[%add3A_107, %sub3A_98] : memref<64x128xf32, #tpu.memory_space<vmem>>[vector<16xi32>, vector<16xi32>], vector<16xf32>,
          %swap3A_109 = arith.index_cast %while3A_90 : i32 to index
          %swap3A_110 = arith.constant 16 : index
          %swap3A_111 = tpu.vector_load %arg13[%swap3A_109, %swap3A_110] {strides = array<i32>} : memref<32x64xf32, #tpu.memory_space<vmem>>, vector<16xf32>,
          tpu.vector_store %arg13[%swap3A_109, %swap3A_110], %gather3A_108 {strides = array<i32>} : memref<32x64xf32, #tpu.memory_space<vmem>>, vector<16xf32>,
          %add3A_112 = arith.constant 32 : i32
          %add3A_113 = vector.broadcast %add3A_112 : i32 to vector<16xi32>
          %add3A_114 = arith.addi %add3A_113, %iota3A : vector<16xi32>
          %gather3A_115 = tpu.vector_load_idx %arg14[%add3A_114, %sub3A_98] : memref<64x128xf32, #tpu.memory_space<vmem>>[vector<16xi32>, vector<16xi32>], vector<16xf32>,
          %swap3A_116 = arith.index_cast %while3A_90 : i32 to index
          %swap3A_117 = arith.constant 32 : index
          %swap3A_118 = tpu.vector_load %arg13[%swap3A_116, %swap3A_117] {strides = array<i32>} : memref<32x64xf32, #tpu.memory_space<vmem>>, vector<16xf32>,
          tpu.vector_store %arg13[%swap3A_116, %swap3A_117], %gather3A_115 {strides = array<i32>} : memref<32x64xf32, #tpu.memory_space<vmem>>, vector<16xf32>,
          %add3A_119 = arith.constant 48 : i32
          %add3A_120 = vector.broadcast %add3A_119 : i32 to vector<16xi32>
          %add3A_121 = arith.addi %add3A_120, %iota3A : vector<16xi32>
          %gather3A_122 = tpu.vector_load_idx %arg14[%add3A_121, %sub3A_98] : memref<64x128xf32, #tpu.memory_space<vmem>>[vector<16xi32>, vector<16xi32>], vector<16xf32>,
          %swap3A_123 = arith.index_cast %while3A_90 : i32 to index
          %swap3A_124 = arith.constant 48 : index
          %swap3A_125 = tpu.vector_load %arg13[%swap3A_123, %swap3A_124] {strides = array<i32>} : memref<32x64xf32, #tpu.memory_space<vmem>>, vector<16xf32>,
          tpu.vector_store %arg13[%swap3A_123, %swap3A_124], %gather3A_122 {strides = array<i32>} : memref<32x64xf32, #tpu.memory_space<vmem>>, vector<16xf32>,
          %slice3A = vector.extract_strided_slice %gather3A_95 {offsets = [0], sizes = [1], strides = [1]} : vector<16xi32> to vector<1xi32>
          %squeeze3A = vector.extract %slice3A[0] : i32 from vector<1xi32>
          %dma_start3A = arith.constant 0 : i32
          %dma_start3A_126 = tpu.memref_slice %arg13[%while3A_90, %dma_start3A] : memref<32x64xf32, #tpu.memory_space<vmem>> -> memref<1x64xf32, #tpu.memory_space<vmem>>
          %dma_start3A_127 = arith.constant 0 : i32
          %dma_start3A_128 = tpu.memref_slice %arg5[%squeeze3A, %dma_start3A_127] : memref<16384x64xf32, #tpu.memory_space<hbm>> -> memref<1x64xf32, #tpu.memory_space<hbm>>
          %dma_start3A_129 = arith.constant 0 : i32
          %dma_start3A_130 = tpu.memref_slice %arg5[%squeeze3A, %dma_start3A_129] : memref<16384x64xf32, #tpu.memory_space<hbm>> -> memref<1x64xf32, #tpu.memory_space<hbm>>
          %dma_start3A_131 = arith.constant 0 : i32
          %dma_start3A_132 = tpu.memref_slice %arg13[%while3A_90, %dma_start3A_131] : memref<32x64xf32, #tpu.memory_space<vmem>> -> memref<1x64xf32, #tpu.memory_space<vmem>>
          tpu.enqueue_dma source(%dma_start3A_132 : memref<1x64xf32, #tpu.memory_space<vmem>>) target(%dma_start3A_130 : memref<1x64xf32, #tpu.memory_space<hbm>>) target_semaphore(%arg17 : memref<!tpu.dma_semaphore, #tpu.memory_space<semaphore_mem>>)
          %while3A_133 = arith.constant 0 : i32
          scf.yield %while3A_133 : i32
        }
        %while3A_88 = arith.constant 1 : i32
        %while3A_89 = scf.for %while3A_90 = %while3A_85 to %while3A_81 step %while3A_88 iter_args(%while3A_91 = %while3A_87) -> (i32)  : i32 {
          %broadcast_in_dim3A = arith.constant 0 : i32
          %broadcast_in_dim3A_92 = vector.broadcast %broadcast_in_dim3A : i32 to vector<16xi32>
          %add3A_93 = vector.broadcast %while3A_90 : i32 to vector<16xi32>
          %add3A_94 = arith.addi %broadcast_in_dim3A_92, %add3A_93 : vector<16xi32>
          %gather3A = tpu.vector_load_idx %arg11[%add3A_94] : memref<48xi32, #tpu.memory_space<vmem>>[vector<16xi32>], vector<16xi32>,
          %gather3A_95 = tpu.vector_load_idx %arg12[%add3A_94] : memref<48xi32, #tpu.memory_space<vmem>>[vector<16xi32>], vector<16xi32>,
          %sub3A_96 = arith.constant 999936 : i32
          %sub3A_97 = vector.broadcast %sub3A_96 : i32 to vector<16xi32>
          %sub3A_98 = arith.subi %gather3A, %sub3A_97 : vector<16xi32>
          %add3A_99 = arith.constant 0 : i32
          %add3A_100 = vector.broadcast %add3A_99 : i32 to vector<16xi32>
          %add3A_101 = arith.addi %add3A_100, %iota3A : vector<16xi32>
          %gather3A_102 = tpu.vector_load_idx %arg14[%add3A_101, %sub3A_98] : memref<64x128xf32, #tpu.memory_space<vmem>>[vector<16xi32>, vector<16xi32>], vector<16xf32>,
          %swap3A = arith.index_cast %while3A_90 : i32 to index
          %swap3A_103 = arith.constant 0 : index
          %swap3A_104 = tpu.vector_load %arg13[%swap3A, %swap3A_103] {strides = array<i32>} : memref<32x64xf32, #tpu.memory_space<vmem>>, vector<16xf32>,
          tpu.vector_store %arg13[%swap3A, %swap3A_103], %gather3A_102 {strides = array<i32>} : memref<32x64xf32, #tpu.memory_space<vmem>>, vector<16xf32>,
          %add3A_105 = arith.constant 16 : i32
          %add3A_106 = vector.broadcast %add3A_105 : i32 to vector<16xi32>
          %add3A_107 = arith.addi %add3A_106, %iota3A : vector<16xi32>
          %gather3A_108 = tpu.vector_load_idx %arg14[%add3A_107, %sub3A_98] : memref<64x128xf32, #tpu.memory_space<vmem>>[vector<16xi32>, vector<16xi32>], vector<16xf32>,
          %swap3A_109 = arith.index_cast %while3A_90 : i32 to index
          %swap3A_110 = arith.constant 16 : index
          %swap3A_111 = tpu.vector_load %arg13[%swap3A_109, %swap3A_110] {strides = array<i32>} : memref<32x64xf32, #tpu.memory_space<vmem>>, vector<16xf32>,
          tpu.vector_store %arg13[%swap3A_109, %swap3A_110], %gather3A_108 {strides = array<i32>} : memref<32x64xf32, #tpu.memory_space<vmem>>, vector<16xf32>,
          %add3A_112 = arith.constant 32 : i32
          %add3A_113 = vector.broadcast %add3A_112 : i32 to vector<16xi32>
          %add3A_114 = arith.addi %add3A_113, %iota3A : vector<16xi32>
          %gather3A_115 = tpu.vector_load_idx %arg14[%add3A_114, %sub3A_98] : memref<64x128xf32, #tpu.memory_space<vmem>>[vector<16xi32>, vector<16xi32>], vector<16xf32>,
          %swap3A_116 = arith.index_cast %while3A_90 : i32 to index
          %swap3A_117 = arith.constant 32 : index
          %swap3A_118 = tpu.vector_load %arg13[%swap3A_116, %swap3A_117] {strides = array<i32>} : memref<32x64xf32, #tpu.memory_space<vmem>>, vector<16xf32>,
          tpu.vector_store %arg13[%swap3A_116, %swap3A_117], %gather3A_115 {strides = array<i32>} : memref<32x64xf32, #tpu.memory_space<vmem>>, vector<16xf32>,
          %add3A_119 = arith.constant 48 : i32
          %add3A_120 = vector.broadcast %add3A_119 : i32 to vector<16xi32>
          %add3A_121 = arith.addi %add3A_120, %iota3A : vector<16xi32>
          %gather3A_122 = tpu.vector_load_idx %arg14[%add3A_121, %sub3A_98] : memref<64x128xf32, #tpu.memory_space<vmem>>[vector<16xi32>, vector<16xi32>], vector<16xf32>,
          %swap3A_123 = arith.index_cast %while3A_90 : i32 to index
          %swap3A_124 = arith.constant 48 : index
          %swap3A_125 = tpu.vector_load %arg13[%swap3A_123, %swap3A_124] {strides = array<i32>} : memref<32x64xf32, #tpu.memory_space<vmem>>, vector<16xf32>,
          tpu.vector_store %arg13[%swap3A_123, %swap3A_124], %gather3A_122 {strides = array<i32>} : memref<32x64xf32, #tpu.memory_space<vmem>>, vector<16xf32>,
          %slice3A = vector.extract_strided_slice %gather3A_95 {offsets = [0], sizes = [1], strides = [1]} : vector<16xi32> to vector<1xi32>
          %squeeze3A = vector.extract %slice3A[0] : i32 from vector<1xi32>
          %dma_start3A = arith.constant 0 : i32
          %dma_start3A_126 = tpu.memref_slice %arg13[%while3A_90, %dma_start3A] : memref<32x64xf32, #tpu.memory_space<vmem>> -> memref<1x64xf32, #tpu.memory_space<vmem>>
          %dma_start3A_127 = arith.constant 0 : i32
          %dma_start3A_128 = tpu.memref_slice %arg5[%squeeze3A, %dma_start3A_127] : memref<16384x64xf32, #tpu.memory_space<hbm>> -> memref<1x64xf32, #tpu.memory_space<hbm>>
          %dma_start3A_129 = arith.constant 0 : i32
          %dma_start3A_130 = tpu.memref_slice %arg5[%squeeze3A, %dma_start3A_129] : memref<16384x64xf32, #tpu.memory_space<hbm>> -> memref<1x64xf32, #tpu.memory_space<hbm>>
          %dma_start3A_131 = arith.constant 0 : i32
          %dma_start3A_132 = tpu.memref_slice %arg13[%while3A_90, %dma_start3A_131] : memref<32x64xf32, #tpu.memory_space<vmem>> -> memref<1x64xf32, #tpu.memory_space<vmem>>
          tpu.enqueue_dma source(%dma_start3A_132 : memref<1x64xf32, #tpu.memory_space<vmem>>) target(%dma_start3A_130 : memref<1x64xf32, #tpu.memory_space<hbm>>) target_semaphore(%arg17 : memref<!tpu.dma_semaphore, #tpu.memory_space<semaphore_mem>>)
          %while3A_133 = arith.constant 0 : i32
          scf.yield %while3A_133 : i32
        }
      } else {
      }
      scf.yield %while3A_73 : i32
    } else {
      scf.yield %scan3A_32 : i32
    }
    %while3A = arith.constant 0 : i32
    %while3A_39 = arith.constant 0 : i32
    %while3A_40 = arith.subi %cond3A_38, %while3A : i32
    %while3A_41 = arith.addi %while3A, %while3A_40 : i32
    %while3A_42 = arith.constant 1 : i32
    %while3A_43 = arith.divsi %while3A_40, %while3A_42 : i32
    %while3A_44 = arith.muli %while3A_43, %while3A_42 : i32
    %while3A_45 = arith.addi %while3A, %while3A_44 : i32
    %while3A_46 = arith.constant 1 : i32
    %while3A_47 = scf.for %while3A_50 = %while3A to %while3A_45 step %while3A_46 iter_args(%while3A_51 = %while3A_39) -> (i32)  : i32 {
      %dma_wait3A = arith.constant 0 : i32
      %dma_wait3A_52 = arith.constant 0 : i32
      %dma_wait3A_53 = tpu.memref_slice %arg13[%dma_wait3A, %dma_wait3A_52] : memref<32x64xf32, #tpu.memory_space<vmem>> -> memref<1x64xf32, #tpu.memory_space<vmem>>
      %dma_wait3A_54 = arith.constant 0 : i32
      %dma_wait3A_55 = arith.constant 0 : i32
      %dma_wait3A_56 = tpu.memref_slice %arg5[%dma_wait3A_54, %dma_wait3A_55] : memref<16384x64xf32, #tpu.memory_space<hbm>> -> memref<1x64xf32, #tpu.memory_space<hbm>>
      %dma_wait3A_57 = arith.constant 0 : i32
      %dma_wait3A_58 = arith.constant 0 : i32
      %dma_wait3A_59 = tpu.memref_slice %arg13[%dma_wait3A_57, %dma_wait3A_58] : memref<32x64xf32, #tpu.memory_space<vmem>> -> memref<1x64xf32, #tpu.memory_space<vmem>>
      %dma_wait3A_60 = arith.constant 0 : i32
      %dma_wait3A_61 = arith.constant 0 : i32
      %dma_wait3A_62 = tpu.memref_slice %arg5[%dma_wait3A_60, %dma_wait3A_61] : memref<16384x64xf32, #tpu.memory_space<hbm>> -> memref<1x64xf32, #tpu.memory_space<hbm>>
      tpu.wait_dma2 semaphore(%arg17 : memref<!tpu.dma_semaphore, #tpu.memory_space<semaphore_mem>>) src(%dma_wait3A_62 : memref<1x64xf32, #tpu.memory_space<hbm>>) dst(%dma_wait3A_59 : memref<1x64xf32, #tpu.memory_space<vmem>>)
      %while3A_63 = arith.constant 0 : i32
      scf.yield %while3A_63 : i32
    }
    %while3A_48 = arith.constant 1 : i32
    %while3A_49 = scf.for %while3A_50 = %while3A_45 to %while3A_41 step %while3A_48 iter_args(%while3A_51 = %while3A_47) -> (i32)  : i32 {
      %dma_wait3A = arith.constant 0 : i32
      %dma_wait3A_52 = arith.constant 0 : i32
      %dma_wait3A_53 = tpu.memref_slice %arg13[%dma_wait3A, %dma_wait3A_52] : memref<32x64xf32, #tpu.memory_space<vmem>> -> memref<1x64xf32, #tpu.memory_space<vmem>>
      %dma_wait3A_54 = arith.constant 0 : i32
      %dma_wait3A_55 = arith.constant 0 : i32
      %dma_wait3A_56 = tpu.memref_slice %arg5[%dma_wait3A_54, %dma_wait3A_55] : memref<16384x64xf32, #tpu.memory_space<hbm>> -> memref<1x64xf32, #tpu.memory_space<hbm>>
      %dma_wait3A_57 = arith.constant 0 : i32
      %dma_wait3A_58 = arith.constant 0 : i32
      %dma_wait3A_59 = tpu.memref_slice %arg13[%dma_wait3A_57, %dma_wait3A_58] : memref<32x64xf32, #tpu.memory_space<vmem>> -> memref<1x64xf32, #tpu.memory_space<vmem>>
      %dma_wait3A_60 = arith.constant 0 : i32
      %dma_wait3A_61 = arith.constant 0 : i32
      %dma_wait3A_62 = tpu.memref_slice %arg5[%dma_wait3A_60, %dma_wait3A_61] : memref<16384x64xf32, #tpu.memory_space<hbm>> -> memref<1x64xf32, #tpu.memory_space<hbm>>
      tpu.wait_dma2 semaphore(%arg17 : memref<!tpu.dma_semaphore, #tpu.memory_space<semaphore_mem>>) src(%dma_wait3A_62 : memref<1x64xf32, #tpu.memory_space<hbm>>) dst(%dma_wait3A_59 : memref<1x64xf32, #tpu.memory_space<vmem>>)
      %while3A_63 = arith.constant 0 : i32
      scf.yield %while3A_63 : i32
    }
    return
  }
}

module attributes {stable_mosaic.version = 14 : i64} {
  func.func @body(%arg0: i32, %arg1: memref<2048x64xf32, #tpu.memory_space<vmem>>, %arg2: memref<65x2048xf32, #tpu.memory_space<vmem>>, %arg3: memref<64x64xf32, #tpu.memory_space<vmem>>, %arg4: memref<64x64xf32, #tpu.memory_space<vmem>>, %arg5: memref<64x1xf32, #tpu.memory_space<vmem>>, %arg6: memref<64x2048xf32, #tpu.memory_space<vmem>>) attributes {dimension_semantics = [#tpu.dimension_semantics<arbitrary>], iteration_bounds = array<i64: 8>, scalar_prefetch = 0 : i64, scratch_operands = 0 : i64, tpu.core_type = #tpu.core_type<tc>, window_params = [{transform_indices = @transform_0, window_bounds = array<i64: 2048, 64>}, {transform_indices = @transform_1, window_bounds = array<i64: 65, 2048>}, {pipeline_mode = #tpu.pipeline_mode<synchronous>, transform_indices = @transform_2, window_bounds = array<i64: 64, 64>}, {pipeline_mode = #tpu.pipeline_mode<synchronous>, transform_indices = @transform_3, window_bounds = array<i64: 64, 64>}, {pipeline_mode = #tpu.pipeline_mode<synchronous>, transform_indices = @transform_4, window_bounds = array<i64: 64, 1>}, {transform_indices = @transform_5, window_bounds = array<i64: 64, 2048>}]} {
    %get3A = arith.constant 0 : index
    %get3A_0 = arith.constant 0 : index
    %get3A_1 = vector.load %arg3[%get3A, %get3A_0] : memref<64x64xf32, #tpu.memory_space<vmem>>, vector<64x64xf32>
    %get3A_2 = arith.constant 0 : index
    %get3A_3 = arith.constant 0 : index
    %get3A_4 = vector.load %arg1[%get3A_2, %get3A_3] : memref<2048x64xf32, #tpu.memory_space<vmem>>, vector<2048x64xf32>
    %dot_general3A = arith.constant dense<0.000000e+00> : vector<64x2048xf32>
    %dot_general3A_5 = tpu.matmul %get3A_1, %get3A_4, %dot_general3A {dimension_numbers = #tpu.dot_dimension_numbers<[1], [1], [0], [0], [0, 0, 1, 0], [], []>, transpose_lhs_hint = false} : vector<64x64xf32>, vector<2048x64xf32>, vector<64x2048xf32> -> vector<64x2048xf32>
    %get3A_6 = arith.constant 0 : index
    %get3A_7 = arith.constant 0 : index
    %get3A_8 = vector.load %arg4[%get3A_6, %get3A_7] : memref<64x64xf32, #tpu.memory_space<vmem>>, vector<64x64xf32>
    %get3A_9 = arith.constant 1 : index
    %get3A_10 = arith.constant 0 : index
    %get3A_11 = vector.load %arg2[%get3A_9, %get3A_10] : memref<65x2048xf32, #tpu.memory_space<vmem>>, vector<64x2048xf32>
    %dot_general3A_12 = arith.constant dense<0.000000e+00> : vector<64x2048xf32>
    %dot_general3A_13 = tpu.matmul %get3A_8, %get3A_11, %dot_general3A_12 {dimension_numbers = #tpu.dot_dimension_numbers<[1], [0], [0], [1], [0, 0, 1, 1], [], []>, transpose_lhs_hint = false} : vector<64x64xf32>, vector<64x2048xf32>, vector<64x2048xf32> -> vector<64x2048xf32>
    %add3A = arith.addf %dot_general3A_5, %dot_general3A_13 : vector<64x2048xf32>
    %get3A_14 = arith.constant 0 : index
    %get3A_15 = arith.constant 0 : index
    %get3A_16 = vector.load %arg5[%get3A_14, %get3A_15] : memref<64x1xf32, #tpu.memory_space<vmem>>, vector<64x1xf32>
    %add3A_17 = vector.broadcast %get3A_16 : vector<64x1xf32> to vector<64x2048xf32>
    %add3A_18 = arith.addf %add3A, %add3A_17 : vector<64x2048xf32>
    %swap3A = arith.constant 0 : index
    %swap3A_19 = arith.constant 0 : index
    %swap3A_20 = vector.load %arg6[%swap3A, %swap3A_19] : memref<64x2048xf32, #tpu.memory_space<vmem>>, vector<64x2048xf32>
    tpu.vector_store %arg6[%swap3A, %swap3A_19], %add3A_18 {strides = array<i32>} : memref<64x2048xf32, #tpu.memory_space<vmem>>, vector<64x2048xf32>,
    return
  }
  func.func @transform_0(%arg0: i32) -> (i32, i32) {
    %c0_i32 = arith.constant 0 : i32
    %c0_i32_0 = arith.constant 0 : i32
    return %arg0, %c0_i32 : i32, i32
  }
  func.func @transform_1(%arg0: i32) -> (i32, i32) {
    %c0_i32 = arith.constant 0 : i32
    %c0_i32_0 = arith.constant 0 : i32
    return %c0_i32, %arg0 : i32, i32
  }
  func.func @transform_2(%arg0: i32) -> (i32, i32) {
    %c0_i32 = arith.constant 0 : i32
    %c0_i32_0 = arith.constant 0 : i32
    %c0_i32_1 = arith.constant 0 : i32
    return %c0_i32, %c0_i32_0 : i32, i32
  }
  func.func @transform_3(%arg0: i32) -> (i32, i32) {
    %c0_i32 = arith.constant 0 : i32
    %c0_i32_0 = arith.constant 0 : i32
    %c0_i32_1 = arith.constant 0 : i32
    return %c0_i32, %c0_i32_0 : i32, i32
  }
  func.func @transform_4(%arg0: i32) -> (i32, i32) {
    %c0_i32 = arith.constant 0 : i32
    %c0_i32_0 = arith.constant 0 : i32
    %c0_i32_1 = arith.constant 0 : i32
    return %c0_i32, %c0_i32_0 : i32, i32
  }
  func.func @transform_5(%arg0: i32) -> (i32, i32) {
    %c0_i32 = arith.constant 0 : i32
    %c0_i32_0 = arith.constant 0 : i32
    return %c0_i32, %arg0 : i32, i32
  }
}

</mosaic_0001>

<sc_bundles>
// kernel: kernel.4.cloned.1.call-start
scs
__scs_entry_jumppad:
0x0: {  	(pc) =	sbr.rel $0x88, $3  }
0x1: {  	(tag) =	ssettag $0x0;
	lr =	simm.s32 $0x1  }
0x2: {  	[smem:$0x3F9D] =	sst lr;
	_ =	strace $0xD0000000  }
0x3: {  	_ = 	snop  }
0x4: {  	_ = 	snop  }
0x5: {  	_ = 	snop  }
0x6: {  	_ = 	snop  }
0x7: {  	_ = 	snop  }
__scs_overlays_trampoline_lowered:
0x8: {  	[smem:$0x3FAC] =	sst s0  }
0x9: {  	[smem:$0x3FAD] =	sst s1  }
0xa: {  	[smem:$0x3FAE] =	sst s2  }
0xb: {  	[smem:$0x3FAF] =	sst s3  }
0xc: {  	[smem:$0x3FB0] =	sst s4  }
0xd: {  	[smem:$0x3FB1] =	sst s5  }
0xe: {  	[smem:$0x3FB2] =	sst s6  }
0xf: {  	[smem:$0x3FB3] =	sst s7  }
0x10: {  	[smem:$0x3FB4] =	sst s8  }
0x11: {  	[smem:$0x3FB5] =	sst s9;
	s0 =	simm.s32 @!p0 $0x0  }
0x12: {  	s1 =	sld [smem:$0x3F9B];
	s0 =	simm.s32 @p0 $0x1  }
0x13: {  	[smem:$0x3FB6] =	sst s0;
	s0 =	simm.s32 @!p1 $0x0  }
0x14: {  	s2 =	sld [smem:$0x3F9A];
	s0 =	simm.s32 @p1 $0x1  }
0x15: {  	[smem:$0x3FB7] =	sst s0;
	s0 =	simm.s32 @!p2 $0x0  }
0x16: {  	s3 =	sld [smem:$0x3FDB];
	s0 =	simm.s32 @p2 $0x1  }
0x17: {  	s4 =	simm.s32 $0x1BF5;
	[smem:$0x3FB9] =	sst s0  }
0x18: {  	s0 =	sld [smem:$0x3F9C];
	_ =	swait.ge [sflag:s4], $0x0  }
0x19: {  	s7 =	sld [smem:$0x3F9D]  }
0x1a: {  	s8 =	sadd.s32 $0xFFFFE003, lr  }
0x1b: {  	s9 =	sadd.s32 $0xFFFFFEF7, lr;
	s5 =	simm.s32 $0xFFFFFFFF;
	p2 =	slt.u32 s8, $0xFFFFF086  }
0x1c: {  	p1 =	slt.u32 s9, $0xF7A;
	s5 =	simm.s32 @!p2 $0x0  }
0x1d: {  	s5 =	simm.s32 @p1 $0x1;
	p0 =	seq.s32 s7, s2  }
0x1e: {  	s7 =	smul.u32 @!p0 $0xF7A, s2;
	p2 =	seq.s32 @!p0 s5, $0x0  }
0x1f: {  	s9 =	smul.u32 $0xF7A, s1;
	s8 =	simm.s32 @!p0 $0x1BF5;
	p2 =	por !p2, p0  }
0x20: {  	[sflag:s8] =	ssyncset.s32 @!p0 $0xFFFFF086;
	s6 =	sadd.s32 @!p0 s3, s7;
	s7 =	simm.s32 @!p0 $0x108  }
0x21: {  	s3 =	sadd.s32 s3, s9;
	s6 =	sadd.s32 @!p0 $0x88, s6;
	s7 =	simm.s32 @p2 $0x1082  }
0x22: {  	[simem:s7], [sflag:s8] =	dma.local @!p0 [hbm:s6], $0xF7A  }
0x23: {  	s9 =	sor.u32 $0xD0000000, s2;
	s6 =	simm.s32 $0x108;
	_ =	swait.ge @!p0 [sflag:s8], $0x0  }
0x24: {  	s3 =	sadd.s32 $0x88, s3;
	s6 =	simm.s32 @!p1 $0x1082;
	[sflag:s4] =	ssyncset.s32 $0xFFFFF086  }
0x25: {  	[simem:s6], [sflag:s4] =	dma.local [hbm:s3], $0xF7A  }
0x26: {  	[smem:$0x3F9D] =	sst s1;
	(tag) =	ssettag s2;
	_ =	strace s9  }
0x27: {  	s1 =	sld [smem:$0x3FAD]  }
0x28: {  	s2 =	sld [smem:$0x3FAE]  }
0x29: {  	s4 =	sld [smem:$0x3FB0]  }
0x2a: {  	p0 =	seq.s32 s5, $0x0;
	s5 =	sld [smem:$0x3FB1]  }
0x2b: {  	s6 =	sld [smem:$0x3FB2]  }
0x2c: {  	s7 =	sld [smem:$0x3FB3]  }
0x2d: {  	s3 =	simm.s32 $0x108;
	s8 =	sld [smem:$0x3FB4]  }
0x2e: {  	s3 =	simm.s32 @!p0 $0x1082;
	s9 =	sld [smem:$0x3FB5]  }
0x2f: {  	lr =	sadd.s32 s0, s3;
	s0 =	sld [smem:$0x3FAC]  }
0x30: {  	s3 =	sld [smem:$0x3FAF]  }
0x31: {  	[smem:$0x3FB8] =	sst s10  }
0x32: {  	s10 =	sld [smem:$0x3FB6];
	_ =	sdelay $0x3  }
0x33: {  	p0 =	seq.s32 s10, $0x1;
	s10 =	sld [smem:$0x3FB8];
	_ =	sdelay $0x3  }
0x34: {  	[smem:$0x3FB8] =	sst s10  }
0x35: {  	s10 =	sld [smem:$0x3FB7];
	_ =	sdelay $0x3  }
0x36: {  	p1 =	seq.s32 s10, $0x1;
	s10 =	sld [smem:$0x3FB8];
	_ =	sdelay $0x3  }
0x37: {  	[smem:$0x3FB8] =	sst s10  }
0x38: {  	s10 =	sld [smem:$0x3FB9]  }
0x39: {  	_ = 	snop;
	(pc) =	sbr.ind lr, $3  }
0x3a: {  	_ = 	snop  }
0x3b: {  	_ = 	snop  }
0x3c: {  	p2 =	seq.s32 s10, $0x1;
	s10 =	sld [smem:$0x3FB8]  }
0x3d: {  	_ =	shalt  }
0x3e: {  	_ =	shalt  }
0x3f: {  	_ =	shalt  }
0x40: {  	_ =	shalt  }
0x41: {  	_ =	shalt  }
0x42: {  	_ =	shalt  }
0x43: {  	_ =	shalt  }
0x44: {  	_ =	shalt  }
0x45: {  	_ =	shalt  }
0x46: {  	_ =	shalt  }
0x47: {  	_ =	shalt  }
0x48: {  	_ =	shalt  }
0x49: {  	_ =	shalt  }
0x4a: {  	_ =	shalt  }
0x4b: {  	_ =	shalt  }
0x4c: {  	_ =	shalt  }
0x4d: {  	_ =	shalt  }
0x4e: {  	_ =	shalt  }
0x4f: {  	_ =	shalt  }
0x50: {  	_ =	shalt  }
0x51: {  	_ =	shalt  }
0x52: {  	_ =	shalt  }
0x53: {  	_ =	shalt  }
0x54: {  	_ =	shalt  }
0x55: {  	_ =	shalt  }
0x56: {  	_ =	shalt  }
0x57: {  	_ =	shalt  }
0x58: {  	_ =	shalt  }
0x59: {  	_ =	shalt  }
0x5a: {  	_ =	shalt  }
0x5b: {  	_ =	shalt  }
0x5c: {  	_ =	shalt  }
0x5d: {  	_ =	shalt  }
0x5e: {  	_ =	shalt  }
0x5f: {  	_ =	shalt  }
0x60: {  	_ =	shalt  }
0x61: {  	_ =	shalt  }
0x62: {  	_ =	shalt  }
0x63: {  	_ =	shalt  }
0x64: {  	_ =	shalt  }
0x65: {  	_ =	shalt  }
0x66: {  	_ =	shalt  }
0x67: {  	_ =	shalt  }
0x68: {  	_ =	shalt  }
0x69: {  	_ =	shalt  }
0x6a: {  	_ =	shalt  }
0x6b: {  	_ =	shalt  }
0x6c: {  	_ =	shalt  }
0x6d: {  	_ =	shalt  }
0x6e: {  	_ =	shalt  }
0x6f: {  	_ =	shalt  }
0x70: {  	_ =	shalt  }
0x71: {  	_ =	shalt  }
0x72: {  	_ =	shalt  }
0x73: {  	_ =	shalt  }
0x74: {  	_ =	shalt  }
0x75: {  	_ =	shalt  }
0x76: {  	_ =	shalt  }
0x77: {  	_ =	shalt  }
0x78: {  	_ =	shalt  }
0x79: {  	_ =	shalt  }
0x7a: {  	_ =	shalt  }
0x7b: {  	_ =	shalt  }
0x7c: {  	_ =	shalt  }
0x7d: {  	_ =	shalt  }
0x7e: {  	_ =	shalt  }
0x7f: {  	_ =	shalt  }
0x80: {  	_ =	shalt  }
0x81: {  	_ =	shalt  }
0x82: {  	_ =	shalt  }
0x83: {  	_ =	shalt  }
0x84: {  	_ =	shalt  }
0x85: {  	_ =	shalt  }
0x86: {  	_ =	shalt  }
0x87: {  	_ =	shalt  }
.Lfunc_end0:
.L_simem_size_0:
called_computation_lowered:
.L_overlay_start_0:
0x88: {  	s2 =	sld [smem:$0x3FD9]  }
0x89: {  	s3 =	sld [smem:$0x3FFE];
	_ =	sdelay $0x1  }
0x8a: {  	s1 =	srdreg.scid  }
0x8b: {  	s0 =	sand.u32 $0x1, s1  }
0x8c: {  	s17 =	sshll.u32 s0, $0xA;
	s2 =	sadd.s32 s3, s2  }
0x8d: {  	s2 =	sadd.s32 s2, s17  }
0x8e: {  	[smem:$0x3FC4] =	sst s2  }
0x8f: {  	_ = 	snop  }
0x90: {  	s2 =	sld [smem:$0x3FC8]  }
0x91: {  	s18 =	sld [smem:$0x3FD0];
	(tm) =	ssettm $0x1  }
0x92: {  	s4 =	sld [smem:$0x3FFB];
	_ =	sdelay $0x3  }
0x93: {  	_ =	strace s4  }
0x94: {  	s4 =	sld [smem:$0x3FFC];
	_ =	sdelay $0x3  }
0x95: {  	_ =	strace s4  }
0x96: {  	s4 =	sld [smem:$0x3FFD];
	_ =	sdelay $0x3  }
0x97: {  	_ =	strace s4  }
0x98: {  	_ =	strace $0x8FFFFFFF  }
0x99: {  	s19 =	sld [smem:$0x3FDB];
	_ =	sdelay $0x1  }
0x9a: {  	s5 =	simm.s32 $_scs_section_size  }
0x9b: {  	s6 =	simm.s32 $_size__tile_overlayer_lowered;
	s7 =	simm.s32 $_tile_overlayer_lowered  }
0x9c: {  	s22 =	simm.s32 $0x1BFF;
	s21 =	sshll.u32 s7, $0x1;
	s4 =	sadd.s32 s5, s19  }
0x9d: {  	s8 =	simm.s32 $0x0;
	s20 =	sshll.u32 s6, $0x1;
	s6 =	sadd.s32 s21, s4  }
0x9e: {  	[timem:s8], [sflag:s22] =	dma.local [hbm:s6], s20  }
0x9f: {  	_ =	swait.ge [sflag:s22], s20  }
0xa0: {  	s5 =	ssub.s32 $0x0, s20;
	[sflag:s22] =	ssyncset.done $0x0  }
0xa1: {  	[sflag:s22] =	ssyncadd.s32 s5;
	_ =	sdelay $0x1  }
0xa2: {  	s23 =	simm.s32 $0x1B8B  }
0xa3: {  	_ =	swait.ge [sflag:s23], $0x1  }
0xa4: {  	[sflag:s23] =	ssyncset.done $0x0  }
0xa5: {  	s25 =	simm.s32 $0x1B8E;
	s24 =	sld [smem:$0x3FFE];
	[sflag:s23] =	ssyncadd.s32 $0xFFFFFFFF  }
0xa6: {  	s26 =	simm.s32 $execute0_lowered;
	[smem:$0x3FD2] =	sst s25  }
0xa7: {  	s6 =	sshll.u32 s26, $0x1;
	_ =	strace $0x80000046;
	[dreg:$0x1] =	wrdreg $0xFFFFFFFF  }
0xa8: {  	s28 =	simm.s32 $_size_execute0_lowered;
	s4 =	sadd.s32 s4, s6;
	[dreg:$0x0] =	wrdreg $0x0  }
0xa9: {  	s6 =	sshll.u32 s28, $0x1;
	[dreg:$0x2] =	wrdreg s4  }
0xaa: {  	[dreg:$0x3] =	wrdreg s6  }
0xab: {  	[dreg:$0x4] =	wrdreg $0xC0  }
0xac: {  	_ =	task [dreg:s8], $0x5FFFF  }
0xad: {  	[dreg:$0x1] =	wrdreg $0xFFFFFFFF  }
0xae: {  	[dreg:$0x0] =	wrdreg $0x60  }
0xaf: {  	[dreg:$0x2] =	wrdreg s2  }
0xb0: {  	[dreg:$0x3] =	wrdreg s24  }
0xb1: {  	[dreg:$0x4] =	wrdreg s18  }
0xb2: {  	[dreg:$0x5] =	wrdreg $0x9  }
0xb3: {  	_ =	task.clear_ibuf [dreg:s8], $0x6FFFF;
	_ =	strace $0x90000046  }
0xb4: {  	s29 =	simm.s32 $0x9;
	_ =	strace $0x80000048  }
0xb5: {  	_ =	swait.ge [sflag:s29], $0x1  }
0xb6: {  	[sflag:s29] =	ssyncadd.s32 $0xFFFFFFFF  }
0xb7: {  	_ =	strace $0x90000048  }
0xb8: {  	_ =	sfence  }
0xb9: {  	s30 =	sld [smem:$0x0];
	_ =	sdelay $0x2  }
0xba: {  	s31 =	sshll.u32 s1, $0xD;
	s1 =	sshrl.u32 s1, $0x2  }
0xbb: {  	s3 =	sand.u32 $0x4000, s31;
	s1 =	sadd.s32 s1, s30  }
0xbc: {  	s0 =	sor.u32 s3, s0;
	s1 =	sshll.u32 s1, $0x11  }
0xbd: {  	s0 =	sor.u32 s1, s0  }
0xbe: {  	s0 =	sadd.s32 $0x8F2B, s0  }
0xbf: {  	[sflag:s0] =	ssyncadd.remote.s32 $0x1  }
0xc0: {  	_ =	sfence.sel $0xFFFF  }
0xc1: {  	[dreg:$0x0] =	wrdreg $0xFFFFFFFF;
	(pc) =	sbr.abs _section_cstart, $3  }
0xc2: {  	[dreg:$0x1] =	wrdreg $0xFFFFFFFF  }
0xc3: {  	_ =	task.clear_ibuf [dreg:s8], $0x2FFFF;
	_ =	strace $0x9FFFFFFF  }
0xc4: {  	(tm) =	ssettm $0x7FFFFFFF  }
0xc5: {  	_ =	shalt  }
tec
execute0_lowered:
.L_overlay_start_1:
0x0: {  	(tag) =	ssettag $0x1  }
0x1: {  	v0 =	vimm.s32 $0x1380;
	vm14 =	vcmask $0x300  }
0x2: {  	vm13 =	vcmask $0x704;
	vm12 =	vcmask $0xB08;
	vm11 =	vcmask $0xF0C  }
0x3: {  	vm10 =	vcmask $0x1310;
	vm9 =	vcmask $0x1714;
	vm8 =	vcmask $0x1B18  }
0x4: {  	vm7 =	vcmask $0x1F1C;
	vm6 =	vcmask $0x2320;
	vm5 =	vcmask $0x2724  }
0x5: {  	vm4 =	vcmask $0x2B28;
	vm3 =	vcmask $0x2F2C;
	vm2 =	vcmask $0x3330  }
0x6: {  	vm1 =	vcmask $0x3734;
	vm0 =	vcmask $0x3B38;
	v3 =	vimm.s32 $0x3380  }
0x7: {  	v4 =	vimm.s32 $0x5380;
	v5 =	vimm.s32 $0x7380;
	v0 =	vsel vm14, $0x0, v0  }
0x8: {  	v3 =	vsel vm14, $0x2000, v3;
	v4 =	vsel vm14, $0x4000, v4;
	v5 =	vsel vm14, $0x6000, v5  }
0x9: {  	v0 =	vsel vm13, $0x80, v0;
	v3 =	vsel vm13, $0x2080, v3;
	v4 =	vsel vm13, $0x4080, v4  }
0xa: {  	v5 =	vsel vm13, $0x6080, v5;
	v0 =	vsel vm12, $0x100, v0;
	v3 =	vsel vm12, $0x2100, v3  }
0xb: {  	v4 =	vsel vm12, $0x4100, v4;
	v5 =	vsel vm12, $0x6100, v5;
	v0 =	vsel vm11, $0x180, v0  }
0xc: {  	v3 =	vsel vm11, $0x2180, v3;
	v4 =	vsel vm11, $0x4180, v4;
	v5 =	vsel vm11, $0x6180, v5  }
0xd: {  	v0 =	vsel vm10, $0x200, v0;
	v3 =	vsel vm10, $0x2200, v3;
	v4 =	vsel vm10, $0x4200, v4  }
0xe: {  	v5 =	vsel vm10, $0x6200, v5;
	v0 =	vsel vm9, $0x280, v0;
	v3 =	vsel vm9, $0x2280, v3  }
0xf: {  	v4 =	vsel vm9, $0x4280, v4;
	v5 =	vsel vm9, $0x6280, v5;
	v0 =	vsel vm8, $0x300, v0  }
0x10: {  	v3 =	vsel vm8, $0x2300, v3;
	v4 =	vsel vm8, $0x4300, v4;
	v5 =	vsel vm8, $0x6300, v5  }
0x11: {  	v0 =	vsel vm7, $0x380, v0;
	v3 =	vsel vm7, $0x2380, v3;
	v4 =	vsel vm7, $0x4380, v4  }
0x12: {  	s0 =	srdreg.scid;
	s2 =	rddreg [dreg:$0x0];
	v5 =	vsel vm7, $0x6380, v5;
	v0 =	vsel vm6, $0x1000, v0;
	v3 =	vsel vm6, $0x3000, v3  }
0x13: {  	s1 =	stileid.u32;
	s3 =	rddreg [dreg:$0x1];
	s5 =	simm.s32 $0x0;
	v4 =	vsel vm6, $0x5000, v4;
	v5 =	vsel vm6, $0x7000, v5;
	v0 =	vsel vm5, $0x1080, v0  }
0x14: {  	s10 =	simm.s32 $0x1000;
	s0 =	sand.u32 $0x1, s0;
	s1 =	sshll.u32 s1, $0x1;
	v3 =	vsel vm5, $0x3080, v3;
	v4 =	vsel vm5, $0x5080, v4;
	v5 =	vsel vm5, $0x7080, v5  }
0x15: {  	s12 =	simm.s32 $0x7A1400;
	s13 =	simm.s32 $0xC000;
	s1 =	sor.u32 s0, s1;
	v0 =	vsel vm4, $0x1100, v0;
	v3 =	vsel vm4, $0x3100, v3;
	v4 =	vsel vm4, $0x5100, v4  }
0x16: {  	s14 =	simm.s32 $0x4;
	s15 =	simm.s32 $0x1;
	s16 =	simm.s32 $0x14000;
	v5 =	vsel vm4, $0x7100, v5;
	v1 =	vsel vm3, $0x1180, v0;
	v0 =	vmov s1  }
0x17: {  	s17 =	simm.s32 $0x18000;
	s18 =	simm.s32 $0x3;
	s19 =	simm.s32 $0x1C000;
	v3 =	vsel vm3, $0x3180, v3;
	v4 =	vsel vm3, $0x5180, v4;
	v5 =	vsel vm3, $0x7180, v5  }
0x18: {  	s20 =	simm.s32 $0x1C080;
	s21 =	simm.s32 $0x1D100;
	s22 =	simm.s32 $0x10000;
	v1 =	vsel vm2, $0x1200, v1;
	v3 =	vsel vm2, $0x3200, v3;
	v4 =	vsel vm2, $0x5200, v4  }
.Ltmp0:
0x19: {  	s23 =	simm.s32 $0x2;
	s24 =	simm.s32 $0x0;
	v5 =	vsel vm2, $0x7200, v5;
	v2 =	vsel vm1, $0x1280, v1;
	v1 =	vlaneseq.u32;
	(pc) =	sbr.rel .LBB2_1-.Ltmp0, $4  }
0x1a: {  	[smem:$0x7FF] =	sst s5;
	s6 =	sadd.s32 $0xA00, s3;
	s0 =	ssub.s32 $0x2, s0;
	v3 =	vsel vm1, $0x3280, v3;
	v4 =	vsel vm1, $0x5280, v4;
	v9 =	vmul.u32 $0x80, v1  }
0x1b: {  	s7 =	sadd.s32 $0xE00, s3;
	s9 =	sadd.s32 $0x3D0A00, s2;
	s4 =	sshrl.u32 s0, $0x1;
	v5 =	vsel vm1, $0x7280, v5;
	v2 =	vsel vm0, $0x1300, v2;
	v3 =	vsel vm0, $0x3300, v3  }
0x1c: {  	_ =	strace $0x80000047;
	s31 =	sshll.u32 s1, $0x9;
	s0 =	ssub.s32 s0, s4;
	v4 =	vsel vm0, $0x5300, v4;
	v5 =	vsel vm0, $0x7300, v5;
	v6 =	vadd.s32 $0xFFF0BE00, v9  }
0x1d: {  	p0 =	sne.s32 s1, $0x1;
	s8 =	sadd.s32 s2, s31;
	s11 =	smax.u32 s0, $0x1;
	v7 =	vadd.s32 $0xFFF0C600, v9;
	v8 =	vadd.s32 $0xFFF0CE00, v9;
	v9 =	vadd.s32 $0xFFF0D600, v9  }
.LBB2_93:
0x1e: {  	[sflag:s18] =	ssyncadd.s32 $0xFFFFFF80  }
.LBB2_94:
0x1f: {  	s24 =	sadd.s32 $0x1, s24  }
0x20: {  	p1 =	sne.s32 s24, s11  }
.Ltmp1:
0x21: {  	_ = 	snop;
	(pc) =	sbr.rel @!p1 .LBB2_95-.Ltmp1, $1  }
0x22: {  	_ =	sdelay $0x3  }
.LBB2_1:
0x23: {  	[tilespmem:s13], [sflag:$0x1] =	stream.strided.gather [hbm4b:s8+s10], $0x8000, s12, s10, $0x38;
	[tilespmem:$0x1F100] =	vst v63  }
0x24: {  	s0 =	rddreg [dreg:$0x2]  }
0x25: {  	[tilespmem:s5], [sflag:$0x4] =	stream.linear.gather [hbm4b:s0+s5], $0x4000, $0x38;
	[tilespmem:$0x1F100] =	vst v63  }
0x26: {  	_ =	swait.ge [sflag:s14], $0x4000  }
0x27: {  	[sflag:s14] =	ssyncset.done $0x0  }
0x28: {  	s30 =	simm.s32 $0x10;
	[sflag:s14] =	ssyncadd.s32 $0xFFFFC000  }
0x29: {  	v10 =	vld [tilespmem:s30+$0xFFFFFFF0];
	_ =	sdelay $0x4  }
0x2a: {  	v11 =	vshrl.u32 v10, $0x9  }
0x2b: {  	v11 =	vand.u32 $0x1F, v11  }
0x2c: {  	s3 =	simm.s32 $0x0;
	vm0 =	veq.s32 v11, v0  }
0x2d: {  	v11 =	vor.u32 s3, v1;
	v12 =	vmpcnt.ones.xlane vm0;
	[tilespmem:s5+$0x4000] =	vst.msk vm0, v10  }
0x2e: {  	[tilespmem:s5+$0x8000] =	vst.msk vm0, v11  }
0x2f: {  	v10 =	vld [tilespmem:s30+$0x0];
	(v2sf) =	vpush v12, $0x0;
	_ =	sdelay $0x4  }
0x30: {  	v11 =	vshrl.u32 v10, $0x9  }
0x31: {  	v11 =	vand.u32 $0x1F, v11  }
0x32: {  	vm15 =	veq.s32 v11, v0  }
0x33: {  	v11 =	vmpcnt.ones.xlane vm15;
	_ =	sdelay $0x1  }
0x34: {  	(v2sf) =	vpush v11, $0x0;
	_ =	sdelay $0x4  }
0x35: {  	s31 =	spop (v2sf)  }
0x36: {  	s26 =	sadd.s32 $0x0, s31  }
0x37: {  	v11 =	vor.u32 s30, v1;
	[tilespmem:s26+$0x4000] =	vst.msk vm15, v10  }
0x38: {  	s25 =	simm.s32 $0x30;
	[tilespmem:s26+$0x8000] =	vst.msk vm15, v11  }
0x39: {  	v10 =	vld [tilespmem:s25+$0xFFFFFFF0];
	_ =	sdelay $0x4  }
0x3a: {  	v11 =	vshrl.u32 v10, $0x9  }
0x3b: {  	s0 =	simm.s32 $0x30;
	s3 =	simm.s32 $0x2;
	v11 =	vand.u32 $0x1F, v11;
	s4 =	spop (v2sf)  }
.LBB2_2:
0x3c: {  	s3 =	sadd.s32 $0x2, s3;
	s28 =	sadd.s32 $0xFFFFFFF0, s25;
	vm0 =	veq.s32 v11, v0;
	s4 =	sadd.s32 s26, s4  }
0x3d: {  	p1 =	slt.u32 s3, $0x3FE;
	v11 =	vor.u32 s28, v1;
	v12 =	vmpcnt.ones.xlane vm0;
	[tilespmem:s4+$0x4000] =	vst.msk vm0, v10  }
0x3e: {  	[tilespmem:s4+$0x8000] =	vst.msk vm0, v11  }
0x3f: {  	v10 =	vld [tilespmem:s0+$0x0];
	(v2sf) =	vpush v12, $0x0;
	_ =	sdelay $0x4  }
0x40: {  	v11 =	vshrl.u32 v10, $0x9  }
0x41: {  	v11 =	vand.u32 $0x1F, v11  }
0x42: {  	vm0 =	veq.s32 v11, v0  }
0x43: {  	v11 =	vmpcnt.ones.xlane vm0;
	_ =	sdelay $0x1  }
0x44: {  	(v2sf) =	vpush v11, $0x0;
	_ =	sdelay $0x4  }
0x45: {  	s26 =	spop (v2sf)  }
0x46: {  	s26 =	sadd.s32 s4, s26  }
0x47: {  	v11 =	vor.u32 s25, v1;
	[tilespmem:s26+$0x4000] =	vst.msk vm0, v10  }
0x48: {  	s0 =	sadd.s32 $0x20, s0;
	[tilespmem:s26+$0x8000] =	vst.msk vm0, v11  }
0x49: {  	v10 =	vld [tilespmem:s0+$0xFFFFFFF0];
	_ =	sdelay $0x1  }
.Ltmp2:
0x4a: {  	(pc) =	sbr.rel @p1 .LBB2_2-.Ltmp2, $3  }
0x4b: {  	_ =	sdelay $0x1  }
0x4c: {  	v11 =	vshrl.u32 v10, $0x9  }
0x4d: {  	s25 =	sadd.s32 $0x20, s25;
	v11 =	vand.u32 $0x1F, v11;
	s4 =	spop (v2sf)  }
0x4e: {  	s3 =	sadd.s32 $0xFFFFFFF0, s25;
	vm0 =	veq.s32 v11, v0;
	s4 =	sadd.s32 s26, s4  }
0x4f: {  	v11 =	vor.u32 s3, v1;
	[tilespmem:s4+$0x4000] =	vst.msk vm0, v10  }
0x50: {  	[tilespmem:s4+$0x8000] =	vst.msk vm0, v11  }
0x51: {  	v10 =	vld [tilespmem:s0+$0x0];
	_ =	sdelay $0x4  }
0x52: {  	v11 =	vshrl.u32 v10, $0x9  }
0x53: {  	v11 =	vand.u32 $0x1F, v11  }
0x54: {  	v12 =	vmpcnt.ones.xlane vm0;
	vm15 =	veq.s32 v11, v0  }
0x55: {  	v11 =	vmpcnt.ones.xlane vm15  }
0x56: {  	(v2sf) =	vpush v12, $0x0  }
0x57: {  	(v2sf) =	vpush v11, $0x0;
	_ =	sdelay $0xd  }
0x58: {  	s3 =	spop (v2sf)  }
0x59: {  	s0 =	sadd.s32 s4, s3;
	s26 =	spop (v2sf)  }
0x5a: {  	s3 =	sadd.s32 s0, s26  }
0x5b: {  	s29 =	sadd.s32 $0xF, s3  }
0x5c: {  	s30 =	sand.u32 $0xF, s29  }
0x5d: {  	s31 =	sshra.s32 s29, $0x1F;
	p2 =	slt.s32 s29, $0x1;
	p1 =	sne.s32 s30, $0x0  }
.Ltmp3:
0x5e: {  	s26 =	sshrl.u32 s31, $0x1C;
	p1 =	por !p2, !p1;
	(pc) =	sbr.rel .LBB2_4-.Ltmp3, $4  }
0x5f: {  	s4 =	sadd.s32 s26, s29;
	s26 =	simm.s32 $0x1;
	p1 =	por !p1, !p1  }
0x60: {  	s4 =	sshra.s32 s4, $0x4;
	s26 =	simm.s32 @!p1 $0x0  }
0x61: {  	v11 =	vor.u32 s25, v1;
	[tilespmem:s0+$0x4000] =	vst.msk vm15, v10;
	s26 =	ssub.s32 s4, s26  }
0x62: {  	s28 =	simm.s32 $0x0;
	s25 =	simm.s32 $0x0;
	[tilespmem:s0+$0x8000] =	vst.msk vm15, v11;
	v10 =	vmov s3;
	p1 =	slt.s32 s26, $0x1  }
.LBB2_13:
0x63: {  	s25 =	simm.s32 $0x0  }
.LBB2_64:
0x64: {  	s28 =	sadd.s32 $0x1, s28  }
0x65: {  	p2 =	sne.s32 s28, $0x3E  }
.Ltmp4:
0x66: {  	_ = 	snop;
	(pc) =	sbr.rel @!p2 .LBB2_65-.Ltmp4, $1  }
0x67: {  	_ =	sdelay $0x3  }
.LBB2_4:
0x68: {  	s3 =	sand.u32 $0x1, s28  }
0x69: {  	p3 =	seq.s32 s3, $0x1  }
.Ltmp5:
0x6a: {  	_ = 	snop;
	(pc) =	sbr.rel @p3 .LBB2_35-.Ltmp5, $4  }
0x6b: {  	_ = 	snop  }
0x6c: {  	s0 =	sshll.u32 s28, $0x5  }
0x6d: {  	s29 =	sor.u32 s1, s0  }
0x6e: {  	s0 =	sadd.s32 $0x20, s29;
	p2 =	sgt.u32 s29, $0x780  }
.Ltmp6:
0x6f: {  	(pc) =	sbr.rel @p2 .LBB2_7-.Ltmp6, $1  }
0x70: {  	_ =	sdelay $0x3  }
.Ltmp7:
0x71: {  	s0 =	sshll.u32 s0, $0x9;
	(pc) =	sbr.rel .LBB2_8-.Ltmp7, $4  }
0x72: {  	s3 =	sadd.s32 s2, s0  }
0x73: {  	[tilespmem:s16], [sflag:$0x2] =	stream.strided.gather [hbm4b:s3+s10], $0x4000, s12, s10, $0x38;
	[tilespmem:$0x1F100] =	vst v63  }
0x74: {  	s0 =	sadd.s32 s0, s9  }
0x75: {  	[tilespmem:s17], [sflag:$0x2] =	stream.strided.gather [hbm4b:s0+s10], $0x4000, s12, s10, $0x38;
	[tilespmem:$0x1F100] =	vst v63  }
.LBB2_35:
.Ltmp8:
0x76: {  	(pc) =	sbr.rel @p2 .LBB2_37-.Ltmp8, $1  }
0x77: {  	_ =	sdelay $0x3  }
.Ltmp9:
0x78: {  	s0 =	sshll.u32 s0, $0x9;
	(pc) =	sbr.rel .LBB2_38-.Ltmp9, $4  }
0x79: {  	s3 =	sadd.s32 s2, s0  }
0x7a: {  	[tilespmem:s13], [sflag:$0x1] =	stream.strided.gather [hbm4b:s3+s10], $0x4000, s12, s10, $0x38;
	[tilespmem:$0x1F100] =	vst v63  }
0x7b: {  	s0 =	sadd.s32 s0, s9  }
0x7c: {  	[tilespmem:s22], [sflag:$0x1] =	stream.strided.gather [hbm4b:s0+s10], $0x4000, s12, s10, $0x38;
	[tilespmem:$0x1F100] =	vst v63  }
.LBB2_7:
0x7d: {  	p2 =	sgt.u32 s29, $0x7A0  }
.Ltmp10:
0x7e: {  	_ = 	snop;
	(pc) =	sbr.rel @p2 .LBB2_64-.Ltmp10, $1  }
0x7f: {  	_ =	sdelay $0x3  }
.LBB2_8:
0x80: {  	p2 =	slt.s32 s25, $0x1  }
.Ltmp11:
0x81: {  	_ = 	snop;
	(pc) =	sbr.rel @p2 .LBB2_12-.Ltmp11, $4  }
0x82: {  	_ = 	snop  }
0x83: {  	_ =	swait.ge [sflag:s15], $0x8000  }
0x84: {  	[sflag:s15] =	ssyncset.done $0x0  }
0x85: {  	[sflag:s15] =	ssyncadd.s32 $0xFFFF8000  }
0x86: {  	p2 =	sne.s32 s25, $0x1  }
.Ltmp12:
0x87: {  	_ = 	snop;
	(pc) =	sbr.rel @!p2 .LBB2_11-.Ltmp12, $3  }
0x88: {  	_ =	sdelay $0x1  }
0x89: {  	_ =	swait.ge [sflag:s18], $0x80  }
0x8a: {  	s0 =	sadd.s32 $0xFFFFFFFF, s25;
	[sflag:s18] =	ssyncset.done $0x0  }
.LBB2_10:
0x8b: {  	p2 =	sne.s32 s0, $0x1;
	s0 =	sadd.s32 $0xFFFFFFFF, s0;
	[sflag:s18] =	ssyncadd.s32 $0xFFFFFF80  }
.Ltmp13:
0x8c: {  	(pc) =	sbr.rel @p2 .LBB2_10-.Ltmp13, $3  }
0x8d: {  	_ =	sdelay $0x1  }
0x8e: {  	_ =	swait.ge [sflag:s18], $0x80  }
0x8f: {  	[sflag:s18] =	ssyncset.done $0x0  }
.LBB2_11:
0x90: {  	[sflag:s18] =	ssyncadd.s32 $0xFFFFFF80  }
.LBB2_12:
.Ltmp14:
0x91: {  	(pc) =	sbr.rel @p1 .LBB2_13-.Ltmp14, $1  }
0x92: {  	_ =	sdelay $0x3  }
.Ltmp15:
0x93: {  	(pc) =	sbr.rel .LBB2_15-.Ltmp15, $3  }
0x94: {  	_ =	sdelay $0x1  }
0x95: {  	s0 =	sshll.u32 s29, $0x9  }
0x96: {  	v12 =	vmov s29;
	s29 =	simm.s32 $0x0;
	s31 =	simm.s32 $0x0;
	s30 =	simm.s32 $0x0;
	v11 =	vmov s0  }
.LBB2_24:
0x97: {  	[sflag:s18] =	ssyncadd.s32 $0xFFFFFF80  }
.LBB2_25:
0x98: {  	s30 =	sadd.s32 $0x1, s30  }
0x99: {  	p3 =	sne.s32 s30, s26  }
.Ltmp16:
0x9a: {  	_ = 	snop;
	(pc) =	sbr.rel @!p3 .LBB2_26-.Ltmp16, $3  }
0x9b: {  	_ =	sdelay $0x1  }
0x9c: {  	p2 =	sgt.s32 s25, $0x10;
	s31 =	smov.u32 s25  }
0x9d: {  	s31 =	simm.s32 @p2 $0x0  }
.LBB2_15:
0x9e: {  	s0 =	sshll.u32 s30, $0x4  }
0x9f: {  	v13 =	vld [tilespmem:s0+$0x4000];
	_ =	sdelay $0x4  }
0xa0: {  	v14 =	vor.u32 s0, v1;
	v15 =	vshrl.u32 v13, $0x9  }
0xa1: {  	vm0 =	vlt.s32 v14, v10;
	vm1 =	veq.s32 v15, v12  }
0xa2: {  	vm0 =	vmand vm0, vm1  }
0xa3: {  	v14 =	vmpcnt.ones.xlane vm0;
	_ =	sdelay $0x1  }
0xa4: {  	(v2sf) =	vpush v14, $0x0;
	_ =	sdelay $0xe  }
0xa5: {  	s25 =	spop (v2sf)  }
0xa6: {  	s25 =	sadd.s32 s31, s25  }
0xa7: {  	v14 =	vld [tilespmem:s0+$0x8000];
	p2 =	slt.s32 s25, $0x11  }
.Ltmp17:
0xa8: {  	_ = 	snop;
	(pc) =	sbr.rel @p2 .LBB2_25-.Ltmp17, $3  }
0xa9: {  	_ =	sdelay $0x1  }
0xaa: {  	[tilespmem:s31+$0x1C000] =	vst.msk vm0, v13  }
0xab: {  	s0 =	simm.s32 $0x1C100;
	[tilespmem:s31+$0x1C080] =	vst.msk vm0, v14  }
0xac: {  	p3 =	sne.s32 s25, $0x1  }
.Ltmp18:
0xad: {  	_ = 	snop;
	(pc) =	sbr.rel @!p3 .LBB2_17-.Ltmp18, $2  }
0xae: {  	_ =	sdelay $0x2  }
0xaf: {  	s31 =	simm.s32 $0x1;
	v13 =	vmov s29;
	p2 =	por $0x0, $0x0  }
0xb0: {  	_ =	sdelay $0x3  }
0xb1: {  	v14 =	vld.idx.msk [tilespmem:v13+s19+$0x0], $0xffff;
	_ =	sdelay $0x4  }
0xb2: {  	v15 =	vsub.s32 v14, v11  }
0xb3: {  	v15 =	vshll.u32 v15, $0x3  }
0xb4: {  	v14 =	vand.u32 $0x7F, v14;
	v15 =	vand.u32 $0xFFFFFC00, v15  }
0xb5: {  	v14 =	vor.u32 v14, v15  }
0xb6: {  	v15 =	vadd.s32 v2, v14;
	_ =	sdelay $0x3  }
0xb7: {  	v13 =	vld.idx.msk [tilespmem:v13+s20+$0x0], $0xffff  }
0xb8: {  	v15 =	vld.idx.msk [tilespmem:v15+s13+$0x0], $0xffff  }
0xb9: {  	v16 =	vadd.s32 v3, v14;
	_ =	sdelay $0x3  }
0xba: {  	(v2sf) =	vpush v13, $0x0;
	[tilespmem:s0+$0x0] =	vst v15  }
0xbb: {  	v13 =	vld.idx.msk [tilespmem:v16+s13+$0x0], $0xffff  }
0xbc: {  	v15 =	vadd.s32 v4, v14;
	_ =	sdelay $0x3  }
0xbd: {  	[tilespmem:s0+$0x10] =	vst v13  }
0xbe: {  	v13 =	vld.idx.msk [tilespmem:v15+s13+$0x0], $0xffff  }
0xbf: {  	v14 =	vadd.s32 v5, v14;
	_ =	sdelay $0x3  }
0xc0: {  	[tilespmem:s0+$0x20] =	vst v13  }
0xc1: {  	p3 =	sne.s32 s25, $0x2;
	v14 =	vld.idx.msk [tilespmem:v14+s13+$0x0], $0xffff  }
.Ltmp19:
0xc2: {  	_ = 	snop;
	(pc) =	sbr.rel @!p3 .LBB2_19-.Ltmp19, $4  }
0xc3: {  	s3 =	spop (v2sf);
	v13 =	vmov s31  }
0xc4: {  	s4 =	sshll.u32 s3, $0x4  }
0xc5: {  	p2 =	por $0x1, $0x1;
	s4 =	sand.u32 $0x1FFFFFF0, s4  }
0xc6: {  	s3 =	simm.s32 $0x2;
	s4 =	sadd.s32 s7, s4;
	s31 =	simm.s32 $0x1C180;
	[tilespmem:s0+$0x30] =	vst v14  }
.LBB2_20:
0xc7: {  	[hbm4b:s4+s5] =	stream.linear.scatter [tilespmem:s0], [sflag:$0x3], $0x80, $0x38;
	[tilespmem:$0x1F100] =	vst v63  }
0xc8: {  	s4 =	smov.u32 s3;
	s3 =	sadd.s32 $0x1, s3;
	s0 =	smov.u32 s31;
	v14 =	vld.idx.msk [tilespmem:v13+s19+$0x0], $0xffff  }
0xc9: {  	p3 =	sne.s32 s25, s3;
	_ =	sdelay $0x4  }
0xca: {  	v15 =	vsub.s32 v14, v11  }
0xcb: {  	v15 =	vshll.u32 v15, $0x3  }
0xcc: {  	v14 =	vand.u32 $0x7F, v14;
	v15 =	vand.u32 $0xFFFFFC00, v15  }
0xcd: {  	v14 =	vor.u32 v14, v15  }
0xce: {  	v15 =	vadd.s32 v2, v14;
	_ =	sdelay $0x4  }
0xcf: {  	v15 =	vld.idx.msk [tilespmem:v15+s13+$0x0], $0xffff;
	_ =	sdelay $0x1  }
0xd0: {  	v16 =	vadd.s32 v3, v14  }
0xd1: {  	v13 =	vld.idx.msk [tilespmem:v13+s20+$0x0], $0xffff;
	_ =	sdelay $0x2  }
0xd2: {  	[tilespmem:s31+$0x0] =	vst v15  }
0xd3: {  	v15 =	vld.idx.msk [tilespmem:v16+s13+$0x0], $0xffff;
	_ =	sdelay $0x1  }
0xd4: {  	v16 =	vadd.s32 v4, v14;
	(v2sf) =	vpush v13, $0x0;
	_ =	sdelay $0x3  }
0xd5: {  	[tilespmem:s31+$0x10] =	vst v15  }
0xd6: {  	v13 =	vld.idx.msk [tilespmem:v16+s13+$0x0], $0xffff;
	_ =	sdelay $0x1  }
0xd7: {  	v14 =	vadd.s32 v5, v14;
	_ =	sdelay $0x3  }
0xd8: {  	[tilespmem:s31+$0x20] =	vst v13  }
0xd9: {  	v14 =	vld.idx.msk [tilespmem:v14+s13+$0x0], $0xffff;
	_ =	sdelay $0x1  }
.Ltmp20:
0xda: {  	(pc) =	sbr.rel @p3 .LBB2_20-.Ltmp20, $4  }
0xdb: {  	v13 =	vmov s4;
	s4 =	spop (v2sf)  }
0xdc: {  	s4 =	sshll.u32 s4, $0x4  }
0xdd: {  	s4 =	sand.u32 $0x1FFFFFF0, s4  }
0xde: {  	s31 =	sadd.s32 $0x80, s31;
	[tilespmem:s0+$0x30] =	vst v14;
	s4 =	sadd.s32 s7, s4  }
0xdf: {  	s3 =	smov.u32 s0;
	s0 =	smov.u32 s31  }
.LBB2_22:
0xe0: {  	_ =	sdelay $0x2  }
0xe1: {  	[hbm4b:s4+s5] =	stream.linear.scatter @p2 [tilespmem:s3], [sflag:$0x3], $0x80, $0x38;
	[tilespmem:$0x1F100] =	vst v63  }
0xe2: {  	v14 =	vld.idx.msk [tilespmem:v13+s19+$0x0], $0xffff;
	_ =	sdelay $0x4  }
0xe3: {  	v15 =	vsub.s32 v14, v11  }
0xe4: {  	v15 =	vshll.u32 v15, $0x3  }
0xe5: {  	v14 =	vand.u32 $0x7F, v14;
	v15 =	vand.u32 $0xFFFFFC00, v15  }
0xe6: {  	v14 =	vor.u32 v14, v15  }
0xe7: {  	v15 =	vadd.s32 v2, v14;
	_ =	sdelay $0x3  }
0xe8: {  	v13 =	vld.idx.msk [tilespmem:v13+s20+$0x0], $0xffff  }
0xe9: {  	v15 =	vld.idx.msk [tilespmem:v15+s13+$0x0], $0xffff  }
0xea: {  	v16 =	vadd.s32 v3, v14;
	_ =	sdelay $0x3  }
0xeb: {  	(v2sf) =	vpush v13, $0x0;
	[tilespmem:s0+$0x0] =	vst v15  }
0xec: {  	v13 =	vld.idx.msk [tilespmem:v16+s13+$0x0], $0xffff  }
0xed: {  	v15 =	vadd.s32 v4, v14;
	_ =	sdelay $0x3  }
0xee: {  	[tilespmem:s0+$0x10] =	vst v13  }
0xef: {  	v13 =	vld.idx.msk [tilespmem:v15+s13+$0x0], $0xffff  }
0xf0: {  	v14 =	vadd.s32 v5, v14;
	_ =	sdelay $0x3  }
0xf1: {  	[tilespmem:s0+$0x20] =	vst v13  }
0xf2: {  	v13 =	vld.idx.msk [tilespmem:v14+s13+$0x0], $0xffff;
	_ =	sdelay $0x1  }
0xf3: {  	s31 =	spop (v2sf)  }
0xf4: {  	p2 =	sne.s32 s25, $0x1;
	s3 =	sshll.u32 s31, $0x4  }
.Ltmp21:
0xf5: {  	s3 =	sand.u32 $0x1FFFFFF0, s3;
	(pc) =	sbr.rel @!p2 .LBB2_24-.Ltmp21, $4  }
0xf6: {  	s3 =	sadd.s32 s7, s3;
	[tilespmem:s0+$0x30] =	vst v13  }
0xf7: {  	[hbm4b:s3+s5] =	stream.linear.scatter [tilespmem:s0], [sflag:$0x3], $0x80, $0x38;
	[tilespmem:$0x1F100] =	vst v63  }
0xf8: {  	_ =	swait.ge [sflag:s18], $0x80  }
0xf9: {  	s0 =	sadd.s32 $0xFFFFFFFF, s25;
	[sflag:s18] =	ssyncset.done $0x0  }
.LBB2_23:
0xfa: {  	p2 =	sne.s32 s0, $0x1;
	s0 =	sadd.s32 $0xFFFFFFFF, s0;
	[sflag:s18] =	ssyncadd.s32 $0xFFFFFF80  }
.Ltmp22:
0xfb: {  	(pc) =	sbr.rel @p2 .LBB2_23-.Ltmp22, $3  }
0xfc: {  	_ =	sdelay $0x1  }
0xfd: {  	_ =	swait.ge [sflag:s18], $0x80  }
0xfe: {  	[sflag:s18] =	ssyncset.done $0x0  }
.Ltmp23:
0xff: {  	_ = 	snop;
	(pc) =	sbr.rel .LBB2_24-.Ltmp23, $1  }
0x100: {  	_ =	sdelay $0x3  }
.LBB2_17:
.Ltmp24:
0x101: {  	(pc) =	sbr.rel .LBB2_22-.Ltmp24, $2  }
0x102: {  	_ =	sdelay $0x2  }
0x103: {  	_ = 	snop  }
.LBB2_19:
.Ltmp25:
0x104: {  	(pc) =	sbr.rel .LBB2_22-.Ltmp25, $2  }
0x105: {  	_ =	sdelay $0x2  }
0x106: {  	s3 =	simm.s32 $0x1C100;
	s0 =	simm.s32 $0x1C180  }
.LBB2_37:
0x107: {  	p2 =	sgt.u32 s29, $0x7A0  }
.Ltmp26:
0x108: {  	_ = 	snop;
	(pc) =	sbr.rel @p2 .LBB2_64-.Ltmp26, $1  }
0x109: {  	_ =	sdelay $0x3  }
.LBB2_38:
0x10a: {  	p2 =	slt.s32 s25, $0x1  }
.Ltmp27:
0x10b: {  	_ = 	snop;
	(pc) =	sbr.rel @p2 .LBB2_42-.Ltmp27, $4  }
0x10c: {  	_ = 	snop  }
0x10d: {  	_ =	swait.ge [sflag:s23], $0x8000  }
0x10e: {  	[sflag:s23] =	ssyncset.done $0x0  }
0x10f: {  	[sflag:s23] =	ssyncadd.s32 $0xFFFF8000  }
0x110: {  	p2 =	sne.s32 s25, $0x1  }
.Ltmp28:
0x111: {  	_ = 	snop;
	(pc) =	sbr.rel @!p2 .LBB2_41-.Ltmp28, $3  }
0x112: {  	_ =	sdelay $0x1  }
0x113: {  	_ =	swait.ge [sflag:s18], $0x80  }
0x114: {  	s0 =	sadd.s32 $0xFFFFFFFF, s25;
	[sflag:s18] =	ssyncset.done $0x0  }
.LBB2_40:
0x115: {  	p2 =	sne.s32 s0, $0x1;
	s0 =	sadd.s32 $0xFFFFFFFF, s0;
	[sflag:s18] =	ssyncadd.s32 $0xFFFFFF80  }
.Ltmp29:
0x116: {  	(pc) =	sbr.rel @p2 .LBB2_40-.Ltmp29, $3  }
0x117: {  	_ =	sdelay $0x1  }
0x118: {  	_ =	swait.ge [sflag:s18], $0x80  }
0x119: {  	[sflag:s18] =	ssyncset.done $0x0  }
.LBB2_41:
0x11a: {  	[sflag:s18] =	ssyncadd.s32 $0xFFFFFF80  }
.LBB2_42:
.Ltmp30:
0x11b: {  	(pc) =	sbr.rel @p1 .LBB2_43-.Ltmp30, $1  }
0x11c: {  	_ =	sdelay $0x3  }
.Ltmp31:
0x11d: {  	(pc) =	sbr.rel .LBB2_45-.Ltmp31, $3  }
0x11e: {  	_ =	sdelay $0x1  }
0x11f: {  	s0 =	sshll.u32 s29, $0x9  }
0x120: {  	v12 =	vmov s29;
	s29 =	simm.s32 $0x0;
	s25 =	simm.s32 $0x0;
	s30 =	simm.s32 $0x0;
	v11 =	vmov s0  }
.LBB2_54:
0x121: {  	[sflag:s18] =	ssyncadd.s32 $0xFFFFFF80  }
.LBB2_55:
0x122: {  	s30 =	sadd.s32 $0x1, s30  }
0x123: {  	p3 =	sne.s32 s30, s26  }
.Ltmp32:
0x124: {  	_ = 	snop;
	(pc) =	sbr.rel @!p3 .LBB2_56-.Ltmp32, $3  }
0x125: {  	_ =	sdelay $0x1  }
0x126: {  	p2 =	sgt.s32 s25, $0x10  }
0x127: {  	s25 =	simm.s32 @p2 $0x0  }
.LBB2_45:
0x128: {  	s0 =	sshll.u32 s30, $0x4  }
0x129: {  	v13 =	vld [tilespmem:s0+$0x4000];
	_ =	sdelay $0x4  }
0x12a: {  	v14 =	vor.u32 s0, v1;
	v15 =	vshrl.u32 v13, $0x9  }
0x12b: {  	vm0 =	vlt.s32 v14, v10;
	vm1 =	veq.s32 v15, v12  }
0x12c: {  	vm0 =	vmand vm0, vm1  }
0x12d: {  	v14 =	vmpcnt.ones.xlane vm0;
	_ =	sdelay $0x1  }
0x12e: {  	(v2sf) =	vpush v14, $0x0;
	_ =	sdelay $0xa  }
0x12f: {  	v14 =	vld [tilespmem:s0+$0x8000];
	_ =	sdelay $0x3  }
0x130: {  	[tilespmem:s25+$0x1C000] =	vst.msk vm0, v13;
	s4 =	spop (v2sf)  }
0x131: {  	[tilespmem:s25+$0x1C080] =	vst.msk vm0, v14;
	s25 =	sadd.s32 s25, s4  }
0x132: {  	p2 =	slt.s32 s25, $0x11  }
.Ltmp33:
0x133: {  	_ = 	snop;
	(pc) =	sbr.rel @p2 .LBB2_55-.Ltmp33, $2  }
0x134: {  	_ =	sdelay $0x2  }
0x135: {  	s31 =	simm.s32 $0x1C100  }
0x136: {  	p3 =	sne.s32 s25, $0x1  }
.Ltmp34:
0x137: {  	_ = 	snop;
	(pc) =	sbr.rel @!p3 .LBB2_47-.Ltmp34, $2  }
0x138: {  	_ =	sdelay $0x2  }
0x139: {  	s0 =	simm.s32 $0x1;
	v13 =	vmov s29;
	p2 =	por $0x0, $0x0  }
0x13a: {  	_ =	sdelay $0x3  }
0x13b: {  	v14 =	vld.idx.msk [tilespmem:v13+s19+$0x0], $0xffff;
	_ =	sdelay $0x4  }
0x13c: {  	v15 =	vsub.s32 v14, v11  }
0x13d: {  	v15 =	vshll.u32 v15, $0x3  }
0x13e: {  	v14 =	vand.u32 $0x7F, v14;
	v15 =	vand.u32 $0xFFFFFC00, v15  }
0x13f: {  	v14 =	vor.u32 v14, v15  }
0x140: {  	v15 =	vadd.s32 v2, v14;
	_ =	sdelay $0x3  }
0x141: {  	v13 =	vld.idx.msk [tilespmem:v13+s20+$0x0], $0xffff  }
0x142: {  	v15 =	vld.idx.msk [tilespmem:v15+s16+$0x0], $0xffff  }
0x143: {  	v16 =	vadd.s32 v3, v14;
	_ =	sdelay $0x3  }
0x144: {  	(v2sf) =	vpush v13, $0x0;
	[tilespmem:s31+$0x0] =	vst v15  }
0x145: {  	v13 =	vld.idx.msk [tilespmem:v16+s16+$0x0], $0xffff  }
0x146: {  	v15 =	vadd.s32 v4, v14;
	_ =	sdelay $0x3  }
0x147: {  	[tilespmem:s31+$0x10] =	vst v13  }
0x148: {  	v13 =	vld.idx.msk [tilespmem:v15+s16+$0x0], $0xffff  }
0x149: {  	v14 =	vadd.s32 v5, v14;
	_ =	sdelay $0x3  }
0x14a: {  	[tilespmem:s31+$0x20] =	vst v13  }
0x14b: {  	p3 =	sne.s32 s25, $0x2;
	v14 =	vld.idx.msk [tilespmem:v14+s16+$0x0], $0xffff  }
.Ltmp35:
0x14c: {  	_ = 	snop;
	(pc) =	sbr.rel @!p3 .LBB2_49-.Ltmp35, $4  }
0x14d: {  	s3 =	spop (v2sf);
	v13 =	vmov s0  }
0x14e: {  	s4 =	sshll.u32 s3, $0x4  }
0x14f: {  	p2 =	por $0x1, $0x1;
	s4 =	sand.u32 $0x1FFFFFF0, s4  }
0x150: {  	s3 =	simm.s32 $0x2;
	s4 =	sadd.s32 s7, s4;
	s0 =	simm.s32 $0x1C180;
	[tilespmem:s31+$0x30] =	vst v14  }
.LBB2_50:
0x151: {  	[hbm4b:s4+s5] =	stream.linear.scatter [tilespmem:s31], [sflag:$0x3], $0x80, $0x38;
	[tilespmem:$0x1F100] =	vst v63  }
0x152: {  	s4 =	smov.u32 s3;
	s3 =	sadd.s32 $0x1, s3;
	s31 =	smov.u32 s0;
	v14 =	vld.idx.msk [tilespmem:v13+s19+$0x0], $0xffff  }
0x153: {  	p3 =	sne.s32 s25, s3;
	_ =	sdelay $0x4  }
0x154: {  	v15 =	vsub.s32 v14, v11  }
0x155: {  	v15 =	vshll.u32 v15, $0x3  }
0x156: {  	v14 =	vand.u32 $0x7F, v14;
	v15 =	vand.u32 $0xFFFFFC00, v15  }
0x157: {  	v14 =	vor.u32 v14, v15  }
0x158: {  	v15 =	vadd.s32 v2, v14;
	_ =	sdelay $0x4  }
0x159: {  	v15 =	vld.idx.msk [tilespmem:v15+s16+$0x0], $0xffff;
	_ =	sdelay $0x1  }
0x15a: {  	v16 =	vadd.s32 v3, v14  }
0x15b: {  	v13 =	vld.idx.msk [tilespmem:v13+s20+$0x0], $0xffff;
	_ =	sdelay $0x2  }
0x15c: {  	[tilespmem:s0+$0x0] =	vst v15  }
0x15d: {  	v15 =	vld.idx.msk [tilespmem:v16+s16+$0x0], $0xffff;
	_ =	sdelay $0x1  }
0x15e: {  	v16 =	vadd.s32 v4, v14;
	(v2sf) =	vpush v13, $0x0;
	_ =	sdelay $0x3  }
0x15f: {  	[tilespmem:s0+$0x10] =	vst v15  }
0x160: {  	v13 =	vld.idx.msk [tilespmem:v16+s16+$0x0], $0xffff;
	_ =	sdelay $0x1  }
0x161: {  	v14 =	vadd.s32 v5, v14;
	_ =	sdelay $0x3  }
0x162: {  	[tilespmem:s0+$0x20] =	vst v13  }
0x163: {  	v14 =	vld.idx.msk [tilespmem:v14+s16+$0x0], $0xffff;
	_ =	sdelay $0x1  }
.Ltmp36:
0x164: {  	(pc) =	sbr.rel @p3 .LBB2_50-.Ltmp36, $4  }
0x165: {  	v13 =	vmov s4;
	s4 =	spop (v2sf)  }
0x166: {  	s4 =	sshll.u32 s4, $0x4  }
0x167: {  	s4 =	sand.u32 $0x1FFFFFF0, s4  }
0x168: {  	s0 =	sadd.s32 $0x80, s0;
	[tilespmem:s31+$0x30] =	vst v14;
	s4 =	sadd.s32 s7, s4  }
0x169: {  	s3 =	smov.u32 s31;
	s31 =	smov.u32 s0  }
.LBB2_52:
0x16a: {  	_ =	sdelay $0x2  }
0x16b: {  	[hbm4b:s4+s5] =	stream.linear.scatter @p2 [tilespmem:s3], [sflag:$0x3], $0x80, $0x38;
	[tilespmem:$0x1F100] =	vst v63  }
0x16c: {  	v14 =	vld.idx.msk [tilespmem:v13+s19+$0x0], $0xffff;
	_ =	sdelay $0x4  }
0x16d: {  	v15 =	vsub.s32 v14, v11  }
0x16e: {  	v15 =	vshll.u32 v15, $0x3  }
0x16f: {  	v14 =	vand.u32 $0x7F, v14;
	v15 =	vand.u32 $0xFFFFFC00, v15  }
0x170: {  	v14 =	vor.u32 v14, v15  }
0x171: {  	v15 =	vadd.s32 v2, v14;
	_ =	sdelay $0x3  }
0x172: {  	v13 =	vld.idx.msk [tilespmem:v13+s20+$0x0], $0xffff  }
0x173: {  	v15 =	vld.idx.msk [tilespmem:v15+s16+$0x0], $0xffff  }
0x174: {  	v16 =	vadd.s32 v3, v14;
	_ =	sdelay $0x3  }
0x175: {  	(v2sf) =	vpush v13, $0x0;
	[tilespmem:s31+$0x0] =	vst v15  }
0x176: {  	v13 =	vld.idx.msk [tilespmem:v16+s16+$0x0], $0xffff  }
0x177: {  	v15 =	vadd.s32 v4, v14;
	_ =	sdelay $0x3  }
0x178: {  	[tilespmem:s31+$0x10] =	vst v13  }
0x179: {  	v13 =	vld.idx.msk [tilespmem:v15+s16+$0x0], $0xffff  }
0x17a: {  	v14 =	vadd.s32 v5, v14;
	_ =	sdelay $0x3  }
0x17b: {  	[tilespmem:s31+$0x20] =	vst v13  }
0x17c: {  	v13 =	vld.idx.msk [tilespmem:v14+s16+$0x0], $0xffff;
	_ =	sdelay $0x1  }
0x17d: {  	s0 =	spop (v2sf)  }
0x17e: {  	p2 =	sne.s32 s25, $0x1;
	s0 =	sshll.u32 s0, $0x4  }
.Ltmp37:
0x17f: {  	s0 =	sand.u32 $0x1FFFFFF0, s0;
	(pc) =	sbr.rel @!p2 .LBB2_54-.Ltmp37, $4  }
0x180: {  	s0 =	sadd.s32 s7, s0;
	[tilespmem:s31+$0x30] =	vst v13  }
0x181: {  	[hbm4b:s0+s5] =	stream.linear.scatter [tilespmem:s31], [sflag:$0x3], $0x80, $0x38;
	[tilespmem:$0x1F100] =	vst v63  }
0x182: {  	_ =	swait.ge [sflag:s18], $0x80  }
0x183: {  	s0 =	sadd.s32 $0xFFFFFFFF, s25;
	[sflag:s18] =	ssyncset.done $0x0  }
.LBB2_53:
0x184: {  	p2 =	sne.s32 s0, $0x1;
	s0 =	sadd.s32 $0xFFFFFFFF, s0;
	[sflag:s18] =	ssyncadd.s32 $0xFFFFFF80  }
.Ltmp38:
0x185: {  	(pc) =	sbr.rel @p2 .LBB2_53-.Ltmp38, $3  }
0x186: {  	_ =	sdelay $0x1  }
0x187: {  	_ =	swait.ge [sflag:s18], $0x80  }
0x188: {  	[sflag:s18] =	ssyncset.done $0x0  }
.Ltmp39:
0x189: {  	_ = 	snop;
	(pc) =	sbr.rel .LBB2_54-.Ltmp39, $1  }
0x18a: {  	_ =	sdelay $0x3  }
.LBB2_47:
.Ltmp40:
0x18b: {  	(pc) =	sbr.rel .LBB2_52-.Ltmp40, $2  }
0x18c: {  	_ =	sdelay $0x2  }
0x18d: {  	_ = 	snop  }
.LBB2_49:
.Ltmp41:
0x18e: {  	(pc) =	sbr.rel .LBB2_52-.Ltmp41, $2  }
0x18f: {  	_ =	sdelay $0x2  }
0x190: {  	s3 =	simm.s32 $0x1C100;
	s31 =	simm.s32 $0x1C180  }
.LBB2_26:
0x191: {  	p2 =	slt.s32 s31, $0x1  }
.Ltmp42:
0x192: {  	_ = 	snop;
	(pc) =	sbr.rel @p2 .LBB2_27-.Ltmp42, $1  }
0x193: {  	_ =	sdelay $0x3  }
0x194: {  	p3 =	seq.s32 s31, $0x1  }
.Ltmp43:
0x195: {  	_ = 	snop;
	(pc) =	sbr.rel @p3 .LBB2_29-.Ltmp43, $3  }
0x196: {  	_ =	sdelay $0x1  }
0x197: {  	s3 =	simm.s32 $0x0  }
0x198: {  	s29 =	simm.s32 $0x1C100;
	s0 =	simm.s32 $0x1;
	p2 =	por $0x0, $0x0;
	v12 =	vmov s3  }
0x199: {  	_ =	sdelay $0x3  }
0x19a: {  	v13 =	vld.idx.msk [tilespmem:v12+s19+$0x0], $0xffff;
	_ =	sdelay $0x4  }
0x19b: {  	v14 =	vsub.s32 v13, v11  }
0x19c: {  	v14 =	vshll.u32 v14, $0x3  }
0x19d: {  	v13 =	vand.u32 $0x7F, v13;
	v14 =	vand.u32 $0xFFFFFC00, v14  }
0x19e: {  	v13 =	vor.u32 v13, v14  }
0x19f: {  	v14 =	vadd.s32 v2, v13;
	_ =	sdelay $0x3  }
0x1a0: {  	v12 =	vld.idx.msk [tilespmem:v12+s20+$0x0], $0xffff  }
0x1a1: {  	v14 =	vld.idx.msk [tilespmem:v14+s13+$0x0], $0xffff  }
0x1a2: {  	v15 =	vadd.s32 v3, v13;
	_ =	sdelay $0x3  }
0x1a3: {  	(v2sf) =	vpush v12, $0x0;
	[tilespmem:s29+$0x0] =	vst v14  }
0x1a4: {  	v12 =	vld.idx.msk [tilespmem:v15+s13+$0x0], $0xffff  }
0x1a5: {  	v14 =	vadd.s32 v4, v13;
	_ =	sdelay $0x3  }
0x1a6: {  	[tilespmem:s29+$0x10] =	vst v12  }
0x1a7: {  	v12 =	vld.idx.msk [tilespmem:v14+s13+$0x0], $0xffff  }
0x1a8: {  	v13 =	vadd.s32 v5, v13;
	_ =	sdelay $0x3  }
0x1a9: {  	[tilespmem:s29+$0x20] =	vst v12  }
0x1aa: {  	p3 =	seq.s32 s31, $0x2;
	v13 =	vld.idx.msk [tilespmem:v13+s13+$0x0], $0xffff  }
.Ltmp44:
0x1ab: {  	_ = 	snop;
	(pc) =	sbr.rel @p3 .LBB2_31-.Ltmp44, $4  }
0x1ac: {  	s3 =	spop (v2sf);
	v12 =	vmov s0  }
0x1ad: {  	s4 =	sshll.u32 s3, $0x4  }
0x1ae: {  	p2 =	por $0x1, $0x1;
	s4 =	sand.u32 $0x1FFFFFF0, s4  }
0x1af: {  	s3 =	simm.s32 $0x2;
	s4 =	sadd.s32 s7, s4;
	s0 =	simm.s32 $0x1C180;
	[tilespmem:s29+$0x30] =	vst v13  }
.LBB2_32:
0x1b0: {  	[hbm4b:s4+s5] =	stream.linear.scatter [tilespmem:s29], [sflag:$0x3], $0x80, $0x38;
	[tilespmem:$0x1F100] =	vst v63  }
0x1b1: {  	s4 =	smov.u32 s3;
	s3 =	sadd.s32 $0x1, s3;
	s29 =	smov.u32 s0;
	v13 =	vld.idx.msk [tilespmem:v12+s19+$0x0], $0xffff  }
0x1b2: {  	p3 =	seq.s32 s31, s3;
	_ =	sdelay $0x4  }
0x1b3: {  	v14 =	vsub.s32 v13, v11  }
0x1b4: {  	v14 =	vshll.u32 v14, $0x3  }
0x1b5: {  	v13 =	vand.u32 $0x7F, v13;
	v14 =	vand.u32 $0xFFFFFC00, v14  }
0x1b6: {  	v13 =	vor.u32 v13, v14  }
0x1b7: {  	v14 =	vadd.s32 v2, v13;
	_ =	sdelay $0x4  }
0x1b8: {  	v14 =	vld.idx.msk [tilespmem:v14+s13+$0x0], $0xffff;
	_ =	sdelay $0x1  }
0x1b9: {  	v15 =	vadd.s32 v3, v13  }
0x1ba: {  	v12 =	vld.idx.msk [tilespmem:v12+s20+$0x0], $0xffff;
	_ =	sdelay $0x2  }
0x1bb: {  	[tilespmem:s0+$0x0] =	vst v14  }
0x1bc: {  	v14 =	vld.idx.msk [tilespmem:v15+s13+$0x0], $0xffff;
	_ =	sdelay $0x1  }
0x1bd: {  	v15 =	vadd.s32 v4, v13;
	(v2sf) =	vpush v12, $0x0;
	_ =	sdelay $0x3  }
0x1be: {  	[tilespmem:s0+$0x10] =	vst v14  }
0x1bf: {  	v12 =	vld.idx.msk [tilespmem:v15+s13+$0x0], $0xffff;
	_ =	sdelay $0x1  }
0x1c0: {  	v13 =	vadd.s32 v5, v13;
	_ =	sdelay $0x3  }
0x1c1: {  	[tilespmem:s0+$0x20] =	vst v12  }
0x1c2: {  	v13 =	vld.idx.msk [tilespmem:v13+s13+$0x0], $0xffff;
	_ =	sdelay $0x1  }
.Ltmp45:
0x1c3: {  	(pc) =	sbr.rel @!p3 .LBB2_32-.Ltmp45, $4  }
0x1c4: {  	v12 =	vmov s4;
	s4 =	spop (v2sf)  }
0x1c5: {  	s4 =	sshll.u32 s4, $0x4  }
0x1c6: {  	s4 =	sand.u32 $0x1FFFFFF0, s4  }
0x1c7: {  	s0 =	sadd.s32 $0x80, s0;
	[tilespmem:s29+$0x30] =	vst v13;
	s4 =	sadd.s32 s7, s4  }
0x1c8: {  	s3 =	smov.u32 s29;
	s29 =	smov.u32 s0  }
.LBB2_34:
0x1c9: {  	_ =	sdelay $0x2  }
0x1ca: {  	[hbm4b:s4+s5] =	stream.linear.scatter @p2 [tilespmem:s3], [sflag:$0x3], $0x80, $0x38;
	[tilespmem:$0x1F100] =	vst v63  }
0x1cb: {  	v13 =	vld.idx.msk [tilespmem:v12+s19+$0x0], $0xffff;
	_ =	sdelay $0x4  }
0x1cc: {  	v11 =	vsub.s32 v13, v11  }
0x1cd: {  	v11 =	vshll.u32 v11, $0x3  }
0x1ce: {  	v13 =	vand.u32 $0x7F, v13;
	v11 =	vand.u32 $0xFFFFFC00, v11  }
0x1cf: {  	v11 =	vor.u32 v13, v11  }
0x1d0: {  	v13 =	vadd.s32 v2, v11;
	_ =	sdelay $0x3  }
0x1d1: {  	v61 =	vld.idx.msk [tilespmem:v12+s20+$0x0], $0xffff  }
0x1d2: {  	v13 =	vld.idx.msk [tilespmem:v13+s13+$0x0], $0xffff  }
0x1d3: {  	v14 =	vadd.s32 v3, v11;
	_ =	sdelay $0x3  }
0x1d4: {  	(v2sf) =	vpush v61, $0x0;
	[tilespmem:s29+$0x0] =	vst v13  }
0x1d5: {  	v62 =	vld.idx.msk [tilespmem:v14+s13+$0x0], $0xffff  }
0x1d6: {  	v63 =	vadd.s32 v4, v11;
	_ =	sdelay $0x3  }
0x1d7: {  	[tilespmem:s29+$0x10] =	vst v62  }
0x1d8: {  	v12 =	vld.idx.msk [tilespmem:v63+s13+$0x0], $0xffff  }
0x1d9: {  	v11 =	vadd.s32 v5, v11;
	_ =	sdelay $0x3  }
0x1da: {  	[tilespmem:s29+$0x20] =	vst v12  }
0x1db: {  	v11 =	vld.idx.msk [tilespmem:v11+s13+$0x0], $0xffff;
	_ =	sdelay $0x1  }
.Ltmp46:
0x1dc: {  	s0 =	spop (v2sf);
	(pc) =	sbr.rel .LBB2_64-.Ltmp46, $4  }
0x1dd: {  	s0 =	sshll.u32 s0, $0x4  }
0x1de: {  	s0 =	sand.u32 $0x1FFFFFF0, s0  }
0x1df: {  	s0 =	sadd.s32 s7, s0;
	[tilespmem:s29+$0x30] =	vst v11  }
0x1e0: {  	[hbm4b:s0+s5] =	stream.linear.scatter [tilespmem:s29], [sflag:$0x3], $0x80, $0x38;
	[tilespmem:$0x1F100] =	vst v63  }
.LBB2_56:
0x1e1: {  	p2 =	slt.s32 s25, $0x1  }
.Ltmp47:
0x1e2: {  	_ = 	snop;
	(pc) =	sbr.rel @p2 .LBB2_64-.Ltmp47, $1  }
0x1e3: {  	_ =	sdelay $0x3  }
0x1e4: {  	p3 =	sne.s32 s25, $0x1  }
.Ltmp48:
0x1e5: {  	_ = 	snop;
	(pc) =	sbr.rel @!p3 .LBB2_58-.Ltmp48, $3  }
0x1e6: {  	_ =	sdelay $0x1  }
0x1e7: {  	s3 =	simm.s32 $0x0  }
0x1e8: {  	s29 =	simm.s32 $0x1C100;
	s0 =	simm.s32 $0x1;
	p2 =	por $0x0, $0x0;
	v12 =	vmov s3  }
0x1e9: {  	_ =	sdelay $0x3  }
0x1ea: {  	v13 =	vld.idx.msk [tilespmem:v12+s19+$0x0], $0xffff;
	_ =	sdelay $0x4  }
0x1eb: {  	v14 =	vsub.s32 v13, v11  }
0x1ec: {  	v14 =	vshll.u32 v14, $0x3  }
0x1ed: {  	v13 =	vand.u32 $0x7F, v13;
	v14 =	vand.u32 $0xFFFFFC00, v14  }
0x1ee: {  	v13 =	vor.u32 v13, v14  }
0x1ef: {  	v14 =	vadd.s32 v2, v13;
	_ =	sdelay $0x3  }
0x1f0: {  	v12 =	vld.idx.msk [tilespmem:v12+s20+$0x0], $0xffff  }
0x1f1: {  	v14 =	vld.idx.msk [tilespmem:v14+s16+$0x0], $0xffff  }
0x1f2: {  	v15 =	vadd.s32 v3, v13;
	_ =	sdelay $0x3  }
0x1f3: {  	(v2sf) =	vpush v12, $0x0;
	[tilespmem:s29+$0x0] =	vst v14  }
0x1f4: {  	v12 =	vld.idx.msk [tilespmem:v15+s16+$0x0], $0xffff  }
0x1f5: {  	v14 =	vadd.s32 v4, v13;
	_ =	sdelay $0x3  }
0x1f6: {  	[tilespmem:s29+$0x10] =	vst v12  }
0x1f7: {  	v12 =	vld.idx.msk [tilespmem:v14+s16+$0x0], $0xffff  }
0x1f8: {  	v13 =	vadd.s32 v5, v13;
	_ =	sdelay $0x3  }
0x1f9: {  	[tilespmem:s29+$0x20] =	vst v12  }
0x1fa: {  	p3 =	sne.s32 s25, $0x2;
	v13 =	vld.idx.msk [tilespmem:v13+s16+$0x0], $0xffff  }
.Ltmp49:
0x1fb: {  	_ = 	snop;
	(pc) =	sbr.rel @!p3 .LBB2_60-.Ltmp49, $4  }
0x1fc: {  	s3 =	spop (v2sf);
	v12 =	vmov s0  }
0x1fd: {  	s4 =	sshll.u32 s3, $0x4  }
0x1fe: {  	p2 =	por $0x1, $0x1;
	s4 =	sand.u32 $0x1FFFFFF0, s4  }
0x1ff: {  	s3 =	simm.s32 $0x2;
	s4 =	sadd.s32 s7, s4;
	s0 =	simm.s32 $0x1C180;
	[tilespmem:s29+$0x30] =	vst v13  }
.LBB2_61:
0x200: {  	[hbm4b:s4+s5] =	stream.linear.scatter [tilespmem:s29], [sflag:$0x3], $0x80, $0x38;
	[tilespmem:$0x1F100] =	vst v63  }
0x201: {  	s4 =	smov.u32 s3;
	s3 =	sadd.s32 $0x1, s3;
	s29 =	smov.u32 s0;
	v13 =	vld.idx.msk [tilespmem:v12+s19+$0x0], $0xffff  }
0x202: {  	p3 =	sne.s32 s25, s3;
	_ =	sdelay $0x4  }
0x203: {  	v14 =	vsub.s32 v13, v11  }
0x204: {  	v14 =	vshll.u32 v14, $0x3  }
0x205: {  	v13 =	vand.u32 $0x7F, v13;
	v14 =	vand.u32 $0xFFFFFC00, v14  }
0x206: {  	v13 =	vor.u32 v13, v14  }
0x207: {  	v14 =	vadd.s32 v2, v13;
	_ =	sdelay $0x4  }
0x208: {  	v14 =	vld.idx.msk [tilespmem:v14+s16+$0x0], $0xffff;
	_ =	sdelay $0x1  }
0x209: {  	v15 =	vadd.s32 v3, v13  }
0x20a: {  	v12 =	vld.idx.msk [tilespmem:v12+s20+$0x0], $0xffff;
	_ =	sdelay $0x2  }
0x20b: {  	[tilespmem:s0+$0x0] =	vst v14  }
0x20c: {  	v14 =	vld.idx.msk [tilespmem:v15+s16+$0x0], $0xffff;
	_ =	sdelay $0x1  }
0x20d: {  	v15 =	vadd.s32 v4, v13;
	(v2sf) =	vpush v12, $0x0;
	_ =	sdelay $0x3  }
0x20e: {  	[tilespmem:s0+$0x10] =	vst v14  }
0x20f: {  	v12 =	vld.idx.msk [tilespmem:v15+s16+$0x0], $0xffff;
	_ =	sdelay $0x1  }
0x210: {  	v13 =	vadd.s32 v5, v13;
	_ =	sdelay $0x3  }
0x211: {  	[tilespmem:s0+$0x20] =	vst v12  }
0x212: {  	v13 =	vld.idx.msk [tilespmem:v13+s16+$0x0], $0xffff;
	_ =	sdelay $0x1  }
.Ltmp50:
0x213: {  	(pc) =	sbr.rel @p3 .LBB2_61-.Ltmp50, $4  }
0x214: {  	v12 =	vmov s4;
	s4 =	spop (v2sf)  }
0x215: {  	s4 =	sshll.u32 s4, $0x4  }
0x216: {  	s4 =	sand.u32 $0x1FFFFFF0, s4  }
0x217: {  	s0 =	sadd.s32 $0x80, s0;
	[tilespmem:s29+$0x30] =	vst v13;
	s4 =	sadd.s32 s7, s4  }
0x218: {  	s3 =	smov.u32 s29;
	s29 =	smov.u32 s0  }
.LBB2_63:
0x219: {  	_ =	sdelay $0x2  }
0x21a: {  	[hbm4b:s4+s5] =	stream.linear.scatter @p2 [tilespmem:s3], [sflag:$0x3], $0x80, $0x38;
	[tilespmem:$0x1F100] =	vst v63  }
0x21b: {  	v13 =	vld.idx.msk [tilespmem:v12+s19+$0x0], $0xffff;
	_ =	sdelay $0x4  }
0x21c: {  	v11 =	vsub.s32 v13, v11  }
0x21d: {  	v11 =	vshll.u32 v11, $0x3  }
0x21e: {  	v13 =	vand.u32 $0x7F, v13;
	v11 =	vand.u32 $0xFFFFFC00, v11  }
0x21f: {  	v11 =	vor.u32 v13, v11  }
0x220: {  	v13 =	vadd.s32 v2, v11;
	_ =	sdelay $0x3  }
0x221: {  	v61 =	vld.idx.msk [tilespmem:v12+s20+$0x0], $0xffff  }
0x222: {  	v13 =	vld.idx.msk [tilespmem:v13+s16+$0x0], $0xffff  }
0x223: {  	v14 =	vadd.s32 v3, v11;
	_ =	sdelay $0x3  }
0x224: {  	(v2sf) =	vpush v61, $0x0;
	[tilespmem:s29+$0x0] =	vst v13  }
0x225: {  	v62 =	vld.idx.msk [tilespmem:v14+s16+$0x0], $0xffff  }
0x226: {  	v63 =	vadd.s32 v4, v11;
	_ =	sdelay $0x3  }
0x227: {  	[tilespmem:s29+$0x10] =	vst v62  }
0x228: {  	v12 =	vld.idx.msk [tilespmem:v63+s16+$0x0], $0xffff  }
0x229: {  	v11 =	vadd.s32 v5, v11;
	_ =	sdelay $0x3  }
0x22a: {  	[tilespmem:s29+$0x20] =	vst v12  }
0x22b: {  	v11 =	vld.idx.msk [tilespmem:v11+s16+$0x0], $0xffff;
	_ =	sdelay $0x1  }
.Ltmp51:
0x22c: {  	s0 =	spop (v2sf);
	(pc) =	sbr.rel .LBB2_64-.Ltmp51, $4  }
0x22d: {  	s0 =	sshll.u32 s0, $0x4  }
0x22e: {  	s0 =	sand.u32 $0x1FFFFFF0, s0  }
0x22f: {  	s0 =	sadd.s32 s7, s0;
	[tilespmem:s29+$0x30] =	vst v11  }
0x230: {  	[hbm4b:s0+s5] =	stream.linear.scatter [tilespmem:s29], [sflag:$0x3], $0x80, $0x38;
	[tilespmem:$0x1F100] =	vst v63  }
.LBB2_43:
.Ltmp52:
0x231: {  	(pc) =	sbr.rel .LBB2_64-.Ltmp52, $2  }
0x232: {  	_ =	sdelay $0x2  }
0x233: {  	s25 =	simm.s32 $0x0  }
.LBB2_27:
.Ltmp53:
0x234: {  	(pc) =	sbr.rel .LBB2_64-.Ltmp53, $2  }
0x235: {  	_ =	sdelay $0x2  }
0x236: {  	s25 =	smov.u32 s31  }
.LBB2_29:
.Ltmp54:
0x237: {  	(pc) =	sbr.rel .LBB2_34-.Ltmp54, $2  }
0x238: {  	_ =	sdelay $0x2  }
0x239: {  	_ = 	snop  }
.LBB2_58:
.Ltmp55:
0x23a: {  	(pc) =	sbr.rel .LBB2_63-.Ltmp55, $2  }
0x23b: {  	_ =	sdelay $0x2  }
0x23c: {  	_ = 	snop  }
.LBB2_31:
.Ltmp56:
0x23d: {  	(pc) =	sbr.rel .LBB2_34-.Ltmp56, $2  }
0x23e: {  	_ =	sdelay $0x2  }
0x23f: {  	s3 =	simm.s32 $0x1C100;
	s29 =	simm.s32 $0x1C180  }
.LBB2_60:
.Ltmp57:
0x240: {  	(pc) =	sbr.rel .LBB2_63-.Ltmp57, $2  }
0x241: {  	_ =	sdelay $0x2  }
0x242: {  	s3 =	simm.s32 $0x1C100;
	s29 =	simm.s32 $0x1C180  }
.LBB2_65:
.Ltmp58:
0x243: {  	(pc) =	sbr.rel @p0 .LBB2_90-.Ltmp58, $1  }
0x244: {  	_ =	sdelay $0x3  }
0x245: {  	p1 =	sgt.s32 s25, $0x0  }
.Ltmp59:
0x246: {  	_ = 	snop;
	(pc) =	sbr.rel @!p1 .LBB2_67-.Ltmp59, $4  }
0x247: {  	[tilespmem:s21], [sflag:$0x4] =	stream.linear.gather [hbm4b:s6+s5], $0x2000, $0x38;
	[tilespmem:$0x1F100] =	vst v63  }
0x248: {  	_ =	swait.ge [sflag:s14], $0x2000  }
0x249: {  	[sflag:s14] =	ssyncset.done $0x0  }
0x24a: {  	[sflag:s14] =	ssyncadd.s32 $0xFFFFE000  }
0x24b: {  	p1 =	seq.s32 s25, $0x1  }
.Ltmp60:
0x24c: {  	_ = 	snop;
	(pc) =	sbr.rel @p1 .LBB2_73-.Ltmp60, $3  }
0x24d: {  	_ =	sdelay $0x1  }
0x24e: {  	_ =	swait.ge [sflag:s18], $0x80  }
0x24f: {  	s0 =	sadd.s32 $0xFFFFFFFF, s25;
	[sflag:s18] =	ssyncset.done $0x0  }
.LBB2_72:
0x250: {  	p1 =	seq.s32 s0, $0x1;
	s0 =	sadd.s32 $0xFFFFFFFF, s0;
	[sflag:s18] =	ssyncadd.s32 $0xFFFFFF80  }
.Ltmp61:
0x251: {  	(pc) =	sbr.rel @!p1 .LBB2_72-.Ltmp61, $3  }
0x252: {  	_ =	sdelay $0x1  }
0x253: {  	_ =	swait.ge [sflag:s18], $0x80  }
0x254: {  	[sflag:s18] =	ssyncset.done $0x0  }
.LBB2_73:
0x255: {  	[sflag:s18] =	ssyncadd.s32 $0xFFFFFF80  }
.LBB2_67:
0x256: {  	p1 =	sgt.s32 s26, $0x0  }
.Ltmp62:
0x257: {  	_ = 	snop;
	(pc) =	sbr.rel @p1 .LBB2_68-.Ltmp62, $4  }
.Ltmp63:
0x258: {  	_ = 	snop;
	(pc) =	sbr.rel @!p1 .LBB2_94-.Ltmp63, $4  }
0x259: {  	_ = 	snop  }
0x25a: {  	_ = 	snop  }
0x25b: {  	s28 =	simm.s32 $0x0;
	s30 =	simm.s32 $0x0;
	s29 =	simm.s32 $0x0  }
0x25c: {  	_ = 	snop  }
.LBB2_80:
0x25d: {  	[sflag:s18] =	ssyncadd.s32 $0xFFFFFF80  }
.LBB2_81:
0x25e: {  	s29 =	sadd.s32 $0x1, s29  }
0x25f: {  	p2 =	sne.s32 s29, s26  }
.Ltmp64:
0x260: {  	_ = 	snop;
	(pc) =	sbr.rel @!p2 .LBB2_82-.Ltmp64, $3  }
0x261: {  	_ =	sdelay $0x1  }
0x262: {  	p1 =	sgt.s32 s25, $0x10;
	s30 =	smov.u32 s25  }
0x263: {  	s30 =	simm.s32 @p1 $0x0  }
.LBB2_68:
0x264: {  	s0 =	sshll.u32 s29, $0x4  }
0x265: {  	v11 =	vld [tilespmem:s0+$0x4000];
	_ =	sdelay $0x4  }
0x266: {  	v12 =	vor.u32 s0, v1;
	v13 =	vand.u32 $0xFFFFFE00, v11  }
0x267: {  	vm0 =	vlt.s32 v12, v10;
	vm1 =	veq.s32 v13, $0xF4200  }
0x268: {  	vm0 =	vmand vm0, vm1  }
0x269: {  	v62 =	vmpcnt.ones.xlane vm0;
	_ =	sdelay $0x1  }
0x26a: {  	(v2sf) =	vpush v62, $0x0;
	_ =	sdelay $0xe  }
0x26b: {  	s31 =	spop (v2sf)  }
0x26c: {  	s25 =	sadd.s32 s30, s31  }
0x26d: {  	v63 =	vld [tilespmem:s0+$0x8000];
	p1 =	slt.s32 s25, $0x11  }
.Ltmp65:
0x26e: {  	_ = 	snop;
	(pc) =	sbr.rel @p1 .LBB2_81-.Ltmp65, $3  }
0x26f: {  	_ =	sdelay $0x1  }
0x270: {  	[tilespmem:s30+$0x1C000] =	vst.msk vm0, v11  }
0x271: {  	[tilespmem:s30+$0x1C080] =	vst.msk vm0, v63;
	s30 =	simm.s32 $0x1C100  }
0x272: {  	p2 =	sne.s32 s25, $0x1  }
.Ltmp66:
0x273: {  	_ = 	snop;
	(pc) =	sbr.rel @!p2 .LBB2_70-.Ltmp66, $2  }
0x274: {  	_ =	sdelay $0x2  }
0x275: {  	s3 =	simm.s32 $0x1;
	v11 =	vmov s28;
	p1 =	por $0x0, $0x0  }
0x276: {  	_ =	sdelay $0x3  }
0x277: {  	v12 =	vld.idx.msk [tilespmem:v11+s19+$0x0], $0xffff;
	_ =	sdelay $0x4  }
0x278: {  	v13 =	vadd.s32 v6, v12;
	_ =	sdelay $0x3  }
0x279: {  	v11 =	vld.idx.msk [tilespmem:v11+s20+$0x0], $0xffff  }
0x27a: {  	v13 =	vld.idx.msk [tilespmem:v13+s21+$0x0], $0xffff  }
0x27b: {  	v14 =	vadd.s32 v7, v12;
	_ =	sdelay $0x3  }
0x27c: {  	(v2sf) =	vpush v11, $0x0;
	[tilespmem:s30+$0x0] =	vst v13  }
0x27d: {  	v11 =	vld.idx.msk [tilespmem:v14+s21+$0x0], $0xffff  }
0x27e: {  	v63 =	vadd.s32 v8, v12;
	_ =	sdelay $0x3  }
0x27f: {  	[tilespmem:s30+$0x10] =	vst v11  }
0x280: {  	v11 =	vld.idx.msk [tilespmem:v63+s21+$0x0], $0xffff  }
0x281: {  	v12 =	vadd.s32 v9, v12;
	_ =	sdelay $0x3  }
0x282: {  	[tilespmem:s30+$0x20] =	vst v11  }
0x283: {  	p2 =	sne.s32 s25, $0x2;
	v12 =	vld.idx.msk [tilespmem:v12+s21+$0x0], $0xffff  }
.Ltmp67:
0x284: {  	_ = 	snop;
	(pc) =	sbr.rel @!p2 .LBB2_75-.Ltmp67, $4  }
0x285: {  	s0 =	spop (v2sf);
	v11 =	vmov s3  }
0x286: {  	s4 =	sshll.u32 s0, $0x4  }
0x287: {  	p1 =	por $0x1, $0x1;
	s4 =	sand.u32 $0x1FFFFFF0, s4  }
0x288: {  	s0 =	simm.s32 $0x2;
	s4 =	sadd.s32 s7, s4;
	s3 =	simm.s32 $0x1C180;
	[tilespmem:s30+$0x30] =	vst v12  }
.LBB2_76:
0x289: {  	[hbm4b:s4+s5] =	stream.linear.scatter [tilespmem:s30], [sflag:$0x3], $0x80, $0x38;
	[tilespmem:$0x1F100] =	vst v63  }
0x28a: {  	s4 =	smov.u32 s0;
	s0 =	sadd.s32 $0x1, s0;
	s30 =	smov.u32 s3;
	v12 =	vld.idx.msk [tilespmem:v11+s19+$0x0], $0xffff  }
0x28b: {  	p2 =	sne.s32 s25, s0;
	_ =	sdelay $0x4  }
0x28c: {  	v13 =	vadd.s32 v6, v12;
	_ =	sdelay $0x4  }
0x28d: {  	v13 =	vld.idx.msk [tilespmem:v13+s21+$0x0], $0xffff;
	_ =	sdelay $0x1  }
0x28e: {  	v14 =	vadd.s32 v7, v12  }
0x28f: {  	v11 =	vld.idx.msk [tilespmem:v11+s20+$0x0], $0xffff;
	_ =	sdelay $0x2  }
0x290: {  	[tilespmem:s3+$0x0] =	vst v13  }
0x291: {  	v13 =	vld.idx.msk [tilespmem:v14+s21+$0x0], $0xffff;
	_ =	sdelay $0x1  }
0x292: {  	v14 =	vadd.s32 v8, v12;
	(v2sf) =	vpush v11, $0x0;
	_ =	sdelay $0x3  }
0x293: {  	[tilespmem:s3+$0x10] =	vst v13  }
0x294: {  	v11 =	vld.idx.msk [tilespmem:v14+s21+$0x0], $0xffff;
	_ =	sdelay $0x1  }
0x295: {  	v12 =	vadd.s32 v9, v12;
	_ =	sdelay $0x3  }
0x296: {  	[tilespmem:s3+$0x20] =	vst v11  }
0x297: {  	v12 =	vld.idx.msk [tilespmem:v12+s21+$0x0], $0xffff;
	_ =	sdelay $0x1  }
.Ltmp68:
0x298: {  	(pc) =	sbr.rel @p2 .LBB2_76-.Ltmp68, $4  }
0x299: {  	v11 =	vmov s4;
	s4 =	spop (v2sf)  }
0x29a: {  	s4 =	sshll.u32 s4, $0x4  }
0x29b: {  	s4 =	sand.u32 $0x1FFFFFF0, s4  }
0x29c: {  	s3 =	sadd.s32 $0x80, s3;
	[tilespmem:s30+$0x30] =	vst v12;
	s4 =	sadd.s32 s7, s4  }
0x29d: {  	s0 =	smov.u32 s30;
	s30 =	smov.u32 s3  }
.LBB2_78:
0x29e: {  	_ =	sdelay $0x2  }
0x29f: {  	[hbm4b:s4+s5] =	stream.linear.scatter @p1 [tilespmem:s0], [sflag:$0x3], $0x80, $0x38;
	[tilespmem:$0x1F100] =	vst v63  }
0x2a0: {  	v12 =	vld.idx.msk [tilespmem:v11+s19+$0x0], $0xffff;
	_ =	sdelay $0x4  }
0x2a1: {  	v13 =	vadd.s32 v6, v12;
	_ =	sdelay $0x3  }
0x2a2: {  	v11 =	vld.idx.msk [tilespmem:v11+s20+$0x0], $0xffff  }
0x2a3: {  	v13 =	vld.idx.msk [tilespmem:v13+s21+$0x0], $0xffff  }
0x2a4: {  	v14 =	vadd.s32 v7, v12;
	_ =	sdelay $0x3  }
0x2a5: {  	(v2sf) =	vpush v11, $0x0;
	[tilespmem:s30+$0x0] =	vst v13  }
0x2a6: {  	v11 =	vld.idx.msk [tilespmem:v14+s21+$0x0], $0xffff  }
0x2a7: {  	v63 =	vadd.s32 v8, v12;
	_ =	sdelay $0x3  }
0x2a8: {  	[tilespmem:s30+$0x10] =	vst v11  }
0x2a9: {  	v11 =	vld.idx.msk [tilespmem:v63+s21+$0x0], $0xffff  }
0x2aa: {  	v12 =	vadd.s32 v9, v12;
	_ =	sdelay $0x3  }
0x2ab: {  	[tilespmem:s30+$0x20] =	vst v11  }
0x2ac: {  	v11 =	vld.idx.msk [tilespmem:v12+s21+$0x0], $0xffff;
	_ =	sdelay $0x1  }
0x2ad: {  	s31 =	spop (v2sf)  }
0x2ae: {  	p1 =	sne.s32 s25, $0x1;
	s0 =	sshll.u32 s31, $0x4  }
.Ltmp69:
0x2af: {  	s0 =	sand.u32 $0x1FFFFFF0, s0;
	(pc) =	sbr.rel @!p1 .LBB2_80-.Ltmp69, $4  }
0x2b0: {  	s0 =	sadd.s32 s7, s0;
	[tilespmem:s30+$0x30] =	vst v11  }
0x2b1: {  	[hbm4b:s0+s5] =	stream.linear.scatter [tilespmem:s30], [sflag:$0x3], $0x80, $0x38;
	[tilespmem:$0x1F100] =	vst v63  }
0x2b2: {  	_ =	swait.ge [sflag:s18], $0x80  }
0x2b3: {  	s0 =	sadd.s32 $0xFFFFFFFF, s25;
	[sflag:s18] =	ssyncset.done $0x0  }
.LBB2_79:
0x2b4: {  	p1 =	sne.s32 s0, $0x1;
	s0 =	sadd.s32 $0xFFFFFFFF, s0;
	[sflag:s18] =	ssyncadd.s32 $0xFFFFFF80  }
.Ltmp70:
0x2b5: {  	(pc) =	sbr.rel @p1 .LBB2_79-.Ltmp70, $3  }
0x2b6: {  	_ =	sdelay $0x1  }
0x2b7: {  	_ =	swait.ge [sflag:s18], $0x80  }
0x2b8: {  	[sflag:s18] =	ssyncset.done $0x0  }
.Ltmp71:
0x2b9: {  	_ = 	snop;
	(pc) =	sbr.rel .LBB2_80-.Ltmp71, $1  }
0x2ba: {  	_ =	sdelay $0x3  }
.LBB2_70:
.Ltmp72:
0x2bb: {  	(pc) =	sbr.rel .LBB2_78-.Ltmp72, $2  }
0x2bc: {  	_ =	sdelay $0x2  }
0x2bd: {  	_ = 	snop  }
.LBB2_75:
.Ltmp73:
0x2be: {  	(pc) =	sbr.rel .LBB2_78-.Ltmp73, $2  }
0x2bf: {  	_ =	sdelay $0x2  }
0x2c0: {  	s0 =	simm.s32 $0x1C100;
	s30 =	simm.s32 $0x1C180  }
.LBB2_90:
0x2c1: {  	p1 =	slt.s32 s25, $0x1  }
.Ltmp74:
0x2c2: {  	_ = 	snop;
	(pc) =	sbr.rel @!p1 .LBB2_91-.Ltmp74, $4  }
.Ltmp75:
0x2c3: {  	_ = 	snop;
	(pc) =	sbr.rel @p1 .LBB2_94-.Ltmp75, $4  }
0x2c4: {  	_ = 	snop  }
0x2c5: {  	_ = 	snop  }
0x2c6: {  	_ = 	snop  }
0x2c7: {  	_ = 	snop  }
.LBB2_82:
0x2c8: {  	p1 =	slt.s32 s30, $0x1  }
.Ltmp76:
0x2c9: {  	_ = 	snop;
	(pc) =	sbr.rel @p1 .LBB2_94-.Ltmp76, $1  }
0x2ca: {  	_ =	sdelay $0x3  }
0x2cb: {  	p2 =	seq.s32 s30, $0x1  }
.Ltmp77:
0x2cc: {  	_ = 	snop;
	(pc) =	sbr.rel @p2 .LBB2_84-.Ltmp77, $3  }
0x2cd: {  	_ =	sdelay $0x1  }
0x2ce: {  	s0 =	simm.s32 $0x0  }
0x2cf: {  	s26 =	simm.s32 $0x1C100;
	s3 =	simm.s32 $0x1;
	p1 =	por $0x0, $0x0;
	v10 =	vmov s0  }
0x2d0: {  	_ =	sdelay $0x3  }
0x2d1: {  	v11 =	vld.idx.msk [tilespmem:v10+s19+$0x0], $0xffff;
	_ =	sdelay $0x4  }
0x2d2: {  	v12 =	vadd.s32 v6, v11;
	_ =	sdelay $0x3  }
0x2d3: {  	v10 =	vld.idx.msk [tilespmem:v10+s20+$0x0], $0xffff  }
0x2d4: {  	v12 =	vld.idx.msk [tilespmem:v12+s21+$0x0], $0xffff  }
0x2d5: {  	v13 =	vadd.s32 v7, v11;
	_ =	sdelay $0x3  }
0x2d6: {  	(v2sf) =	vpush v10, $0x0;
	[tilespmem:s26+$0x0] =	vst v12  }
0x2d7: {  	v10 =	vld.idx.msk [tilespmem:v13+s21+$0x0], $0xffff  }
0x2d8: {  	v63 =	vadd.s32 v8, v11;
	_ =	sdelay $0x3  }
0x2d9: {  	[tilespmem:s26+$0x10] =	vst v10  }
0x2da: {  	v10 =	vld.idx.msk [tilespmem:v63+s21+$0x0], $0xffff  }
0x2db: {  	v11 =	vadd.s32 v9, v11;
	_ =	sdelay $0x3  }
0x2dc: {  	[tilespmem:s26+$0x20] =	vst v10  }
0x2dd: {  	p2 =	seq.s32 s30, $0x2;
	v11 =	vld.idx.msk [tilespmem:v11+s21+$0x0], $0xffff  }
.Ltmp78:
0x2de: {  	_ = 	snop;
	(pc) =	sbr.rel @p2 .LBB2_86-.Ltmp78, $4  }
0x2df: {  	s0 =	spop (v2sf);
	v10 =	vmov s3  }
0x2e0: {  	s4 =	sshll.u32 s0, $0x4  }
0x2e1: {  	p1 =	por $0x1, $0x1;
	s4 =	sand.u32 $0x1FFFFFF0, s4  }
0x2e2: {  	s0 =	simm.s32 $0x2;
	s4 =	sadd.s32 s7, s4;
	s3 =	simm.s32 $0x1C180;
	[tilespmem:s26+$0x30] =	vst v11  }
.LBB2_87:
0x2e3: {  	[hbm4b:s4+s5] =	stream.linear.scatter [tilespmem:s26], [sflag:$0x3], $0x80, $0x38;
	[tilespmem:$0x1F100] =	vst v63  }
0x2e4: {  	s4 =	smov.u32 s0;
	s0 =	sadd.s32 $0x1, s0;
	s26 =	smov.u32 s3;
	v11 =	vld.idx.msk [tilespmem:v10+s19+$0x0], $0xffff  }
0x2e5: {  	p2 =	seq.s32 s30, s0;
	_ =	sdelay $0x4  }
0x2e6: {  	v12 =	vadd.s32 v6, v11;
	_ =	sdelay $0x4  }
0x2e7: {  	v12 =	vld.idx.msk [tilespmem:v12+s21+$0x0], $0xffff;
	_ =	sdelay $0x1  }
0x2e8: {  	v13 =	vadd.s32 v7, v11  }
0x2e9: {  	v10 =	vld.idx.msk [tilespmem:v10+s20+$0x0], $0xffff;
	_ =	sdelay $0x2  }
0x2ea: {  	[tilespmem:s3+$0x0] =	vst v12  }
0x2eb: {  	v12 =	vld.idx.msk [tilespmem:v13+s21+$0x0], $0xffff;
	_ =	sdelay $0x1  }
0x2ec: {  	v13 =	vadd.s32 v8, v11;
	(v2sf) =	vpush v10, $0x0;
	_ =	sdelay $0x3  }
0x2ed: {  	[tilespmem:s3+$0x10] =	vst v12  }
0x2ee: {  	v10 =	vld.idx.msk [tilespmem:v13+s21+$0x0], $0xffff;
	_ =	sdelay $0x1  }
0x2ef: {  	v11 =	vadd.s32 v9, v11;
	_ =	sdelay $0x3  }
0x2f0: {  	[tilespmem:s3+$0x20] =	vst v10  }
0x2f1: {  	v11 =	vld.idx.msk [tilespmem:v11+s21+$0x0], $0xffff;
	_ =	sdelay $0x1  }
.Ltmp79:
0x2f2: {  	(pc) =	sbr.rel @!p2 .LBB2_87-.Ltmp79, $4  }
0x2f3: {  	v10 =	vmov s4;
	s4 =	spop (v2sf)  }
0x2f4: {  	s4 =	sshll.u32 s4, $0x4  }
0x2f5: {  	s4 =	sand.u32 $0x1FFFFFF0, s4  }
0x2f6: {  	s3 =	sadd.s32 $0x80, s3;
	[tilespmem:s26+$0x30] =	vst v11;
	s4 =	sadd.s32 s7, s4  }
0x2f7: {  	s0 =	smov.u32 s26;
	s26 =	smov.u32 s3  }
.LBB2_89:
0x2f8: {  	_ =	sdelay $0x2  }
0x2f9: {  	[hbm4b:s4+s5] =	stream.linear.scatter @p1 [tilespmem:s0], [sflag:$0x3], $0x80, $0x38;
	[tilespmem:$0x1F100] =	vst v63  }
0x2fa: {  	v11 =	vld.idx.msk [tilespmem:v10+s19+$0x0], $0xffff;
	_ =	sdelay $0x4  }
0x2fb: {  	v12 =	vadd.s32 v6, v11;
	_ =	sdelay $0x3  }
0x2fc: {  	v10 =	vld.idx.msk [tilespmem:v10+s20+$0x0], $0xffff  }
0x2fd: {  	v12 =	vld.idx.msk [tilespmem:v12+s21+$0x0], $0xffff  }
0x2fe: {  	v13 =	vadd.s32 v7, v11;
	_ =	sdelay $0x3  }
0x2ff: {  	(v2sf) =	vpush v10, $0x0;
	[tilespmem:s26+$0x0] =	vst v12  }
0x300: {  	v10 =	vld.idx.msk [tilespmem:v13+s21+$0x0], $0xffff  }
0x301: {  	v63 =	vadd.s32 v8, v11;
	_ =	sdelay $0x3  }
0x302: {  	[tilespmem:s26+$0x10] =	vst v10  }
0x303: {  	v10 =	vld.idx.msk [tilespmem:v63+s21+$0x0], $0xffff  }
0x304: {  	v11 =	vadd.s32 v9, v11;
	_ =	sdelay $0x3  }
0x305: {  	[tilespmem:s26+$0x20] =	vst v10  }
0x306: {  	v10 =	vld.idx.msk [tilespmem:v11+s21+$0x0], $0xffff;
	_ =	sdelay $0x1  }
0x307: {  	s31 =	spop (v2sf)  }
0x308: {  	s0 =	sshll.u32 s31, $0x4  }
0x309: {  	s0 =	sand.u32 $0x1FFFFFF0, s0  }
0x30a: {  	s0 =	sadd.s32 s7, s0;
	[tilespmem:s26+$0x30] =	vst v10  }
0x30b: {  	[hbm4b:s0+s5] =	stream.linear.scatter [tilespmem:s26], [sflag:$0x3], $0x80, $0x38;
	[tilespmem:$0x1F100] =	vst v63  }
.LBB2_91:
0x30c: {  	p1 =	sne.s32 s25, $0x1  }
.Ltmp80:
0x30d: {  	_ = 	snop;
	(pc) =	sbr.rel @!p1 .LBB2_93-.Ltmp80, $3  }
0x30e: {  	_ =	sdelay $0x1  }
0x30f: {  	_ =	swait.ge [sflag:s18], $0x80  }
0x310: {  	s0 =	sadd.s32 $0xFFFFFFFF, s25;
	[sflag:s18] =	ssyncset.done $0x0  }
.LBB2_92:
0x311: {  	p1 =	sne.s32 s0, $0x1;
	s0 =	sadd.s32 $0xFFFFFFFF, s0;
	[sflag:s18] =	ssyncadd.s32 $0xFFFFFF80  }
.Ltmp81:
0x312: {  	(pc) =	sbr.rel @p1 .LBB2_92-.Ltmp81, $3  }
0x313: {  	_ =	sdelay $0x1  }
0x314: {  	_ =	swait.ge [sflag:s18], $0x80  }
0x315: {  	[sflag:s18] =	ssyncset.done $0x0  }
.Ltmp82:
0x316: {  	_ = 	snop;
	(pc) =	sbr.rel .LBB2_93-.Ltmp82, $1  }
0x317: {  	_ =	sdelay $0x3  }
.LBB2_84:
.Ltmp83:
0x318: {  	(pc) =	sbr.rel .LBB2_89-.Ltmp83, $2  }
0x319: {  	_ =	sdelay $0x2  }
0x31a: {  	_ = 	snop  }
.LBB2_86:
.Ltmp84:
0x31b: {  	(pc) =	sbr.rel .LBB2_89-.Ltmp84, $2  }
0x31c: {  	_ =	sdelay $0x2  }
0x31d: {  	s0 =	simm.s32 $0x1C100;
	s26 =	simm.s32 $0x1C180  }
.LBB2_95:
0x31e: {  	_ =	sfence.sel $0x180000  }
0x31f: {  	[bflag:$0x0] =	sbarrier.arrive $0xFFFF  }
0x320: {  	_ =	strace $0x90000047  }
0x321: {  	s0 =	stileid.u32;
	[bflag:$0x2] =	sbarrier.arrive $0xFFFF  }
0x322: {  	p0 =	sne.s32 s0, $0x0;
	s0 =	rddreg [dreg:$0x3]  }
0x323: {  	s0 =	sadd.s32 @!p0 $0x100000, s0  }
0x324: {  	[sflag:s0] =	ssyncadd.tile.s32 @!p0 $0x1;
	_ =	shalt  }
.Lfunc_end2:
_tile_overlayer_lowered:
.L_overlay_start_2:
0x325: {  	(tag) =	ssettag $0x2  }
0x326: {  	s0 =	rddreg [dreg:$0x0];
	s2 =	stileid.u32  }
0x327: {  	s1 =	rddreg [dreg:$0x1];
	p0 =	sne.s32 s2, $0x0  }
0x328: {  	s3 =	rddreg [dreg:$0x2];
	[bflag:$0x3] =	sbarrier.arrive $0xFFFF;
	s2 =	simm.s32 @!p0 $0x1C04  }
0x329: {  	[timem:s3], [sflag:s2] =	dma.local @!p0 [hbm:s0], s1  }
0x32a: {  	s0 =	simm.s32 @!p0 $0x4  }
0x32b: {  	_ =	swait.ge @!p0 [sflag:s0], s1  }
0x32c: {  	s1 =	ssub.s32 @!p0 $0x0, s1;
	[sflag:s0] =	ssyncset.done @!p0 $0x0  }
0x32d: {  	[sflag:s0] =	ssyncadd.s32 @!p0 s1  }
0x32e: {  	[bflag:$0x3] =	sbarrier.arrive $0xFFFF  }
0x32f: {  	_ =	shalt  }

</sc_bundles>
